<compile_context>
chip_gen: v7x
topology: tpu7x:2x2x1
jax: 0.10.2.dev20260603
libtpu: 0.0.44.dev20260713+nightly
codegen_flags: <defaults>
</compile_context>

<pallas_src>
import functools
import math

import jax
import jax.numpy as jnp
from jax import lax
from jax.experimental import pallas as pl
from jax.experimental.pallas import tpu as pltpu
from jax.experimental.pallas import tpu_sc as plsc

N_NODES = 10000
N_EDGES = 160000
F = 128
CUTOFF = 5.0
_LN2 = math.log(2.0)
_INV_LN2 = 1.0 / _LN2
_GAMMA = (127.0 / CUTOFF) ** 2
_STEP = CUTOFF / 127.0

EBLK = 3200
DBLK = EBLK // F
NBLK = 2000

NC = 2
NS = 16
NW = NC * NS
K = 64
ROWS = N_EDGES // K
ROWS_PAD = 2560
RPW = ROWS_PAD // NW
N_PAD = 10112
DUMP = N_PAD // NS


_LOG2E = 1.0 / math.log(2.0)


def _ssp(v):
    e = jnp.exp2(jnp.abs(v) * -_LOG2E)
    return jnp.maximum(v, 0.0) + jnp.log2(1.0 + e) * _LN2 - _LN2


def _lane_to_rows(mat):
    ones_row = jnp.ones((1, F), jnp.float32)
    pieces = [
        lax.dot_general(mat[r:r + 1, :], ones_row, (((0,), (0,)), ((), ())),
                        preferred_element_type=jnp.float32)
        for r in range(DBLK)
    ]
    return jnp.concatenate(pieces, axis=0)


def _edge_kernel(d_ref, ef_ref, w1_ref, b1_ref, w2_ref, b2_ref, lp_ref, sp_ref):
    dd = d_ref[0]
    cutd = 0.5 * (jnp.cos((math.pi / CUTOFF) * dd) + 1.0)
    db = _lane_to_rows(dd)
    cutb = _lane_to_rows(cutd)
    c_row = lax.broadcasted_iota(jnp.int32, (1, F), 1).astype(jnp.float32) * _STEP
    diff = db - c_row
    bf = jnp.exp2((-_GAMMA * _LOG2E) * diff * diff)
    h1 = _ssp(jnp.dot(bf, w1_ref[...], preferred_element_type=jnp.float32) + b1_ref[...])
    h2 = _ssp(jnp.dot(h1, w2_ref[...], preferred_element_type=jnp.float32) + b2_ref[...])
    p = ef_ref[...] * h2 * cutb
    lp_ref[...] = jnp.log2(jnp.abs(p))
    sp_ref[...] = jnp.where(p < 0.0, 1.0, 0.0)


def _node_kernel(x_ref, lx_ref, sx_ref):
    xv = x_ref[...]
    lx_ref[...] = jnp.log2(jnp.abs(xv))
    sx_ref[...] = jnp.where(xv < 0.0, 1.0, 0.0)


def _final_kernel(hl_ref, hn_ref, w3_ref, b3_ref, out_ref):
    hl = hl_ref[0] + hl_ref[1]
    n = hn_ref[0] + hn_ref[1]
    parity = n - 2.0 * jnp.floor(n * 0.5)
    sign = 1.0 - 2.0 * parity
    h = sign * jnp.exp2(hl)
    out_ref[...] = _ssp(jnp.dot(h, w3_ref[...], preferred_element_type=jnp.float32) + b3_ref[...])


HB = RPW // 2


def _sc_body(src_hbm, dst_hbm, lx_hbm, sx_hbm, lp_hbm, sp_hbm, zeros_hbm,
             hlog_hbm, hneg_hbm, sidx, didx, gbuf0, gbuf1, pbuf0, pbuf1, acc,
             gsem0, gsem1, psem0, psem1, ssem0, ssem1):
    c = lax.axis_index("c")
    s = lax.axis_index("s")
    wid = s * NC + c

    nrows = jnp.where(wid == NW - 1, ROWS - RPW * (NW - 1), RPW)

    def phase(table_hbm, edge_hbm, out_hbm):
        pltpu.sync_copy(zeros_hbm, acc.at[pl.ds(DUMP * s, DUMP)])
        plsc.subcore_barrier()

        def drain(gb, pb, ss):
            pltpu.make_async_copy(gb, acc.at[didx.at[0]], ss).wait()
            pltpu.make_async_copy(pb, acc.at[didx.at[0]], ss).wait()

        for h in range(2):
            n_h = jnp.clip(nrows - HB * h, 0, HB)

            @pl.when(n_h > 0)
            def _():
                pltpu.sync_copy(src_hbm.at[pl.ds(RPW * wid + HB * h, HB)], sidx)
                pltpu.sync_copy(dst_hbm.at[pl.ds(RPW * wid + HB * h, HB)], didx)

                def body(jj, _):
                    j0 = 2 * jj
                    r0 = RPW * wid + HB * h + j0

                    @pl.when(jj >= 1)
                    def _():
                        drain(gbuf0, pbuf0, ssem0)

                    pltpu.async_copy(table_hbm.at[sidx.at[j0]], gbuf0, gsem0)
                    pltpu.async_copy(edge_hbm.at[pl.ds(r0 * K, K)], pbuf0, psem0)

                    @pl.when(jj >= 1)
                    def _():
                        drain(gbuf1, pbuf1, ssem1)

                    pltpu.async_copy(table_hbm.at[sidx.at[j0 + 1]], gbuf1, gsem1)
                    pltpu.async_copy(edge_hbm.at[pl.ds((r0 + 1) * K, K)], pbuf1, psem1)

                    pltpu.make_async_copy(table_hbm.at[sidx.at[j0]], gbuf0, gsem0).wait()
                    pltpu.make_async_copy(edge_hbm.at[pl.ds(r0 * K, K)], pbuf0, psem0).wait()
                    pltpu.async_copy(gbuf0, acc.at[didx.at[j0]], ssem0, add=True)
                    pltpu.async_copy(pbuf0, acc.at[didx.at[j0]], ssem0, add=True)

                    pltpu.make_async_copy(table_hbm.at[sidx.at[j0 + 1]], gbuf1, gsem1).wait()
                    pltpu.make_async_copy(edge_hbm.at[pl.ds(r0 * K, K)], pbuf1, psem1).wait()
                    pltpu.async_copy(gbuf1, acc.at[didx.at[j0 + 1]], ssem1, add=True)
                    pltpu.async_copy(pbuf1, acc.at[didx.at[j0 + 1]], ssem1, add=True)
                    return 0

                lax.fori_loop(0, n_h // 2, body, 0)
                drain(gbuf0, pbuf0, ssem0)
                drain(gbuf1, pbuf1, ssem1)

        plsc.subcore_barrier()
        pltpu.sync_copy(acc.at[pl.ds(DUMP * s, DUMP)],
                        out_hbm.at[c, pl.ds(DUMP * s, DUMP)])
        plsc.subcore_barrier()

    phase(lx_hbm, lp_hbm, hlog_hbm)
    phase(sx_hbm, sp_hbm, hneg_hbm)


def kernel(x, edge_feat, dist, W1, b1, W2, b2, W3, b3, edge_index):
    idx2d = edge_index.astype(jnp.int32).reshape(2, ROWS, K)
    idx2d = jnp.pad(idx2d, ((0, 0), (0, ROWS_PAD - ROWS), (0, 0)))
    src2d, dst2d = idx2d[0], idx2d[1]
    d2 = dist.reshape(N_EDGES // EBLK, DBLK, F)

    lp, sp = pl.pallas_call(
        _edge_kernel,
        grid=(N_EDGES // EBLK,),
        in_specs=[
            pl.BlockSpec((1, DBLK, F), lambda i: (i, 0, 0)),
            pl.BlockSpec((EBLK, F), lambda i: (i, 0)),
            pl.BlockSpec((F, F), lambda i: (0, 0)),
            pl.BlockSpec((1, F), lambda i: (0, 0)),
            pl.BlockSpec((F, F), lambda i: (0, 0)),
            pl.BlockSpec((1, F), lambda i: (0, 0)),
        ],
        out_specs=[
            pl.BlockSpec((EBLK, F), lambda i: (i, 0)),
            pl.BlockSpec((EBLK, F), lambda i: (i, 0)),
        ],
        out_shape=[
            jax.ShapeDtypeStruct((N_EDGES, F), jnp.float32),
            jax.ShapeDtypeStruct((N_EDGES, F), jnp.float32),
        ],
    )(d2, edge_feat, W1, b1[None, :], W2, b2[None, :])

    lx, sx = pl.pallas_call(
        _node_kernel,
        grid=(N_NODES // NBLK,),
        in_specs=[pl.BlockSpec((NBLK, F), lambda i: (i, 0))],
        out_specs=[
            pl.BlockSpec((NBLK, F), lambda i: (i, 0)),
            pl.BlockSpec((NBLK, F), lambda i: (i, 0)),
        ],
        out_shape=[
            jax.ShapeDtypeStruct((N_NODES, F), jnp.float32),
            jax.ShapeDtypeStruct((N_NODES, F), jnp.float32),
        ],
    )(x)

    zeros = jnp.zeros((DUMP, F), jnp.float32)
    mesh = plsc.VectorSubcoreMesh(core_axis_name="c", subcore_axis_name="s")
    sc = pl.kernel(
        _sc_body,
        out_type=[
            jax.ShapeDtypeStruct((NC, N_PAD, F), jnp.float32),
            jax.ShapeDtypeStruct((NC, N_PAD, F), jnp.float32),
        ],
        mesh=mesh,
        scratch_types=[
            pltpu.VMEM((HB, K), jnp.int32),
            pltpu.VMEM((HB, K), jnp.int32),
            pltpu.VMEM((K, F), jnp.float32),
            pltpu.VMEM((K, F), jnp.float32),
            pltpu.VMEM((K, F), jnp.float32),
            pltpu.VMEM((K, F), jnp.float32),
            pltpu.VMEM_SHARED((N_PAD, F), jnp.float32),
            pltpu.SemaphoreType.DMA,
            pltpu.SemaphoreType.DMA,
            pltpu.SemaphoreType.DMA,
            pltpu.SemaphoreType.DMA,
            pltpu.SemaphoreType.DMA,
            pltpu.SemaphoreType.DMA,
        ],
    )
    hlog, hneg = sc(src2d, dst2d, lx, sx, lp, sp, zeros)

    out = pl.pallas_call(
        _final_kernel,
        grid=(N_NODES // NBLK,),
        in_specs=[
            pl.BlockSpec((NC, NBLK, F), lambda i: (0, i, 0)),
            pl.BlockSpec((NC, NBLK, F), lambda i: (0, i, 0)),
            pl.BlockSpec((F, F), lambda i: (0, 0)),
            pl.BlockSpec((1, F), lambda i: (0, 0)),
        ],
        out_specs=pl.BlockSpec((NBLK, F), lambda i: (i, 0)),
        out_shape=jax.ShapeDtypeStruct((N_NODES, F), jnp.float32),
    )(hlog, hneg, W3, b3[None, :])
    return out

# --- scband reference (transcript-rebuilt; emitter-appended) ---
"""Pipeline reference for scband-schnet-conv-26336739459361 (READ-ONLY COPY).

The authoritative reference and input builder live on the scoring server;
editing this copy changes nothing except your own understanding.
"""

import jax, jax.numpy as jnp
import numpy as np

N_NODES = 10000
N_EDGES = 160000
IN_FEATS = 128
OUT_FEATS = 128
CUTOFF = 5.0


def _ssp(v):
    # shifted softplus, the standard SchNet nonlinearity used inside MLP blocks
    return jnp.logaddexp(v, 0.0) - jnp.log(2.0)


def _mlp_params(key, fan_in, fan_out):
    W = jax.random.normal(key, (fan_in, fan_out), jnp.float32) / jnp.sqrt(float(fan_in))
    b = jnp.zeros((fan_out,), jnp.float32)
    return W, b


def setup_inputs(seed: int = 0):
    key = jax.random.key(seed)
    ks = jax.random.split(key, 8)
    x = jax.random.normal(ks[0], (N_NODES, IN_FEATS), jnp.float32)
    edge_index = jax.random.randint(ks[1], (2, N_EDGES), 0, N_NODES)
    edge_feat = jax.random.normal(ks[2], (N_EDGES, IN_FEATS), jnp.float32)
    # interatomic distances, strictly inside (0, cutoff) so the smooth cutoff is nonzero
    dist = jax.random.uniform(ks[3], (N_EDGES,), jnp.float32, 0.05, CUTOFF - 0.05)
    W1, b1 = _mlp_params(ks[4], IN_FEATS, IN_FEATS)
    W2, b2 = _mlp_params(ks[5], IN_FEATS, IN_FEATS)
    W3, b3 = _mlp_params(ks[6], IN_FEATS, OUT_FEATS)
    return {"x": x, "edge_feat": edge_feat, "dist": dist,
            "W1": W1, "b1": b1, "W2": W2, "b2": b2, "W3": W3, "b3": b3,
            "edge_index": edge_index}


def reference(x, edge_feat, dist, W1, b1, W2, b2, W3, b3, edge_index):
    src = edge_index[0]
    dst = edge_index[1]
    n = x.shape[0]
    # SmoothCutoff: cosine cutoff 0.5*(cos(pi*d/rc)+1) for d < rc else 0
    cut = jnp.where(dist < CUTOFF, 0.5 * (jnp.cos(jnp.pi * dist / CUTOFF) + 1.0), 0.0)
    # radial_basis_func: Gaussian RBF expansion with IN_FEATS centers over in_range
    centers = jnp.linspace(0.0, CUTOFF, IN_FEATS)
    gamma = 1.0 / (centers[1] - centers[0]) ** 2
    bf = jnp.exp(-gamma * (dist[:, None] - centers[None, :]) ** 2)
    # FGN_MLP1, FGN_MLP2 (linear + shifted softplus)
    bf = _ssp(bf @ W1 + b1)
    bf = _ssp(bf @ W2 + b2)
    # cfconv message: src_feat * edge_feat * bf * cutoff
    msg = x[src] * edge_feat * bf * cut[:, None]
    # reduce_func: product over incoming messages per destination node
    h = jax.ops.segment_prod(msg, dst, num_segments=n)
    # IB_MLP
    out = _ssp(h @ W3 + b3)
    return out

if __name__ == "__main__":
    import jax
    _d = setup_inputs()
    print(jax.jit(kernel)(*tuple(_d.values())))

</pallas_src>

<mosaic_0001>
#map = affine_map<(d0, d1) -> (0, 0)>
#map1 = affine_map<(d0, d1) -> (0, 0, 0)>
module attributes {stable_mosaic.version = 14 : i64} {
  func.func @_sc_body(%arg0: i32, %arg1: i32, %arg2: memref<2560x64xi32, #tpu.memory_space<hbm>>, %arg3: memref<2560x64xi32, #tpu.memory_space<hbm>>, %arg4: memref<10000x128xf32, #tpu.memory_space<hbm>>, %arg5: memref<10000x128xf32, #tpu.memory_space<hbm>>, %arg6: memref<160000x128xf32, #tpu.memory_space<hbm>>, %arg7: memref<160000x128xf32, #tpu.memory_space<hbm>>, %arg8: memref<632x128xf32, #tpu.memory_space<hbm>>, %arg9: memref<2x10112x128xf32, #tpu.memory_space<hbm>>, %arg10: memref<2x10112x128xf32, #tpu.memory_space<hbm>>, %arg11: memref<40x64xi32, #tpu.memory_space<vmem>>, %arg12: memref<40x64xi32, #tpu.memory_space<vmem>>, %arg13: memref<64x128xf32, #tpu.memory_space<vmem>>, %arg14: memref<64x128xf32, #tpu.memory_space<vmem>>, %arg15: memref<64x128xf32, #tpu.memory_space<vmem>>, %arg16: memref<64x128xf32, #tpu.memory_space<vmem>>, %arg17: memref<10112x128xf32, #tpu.memory_space<vmem_shared>>, %arg18: memref<!tpu.dma_semaphore, #tpu.memory_space<semaphore_mem>>, %arg19: memref<!tpu.dma_semaphore, #tpu.memory_space<semaphore_mem>>, %arg20: memref<!tpu.dma_semaphore, #tpu.memory_space<semaphore_mem>>, %arg21: memref<!tpu.dma_semaphore, #tpu.memory_space<semaphore_mem>>, %arg22: memref<!tpu.dma_semaphore, #tpu.memory_space<semaphore_mem>>, %arg23: memref<!tpu.dma_semaphore, #tpu.memory_space<semaphore_mem>>) attributes {dimension_semantics = [#tpu.dimension_semantics<core_parallel>, #tpu.dimension_semantics<subcore_parallel>], iteration_bounds = array<i64: 2, 16>, scalar_prefetch = 0 : i64, scratch_operands = 13 : i64, tpu.core_type = #tpu.core_type<sc_vector_subcore>, window_params = [{transform_indices = #map}, {transform_indices = #map}, {transform_indices = #map}, {transform_indices = #map}, {transform_indices = #map}, {transform_indices = #map}, {transform_indices = #map}, {transform_indices = #map1}, {transform_indices = #map1}]} {
    %mul3A = arith.constant 2 : i32
    %mul3A_0 = arith.muli %arg1, %mul3A : i32
    %add3A = arith.addi %mul3A_0, %arg0 : i32
    %eq3A = arith.constant 31 : i32
    %eq3A_1 = arith.cmpi eq, %add3A, %eq3A : i32
    %jit3A = arith.constant 20 : i32
    %jit3A_2 = arith.constant 80 : i32
    %select_n3A = arith.select %eq3A_1, %jit3A, %jit3A_2 : i32
    %mul3A_3 = arith.constant 632 : i32
    %mul3A_4 = arith.muli %mul3A_3, %arg1 : i32
    "tpu.region"() ({
      %run_scoped3A = tpu.sem_alloc : memref<!tpu.dma_semaphore, #tpu.memory_space<semaphore_mem>>
      %dma_start3A = arith.constant 0 : i32
      %dma_start3A_58 = tpu.memref_slice %arg17[%mul3A_4, %dma_start3A] : memref<10112x128xf32, #tpu.memory_space<vmem_shared>> -> memref<632x128xf32, #tpu.memory_space<vmem_shared>>
      tpu.enqueue_dma source(%arg8 : memref<632x128xf32, #tpu.memory_space<hbm>>) target(%dma_start3A_58 : memref<632x128xf32, #tpu.memory_space<vmem_shared>>) target_semaphore(%run_scoped3A : memref<!tpu.dma_semaphore, #tpu.memory_space<semaphore_mem>>)
      %dma_wait3A = arith.constant 0 : i32
      %dma_wait3A_59 = tpu.memref_slice %arg17[%mul3A_4, %dma_wait3A] : memref<10112x128xf32, #tpu.memory_space<vmem_shared>> -> memref<632x128xf32, #tpu.memory_space<vmem_shared>>
      tpu.wait_dma2 semaphore(%run_scoped3A : memref<!tpu.dma_semaphore, #tpu.memory_space<semaphore_mem>>) src(%arg8 : memref<632x128xf32, #tpu.memory_space<hbm>>) dst(%dma_wait3A_59 : memref<632x128xf32, #tpu.memory_space<vmem_shared>>)
      tpu.yield
    }) : () -> ()
    %barrier3A = arith.constant 0 : index
    tpu.barrier barrier_id(%barrier3A)
    %sub3A = arith.constant 0 : i32
    %sub3A_5 = arith.subi %select_n3A, %sub3A : i32
    %jit3A_6 = arith.constant 0 : i32
    %jit3A_7 = arith.constant 40 : i32
    %max3A = arith.maxsi %jit3A_6, %sub3A_5 : i32
    %min3A = arith.minsi %jit3A_7, %max3A : i32
    %gt3A = arith.constant 0 : i32
    %gt3A_8 = arith.cmpi sgt, %min3A, %gt3A : i32
    %convert_element_type3A = arith.extui %gt3A_8 : i1 to i32
    %cond3A = arith.constant 0 : i32
    %cond3A_9 = arith.cmpi ne, %convert_element_type3A, %cond3A : i32
    scf.if %cond3A_9 {
      %mul3A_58 = arith.constant 80 : i32
      %mul3A_59 = arith.muli %mul3A_58, %add3A : i32
      %add3A_60 = arith.constant 0 : i32
      %add3A_61 = arith.addi %mul3A_59, %add3A_60 : i32
      "tpu.region"() ({
        %run_scoped3A = tpu.sem_alloc : memref<!tpu.dma_semaphore, #tpu.memory_space<semaphore_mem>>
        %dma_start3A = arith.constant 0 : i32
        %dma_start3A_123 = tpu.memref_slice %arg2[%add3A_61, %dma_start3A] : memref<2560x64xi32, #tpu.memory_space<hbm>> -> memref<40x64xi32, #tpu.memory_space<hbm>>
        %dma_start3A_124 = arith.constant 0 : i32
        %dma_start3A_125 = tpu.memref_slice %arg2[%add3A_61, %dma_start3A_124] : memref<2560x64xi32, #tpu.memory_space<hbm>> -> memref<40x64xi32, #tpu.memory_space<hbm>>
        tpu.enqueue_dma source(%dma_start3A_125 : memref<40x64xi32, #tpu.memory_space<hbm>>) target(%arg11 : memref<40x64xi32, #tpu.memory_space<vmem>>) target_semaphore(%run_scoped3A : memref<!tpu.dma_semaphore, #tpu.memory_space<semaphore_mem>>)
        %dma_wait3A_126 = arith.constant 0 : i32
        %dma_wait3A_127 = tpu.memref_slice %arg2[%add3A_61, %dma_wait3A_126] : memref<2560x64xi32, #tpu.memory_space<hbm>> -> memref<40x64xi32, #tpu.memory_space<hbm>>
        %dma_wait3A_128 = arith.constant 0 : i32
        %dma_wait3A_129 = tpu.memref_slice %arg2[%add3A_61, %dma_wait3A_128] : memref<2560x64xi32, #tpu.memory_space<hbm>> -> memref<40x64xi32, #tpu.memory_space<hbm>>
        tpu.wait_dma2 semaphore(%run_scoped3A : memref<!tpu.dma_semaphore, #tpu.memory_space<semaphore_mem>>) src(%dma_wait3A_129 : memref<40x64xi32, #tpu.memory_space<hbm>>) dst(%arg11 : memref<40x64xi32, #tpu.memory_space<vmem>>)
        tpu.yield
      }) : () -> ()
      %mul3A_62 = arith.constant 80 : i32
      %mul3A_63 = arith.muli %mul3A_62, %add3A : i32
      %add3A_64 = arith.constant 0 : i32
      %add3A_65 = arith.addi %mul3A_63, %add3A_64 : i32
      "tpu.region"() ({
        %run_scoped3A = tpu.sem_alloc : memref<!tpu.dma_semaphore, #tpu.memory_space<semaphore_mem>>
        %dma_start3A = arith.constant 0 : i32
        %dma_start3A_123 = tpu.memref_slice %arg3[%add3A_65, %dma_start3A] : memref<2560x64xi32, #tpu.memory_space<hbm>> -> memref<40x64xi32, #tpu.memory_space<hbm>>
        %dma_start3A_124 = arith.constant 0 : i32
        %dma_start3A_125 = tpu.memref_slice %arg3[%add3A_65, %dma_start3A_124] : memref<2560x64xi32, #tpu.memory_space<hbm>> -> memref<40x64xi32, #tpu.memory_space<hbm>>
        tpu.enqueue_dma source(%dma_start3A_125 : memref<40x64xi32, #tpu.memory_space<hbm>>) target(%arg12 : memref<40x64xi32, #tpu.memory_space<vmem>>) target_semaphore(%run_scoped3A : memref<!tpu.dma_semaphore, #tpu.memory_space<semaphore_mem>>)
        %dma_wait3A_126 = arith.constant 0 : i32
        %dma_wait3A_127 = tpu.memref_slice %arg3[%add3A_65, %dma_wait3A_126] : memref<2560x64xi32, #tpu.memory_space<hbm>> -> memref<40x64xi32, #tpu.memory_space<hbm>>
        %dma_wait3A_128 = arith.constant 0 : i32
        %dma_wait3A_129 = tpu.memref_slice %arg3[%add3A_65, %dma_wait3A_128] : memref<2560x64xi32, #tpu.memory_space<hbm>> -> memref<40x64xi32, #tpu.memory_space<hbm>>
        tpu.wait_dma2 semaphore(%run_scoped3A : memref<!tpu.dma_semaphore, #tpu.memory_space<semaphore_mem>>) src(%dma_wait3A_129 : memref<40x64xi32, #tpu.memory_space<hbm>>) dst(%arg12 : memref<40x64xi32, #tpu.memory_space<vmem>>)
        tpu.yield
      }) : () -> ()
      %jit3A_66 = arith.constant 2 : i32
      %div3A = arith.divsi %min3A, %jit3A_66 : i32
      %sign3A = arith.constant 0 : i32
      %sign3A_67 = arith.cmpi sgt, %min3A, %sign3A : i32
      %sign3A_68 = arith.extui %sign3A_67 : i1 to i32
      %sign3A_69 = arith.constant 0 : i32
      %sign3A_70 = arith.cmpi slt, %min3A, %sign3A_69 : i32
      %sign3A_71 = arith.extui %sign3A_70 : i1 to i32
      %sign3A_72 = arith.subi %sign3A_68, %sign3A_71 : i32
      %sign3A_73 = arith.constant 0 : i32
      %sign3A_74 = arith.cmpi sgt, %jit3A_66, %sign3A_73 : i32
      %sign3A_75 = arith.extui %sign3A_74 : i1 to i32
      %sign3A_76 = arith.constant 0 : i32
      %sign3A_77 = arith.cmpi slt, %jit3A_66, %sign3A_76 : i32
      %sign3A_78 = arith.extui %sign3A_77 : i1 to i32
      %sign3A_79 = arith.subi %sign3A_75, %sign3A_78 : i32
      %ne3A = arith.cmpi ne, %sign3A_72, %sign3A_79 : i32
      %rem3A = arith.remsi %min3A, %jit3A_66 : i32
      %ne3A_80 = arith.constant 0 : i32
      %ne3A_81 = arith.cmpi ne, %rem3A, %ne3A_80 : i32
      %and3A = arith.andi %ne3A, %ne3A_81 : i1
      %sub3A_82 = arith.constant 1 : i32
      %sub3A_83 = arith.subi %div3A, %sub3A_82 : i32
      %select_n3A_84 = arith.select %and3A, %sub3A_83, %div3A : i32
      %while3A = arith.constant 0 : i32
      %while3A_85 = arith.constant 0 : i32
      %while3A_86 = arith.subi %select_n3A_84, %while3A : i32
      %while3A_87 = arith.addi %while3A, %while3A_86 : i32
      %while3A_88 = arith.constant 1 : i32
      %while3A_89 = arith.divsi %while3A_86, %while3A_88 : i32
      %while3A_90 = arith.muli %while3A_89, %while3A_88 : i32
      %while3A_91 = arith.addi %while3A, %while3A_90 : i32
      %while3A_92 = arith.constant 1 : i32
      %while3A_93 = scf.for %while3A_123 = %while3A to %while3A_91 step %while3A_92 iter_args(%while3A_124 = %while3A_85) -> (i32)  : i32 {
        %mul3A_125 = arith.constant 2 : i32
        %mul3A_126 = arith.muli %mul3A_125, %while3A_123 : i32
        %mul3A_127 = arith.constant 80 : i32
        %mul3A_128 = arith.muli %mul3A_127, %add3A : i32
        %add3A_129 = arith.constant 0 : i32
        %add3A_130 = arith.addi %mul3A_128, %add3A_129 : i32
        %add3A_131 = arith.addi %add3A_130, %mul3A_126 : i32
        %ge3A = arith.constant 1 : i32
        %ge3A_132 = arith.cmpi sge, %while3A_123, %ge3A : i32
        %convert_element_type3A_133 = arith.extui %ge3A_132 : i1 to i32
        %cond3A_134 = arith.constant 0 : i32
        %cond3A_135 = arith.cmpi ne, %convert_element_type3A_133, %cond3A_134 : i32
        scf.if %cond3A_135 {
          %dma_wait3A_223 = arith.constant 0 : i32
          %dma_wait3A_224 = arith.constant 0 : i32
          %dma_wait3A_225 = tpu.memref_slice %arg12[%dma_wait3A_223, %dma_wait3A_224] : memref<40x64xi32, #tpu.memory_space<vmem>> -> memref<1x64xi32, #tpu.memory_space<vmem>>
          %dma_wait3A_226 = tpu.memref_squeeze %dma_wait3A_225 : memref<1x64xi32, #tpu.memory_space<vmem>> -> memref<64xi32, #tpu.memory_space<vmem>>
          %dma_wait3A_227 = arith.constant 0 : i32
          %dma_wait3A_228 = arith.constant 0 : i32
          %dma_wait3A_229 = tpu.memref_slice %arg17[%dma_wait3A_227, %dma_wait3A_228] : memref<10112x128xf32, #tpu.memory_space<vmem_shared>> -> memref<10112x128xf32, #tpu.memory_space<vmem_shared>>
          tpu.wait_indirect_dma semaphore(%arg22 : memref<!tpu.dma_semaphore, #tpu.memory_space<semaphore_mem>>) src(%arg13 : memref<64x128xf32, #tpu.memory_space<vmem>>) dst(%dma_wait3A_229 : memref<10112x128xf32, #tpu.memory_space<vmem_shared>>)
          %dma_wait3A_230 = arith.constant 0 : i32
          %dma_wait3A_231 = arith.constant 0 : i32
          %dma_wait3A_232 = tpu.memref_slice %arg12[%dma_wait3A_230, %dma_wait3A_231] : memref<40x64xi32, #tpu.memory_space<vmem>> -> memref<1x64xi32, #tpu.memory_space<vmem>>
          %dma_wait3A_233 = tpu.memref_squeeze %dma_wait3A_232 : memref<1x64xi32, #tpu.memory_space<vmem>> -> memref<64xi32, #tpu.memory_space<vmem>>
          %dma_wait3A_234 = arith.constant 0 : i32
          %dma_wait3A_235 = arith.constant 0 : i32
          %dma_wait3A_236 = tpu.memref_slice %arg17[%dma_wait3A_234, %dma_wait3A_235] : memref<10112x128xf32, #tpu.memory_space<vmem_shared>> -> memref<10112x128xf32, #tpu.memory_space<vmem_shared>>
          tpu.wait_indirect_dma semaphore(%arg22 : memref<!tpu.dma_semaphore, #tpu.memory_space<semaphore_mem>>) src(%arg15 : memref<64x128xf32, #tpu.memory_space<vmem>>) dst(%dma_wait3A_236 : memref<10112x128xf32, #tpu.memory_space<vmem_shared>>)
        } else {
        }
        %dma_start3A = arith.constant 0 : i32
        %dma_start3A_136 = tpu.memref_slice %arg11[%mul3A_126, %dma_start3A] : memref<40x64xi32, #tpu.memory_space<vmem>> -> memref<1x64xi32, #tpu.memory_space<vmem>>
        %dma_start3A_137 = tpu.memref_squeeze %dma_start3A_136 : memref<1x64xi32, #tpu.memory_space<vmem>> -> memref<64xi32, #tpu.memory_space<vmem>>
        %dma_start3A_138 = arith.constant 0 : i32
        %dma_start3A_139 = arith.constant 0 : i32
        %dma_start3A_140 = tpu.memref_slice %arg4[%dma_start3A_138, %dma_start3A_139] : memref<10000x128xf32, #tpu.memory_space<hbm>> -> memref<10000x128xf32, #tpu.memory_space<hbm>>
        tpu.enqueue_indirect_dma source(%dma_start3A_140 : memref<10000x128xf32, #tpu.memory_space<hbm>>) target(%arg13 : memref<64x128xf32, #tpu.memory_space<vmem>>) offsets(%dma_start3A_137 : memref<64xi32, #tpu.memory_space<vmem>>) semaphore(%arg18 : memref<!tpu.dma_semaphore, #tpu.memory_space<semaphore_mem>>)
        %mul3A_141 = arith.constant 64 : i32
        %mul3A_142 = arith.muli %add3A_131, %mul3A_141 : i32
        %dma_start3A_143 = arith.constant 0 : i32
        %dma_start3A_144 = tpu.memref_slice %arg6[%mul3A_142, %dma_start3A_143] : memref<160000x128xf32, #tpu.memory_space<hbm>> -> memref<64x128xf32, #tpu.memory_space<hbm>>
        %dma_start3A_145 = arith.constant 0 : i32
        %dma_start3A_146 = tpu.memref_slice %arg6[%mul3A_142, %dma_start3A_145] : memref<160000x128xf32, #tpu.memory_space<hbm>> -> memref<64x128xf32, #tpu.memory_space<hbm>>
        tpu.enqueue_dma source(%dma_start3A_146 : memref<64x128xf32, #tpu.memory_space<hbm>>) target(%arg15 : memref<64x128xf32, #tpu.memory_space<vmem>>) target_semaphore(%arg20 : memref<!tpu.dma_semaphore, #tpu.memory_space<semaphore_mem>>)
        %ge3A_147 = arith.constant 1 : i32
        %ge3A_148 = arith.cmpi sge, %while3A_123, %ge3A_147 : i32
        %convert_element_type3A_149 = arith.extui %ge3A_148 : i1 to i32
        %cond3A_150 = arith.constant 0 : i32
        %cond3A_151 = arith.cmpi ne, %convert_element_type3A_149, %cond3A_150 : i32
        scf.if %cond3A_151 {
          %dma_wait3A_223 = arith.constant 0 : i32
          %dma_wait3A_224 = arith.constant 0 : i32
          %dma_wait3A_225 = tpu.memref_slice %arg12[%dma_wait3A_223, %dma_wait3A_224] : memref<40x64xi32, #tpu.memory_space<vmem>> -> memref<1x64xi32, #tpu.memory_space<vmem>>
          %dma_wait3A_226 = tpu.memref_squeeze %dma_wait3A_225 : memref<1x64xi32, #tpu.memory_space<vmem>> -> memref<64xi32, #tpu.memory_space<vmem>>
          %dma_wait3A_227 = arith.constant 0 : i32
          %dma_wait3A_228 = arith.constant 0 : i32
          %dma_wait3A_229 = tpu.memref_slice %arg17[%dma_wait3A_227, %dma_wait3A_228] : memref<10112x128xf32, #tpu.memory_space<vmem_shared>> -> memref<10112x128xf32, #tpu.memory_space<vmem_shared>>
          tpu.wait_indirect_dma semaphore(%arg23 : memref<!tpu.dma_semaphore, #tpu.memory_space<semaphore_mem>>) src(%arg14 : memref<64x128xf32, #tpu.memory_space<vmem>>) dst(%dma_wait3A_229 : memref<10112x128xf32, #tpu.memory_space<vmem_shared>>)
          %dma_wait3A_230 = arith.constant 0 : i32
          %dma_wait3A_231 = arith.constant 0 : i32
          %dma_wait3A_232 = tpu.memref_slice %arg12[%dma_wait3A_230, %dma_wait3A_231] : memref<40x64xi32, #tpu.memory_space<vmem>> -> memref<1x64xi32, #tpu.memory_space<vmem>>
          %dma_wait3A_233 = tpu.memref_squeeze %dma_wait3A_232 : memref<1x64xi32, #tpu.memory_space<vmem>> -> memref<64xi32, #tpu.memory_space<vmem>>
          %dma_wait3A_234 = arith.constant 0 : i32
          %dma_wait3A_235 = arith.constant 0 : i32
          %dma_wait3A_236 = tpu.memref_slice %arg17[%dma_wait3A_234, %dma_wait3A_235] : memref<10112x128xf32, #tpu.memory_space<vmem_shared>> -> memref<10112x128xf32, #tpu.memory_space<vmem_shared>>
          tpu.wait_indirect_dma semaphore(%arg23 : memref<!tpu.dma_semaphore, #tpu.memory_space<semaphore_mem>>) src(%arg16 : memref<64x128xf32, #tpu.memory_space<vmem>>) dst(%dma_wait3A_236 : memref<10112x128xf32, #tpu.memory_space<vmem_shared>>)
        } else {
        }
        %add3A_152 = arith.constant 1 : i32
        %add3A_153 = arith.addi %mul3A_126, %add3A_152 : i32
        %dma_start3A_154 = arith.constant 0 : i32
        %dma_start3A_155 = tpu.memref_slice %arg11[%add3A_153, %dma_start3A_154] : memref<40x64xi32, #tpu.memory_space<vmem>> -> memref<1x64xi32, #tpu.memory_space<vmem>>
        %dma_start3A_156 = tpu.memref_squeeze %dma_start3A_155 : memref<1x64xi32, #tpu.memory_space<vmem>> -> memref<64xi32, #tpu.memory_space<vmem>>
        %dma_start3A_157 = arith.constant 0 : i32
        %dma_start3A_158 = arith.constant 0 : i32
        %dma_start3A_159 = tpu.memref_slice %arg4[%dma_start3A_157, %dma_start3A_158] : memref<10000x128xf32, #tpu.memory_space<hbm>> -> memref<10000x128xf32, #tpu.memory_space<hbm>>
        tpu.enqueue_indirect_dma source(%dma_start3A_159 : memref<10000x128xf32, #tpu.memory_space<hbm>>) target(%arg14 : memref<64x128xf32, #tpu.memory_space<vmem>>) offsets(%dma_start3A_156 : memref<64xi32, #tpu.memory_space<vmem>>) semaphore(%arg19 : memref<!tpu.dma_semaphore, #tpu.memory_space<semaphore_mem>>)
        %add3A_160 = arith.constant 1 : i32
        %add3A_161 = arith.addi %add3A_131, %add3A_160 : i32
        %mul3A_162 = arith.constant 64 : i32
        %mul3A_163 = arith.muli %add3A_161, %mul3A_162 : i32
        %dma_start3A_164 = arith.constant 0 : i32
        %dma_start3A_165 = tpu.memref_slice %arg6[%mul3A_163, %dma_start3A_164] : memref<160000x128xf32, #tpu.memory_space<hbm>> -> memref<64x128xf32, #tpu.memory_space<hbm>>
        %dma_start3A_166 = arith.constant 0 : i32
        %dma_start3A_167 = tpu.memref_slice %arg6[%mul3A_163, %dma_start3A_166] : memref<160000x128xf32, #tpu.memory_space<hbm>> -> memref<64x128xf32, #tpu.memory_space<hbm>>
        tpu.enqueue_dma source(%dma_start3A_167 : memref<64x128xf32, #tpu.memory_space<hbm>>) target(%arg16 : memref<64x128xf32, #tpu.memory_space<vmem>>) target_semaphore(%arg21 : memref<!tpu.dma_semaphore, #tpu.memory_space<semaphore_mem>>)
        %dma_wait3A_168 = arith.constant 0 : i32
        %dma_wait3A_169 = tpu.memref_slice %arg11[%mul3A_126, %dma_wait3A_168] : memref<40x64xi32, #tpu.memory_space<vmem>> -> memref<1x64xi32, #tpu.memory_space<vmem>>
        %dma_wait3A_170 = tpu.memref_squeeze %dma_wait3A_169 : memref<1x64xi32, #tpu.memory_space<vmem>> -> memref<64xi32, #tpu.memory_space<vmem>>
        %dma_wait3A_171 = arith.constant 0 : i32
        %dma_wait3A_172 = arith.constant 0 : i32
        %dma_wait3A_173 = tpu.memref_slice %arg4[%dma_wait3A_171, %dma_wait3A_172] : memref<10000x128xf32, #tpu.memory_space<hbm>> -> memref<10000x128xf32, #tpu.memory_space<hbm>>
        tpu.wait_indirect_dma semaphore(%arg18 : memref<!tpu.dma_semaphore, #tpu.memory_space<semaphore_mem>>) src(%dma_wait3A_173 : memref<10000x128xf32, #tpu.memory_space<hbm>>) dst(%arg13 : memref<64x128xf32, #tpu.memory_space<vmem>>)
        %mul3A_174 = arith.constant 64 : i32
        %mul3A_175 = arith.muli %add3A_131, %mul3A_174 : i32
        %dma_wait3A_176 = arith.constant 0 : i32
        %dma_wait3A_177 = tpu.memref_slice %arg6[%mul3A_175, %dma_wait3A_176] : memref<160000x128xf32, #tpu.memory_space<hbm>> -> memref<64x128xf32, #tpu.memory_space<hbm>>
        %dma_wait3A_178 = arith.constant 0 : i32
        %dma_wait3A_179 = tpu.memref_slice %arg6[%mul3A_175, %dma_wait3A_178] : memref<160000x128xf32, #tpu.memory_space<hbm>> -> memref<64x128xf32, #tpu.memory_space<hbm>>
        tpu.wait_dma2 semaphore(%arg20 : memref<!tpu.dma_semaphore, #tpu.memory_space<semaphore_mem>>) src(%dma_wait3A_179 : memref<64x128xf32, #tpu.memory_space<hbm>>) dst(%arg15 : memref<64x128xf32, #tpu.memory_space<vmem>>)
        %dma_start3A_180 = arith.constant 0 : i32
        %dma_start3A_181 = tpu.memref_slice %arg12[%mul3A_126, %dma_start3A_180] : memref<40x64xi32, #tpu.memory_space<vmem>> -> memref<1x64xi32, #tpu.memory_space<vmem>>
        %dma_start3A_182 = tpu.memref_squeeze %dma_start3A_181 : memref<1x64xi32, #tpu.memory_space<vmem>> -> memref<64xi32, #tpu.memory_space<vmem>>
        %dma_start3A_183 = arith.constant 0 : i32
        %dma_start3A_184 = arith.constant 0 : i32
        %dma_start3A_185 = tpu.memref_slice %arg17[%dma_start3A_183, %dma_start3A_184] : memref<10112x128xf32, #tpu.memory_space<vmem_shared>> -> memref<10112x128xf32, #tpu.memory_space<vmem_shared>>
        tpu.enqueue_indirect_dma source(%arg13 : memref<64x128xf32, #tpu.memory_space<vmem>>) target(%dma_start3A_185 : memref<10112x128xf32, #tpu.memory_space<vmem_shared>>) offsets(%dma_start3A_182 : memref<64xi32, #tpu.memory_space<vmem>>) semaphore(%arg22 : memref<!tpu.dma_semaphore, #tpu.memory_space<semaphore_mem>>) {add = true}
        %dma_start3A_186 = arith.constant 0 : i32
        %dma_start3A_187 = tpu.memref_slice %arg12[%mul3A_126, %dma_start3A_186] : memref<40x64xi32, #tpu.memory_space<vmem>> -> memref<1x64xi32, #tpu.memory_space<vmem>>
        %dma_start3A_188 = tpu.memref_squeeze %dma_start3A_187 : memref<1x64xi32, #tpu.memory_space<vmem>> -> memref<64xi32, #tpu.memory_space<vmem>>
        %dma_start3A_189 = arith.constant 0 : i32
        %dma_start3A_190 = arith.constant 0 : i32
        %dma_start3A_191 = tpu.memref_slice %arg17[%dma_start3A_189, %dma_start3A_190] : memref<10112x128xf32, #tpu.memory_space<vmem_shared>> -> memref<10112x128xf32, #tpu.memory_space<vmem_shared>>
        tpu.enqueue_indirect_dma source(%arg15 : memref<64x128xf32, #tpu.memory_space<vmem>>) target(%dma_start3A_191 : memref<10112x128xf32, #tpu.memory_space<vmem_shared>>) offsets(%dma_start3A_188 : memref<64xi32, #tpu.memory_space<vmem>>) semaphore(%arg22 : memref<!tpu.dma_semaphore, #tpu.memory_space<semaphore_mem>>) {add = true}
        %add3A_192 = arith.constant 1 : i32
        %add3A_193 = arith.addi %mul3A_126, %add3A_192 : i32
        %dma_wait3A_194 = arith.constant 0 : i32
        %dma_wait3A_195 = tpu.memref_slice %arg11[%add3A_193, %dma_wait3A_194] : memref<40x64xi32, #tpu.memory_space<vmem>> -> memref<1x64xi32, #tpu.memory_space<vmem>>
        %dma_wait3A_196 = tpu.memref_squeeze %dma_wait3A_195 : memref<1x64xi32, #tpu.memory_space<vmem>> -> memref<64xi32, #tpu.memory_space<vmem>>
        %dma_wait3A_197 = arith.constant 0 : i32
        %dma_wait3A_198 = arith.constant 0 : i32
        %dma_wait3A_199 = tpu.memref_slice %arg4[%dma_wait3A_197, %dma_wait3A_198] : memref<10000x128xf32, #tpu.memory_space<hbm>> -> memref<10000x128xf32, #tpu.memory_space<hbm>>
        tpu.wait_indirect_dma semaphore(%arg19 : memref<!tpu.dma_semaphore, #tpu.memory_space<semaphore_mem>>) src(%dma_wait3A_199 : memref<10000x128xf32, #tpu.memory_space<hbm>>) dst(%arg14 : memref<64x128xf32, #tpu.memory_space<vmem>>)
        %mul3A_200 = arith.constant 64 : i32
        %mul3A_201 = arith.muli %add3A_131, %mul3A_200 : i32
        %dma_wait3A_202 = arith.constant 0 : i32
        %dma_wait3A_203 = tpu.memref_slice %arg6[%mul3A_201, %dma_wait3A_202] : memref<160000x128xf32, #tpu.memory_space<hbm>> -> memref<64x128xf32, #tpu.memory_space<hbm>>
        %dma_wait3A_204 = arith.constant 0 : i32
        %dma_wait3A_205 = tpu.memref_slice %arg6[%mul3A_201, %dma_wait3A_204] : memref<160000x128xf32, #tpu.memory_space<hbm>> -> memref<64x128xf32, #tpu.memory_space<hbm>>
        tpu.wait_dma2 semaphore(%arg21 : memref<!tpu.dma_semaphore, #tpu.memory_space<semaphore_mem>>) src(%dma_wait3A_205 : memref<64x128xf32, #tpu.memory_space<hbm>>) dst(%arg16 : memref<64x128xf32, #tpu.memory_space<vmem>>)
        %add3A_206 = arith.constant 1 : i32
        %add3A_207 = arith.addi %mul3A_126, %add3A_206 : i32
        %dma_start3A_208 = arith.constant 0 : i32
        %dma_start3A_209 = tpu.memref_slice %arg12[%add3A_207, %dma_start3A_208] : memref<40x64xi32, #tpu.memory_space<vmem>> -> memref<1x64xi32, #tpu.memory_space<vmem>>
        %dma_start3A_210 = tpu.memref_squeeze %dma_start3A_209 : memref<1x64xi32, #tpu.memory_space<vmem>> -> memref<64xi32, #tpu.memory_space<vmem>>
        %dma_start3A_211 = arith.constant 0 : i32
        %dma_start3A_212 = arith.constant 0 : i32
        %dma_start3A_213 = tpu.memref_slice %arg17[%dma_start3A_211, %dma_start3A_212] : memref<10112x128xf32, #tpu.memory_space<vmem_shared>> -> memref<10112x128xf32, #tpu.memory_space<vmem_shared>>
        tpu.enqueue_indirect_dma source(%arg14 : memref<64x128xf32, #tpu.memory_space<vmem>>) target(%dma_start3A_213 : memref<10112x128xf32, #tpu.memory_space<vmem_shared>>) offsets(%dma_start3A_210 : memref<64xi32, #tpu.memory_space<vmem>>) semaphore(%arg23 : memref<!tpu.dma_semaphore, #tpu.memory_space<semaphore_mem>>) {add = true}
        %add3A_214 = arith.constant 1 : i32
        %add3A_215 = arith.addi %mul3A_126, %add3A_214 : i32
        %dma_start3A_216 = arith.constant 0 : i32
        %dma_start3A_217 = tpu.memref_slice %arg12[%add3A_215, %dma_start3A_216] : memref<40x64xi32, #tpu.memory_space<vmem>> -> memref<1x64xi32, #tpu.memory_space<vmem>>
        %dma_start3A_218 = tpu.memref_squeeze %dma_start3A_217 : memref<1x64xi32, #tpu.memory_space<vmem>> -> memref<64xi32, #tpu.memory_space<vmem>>
        %dma_start3A_219 = arith.constant 0 : i32
        %dma_start3A_220 = arith.constant 0 : i32
        %dma_start3A_221 = tpu.memref_slice %arg17[%dma_start3A_219, %dma_start3A_220] : memref<10112x128xf32, #tpu.memory_space<vmem_shared>> -> memref<10112x128xf32, #tpu.memory_space<vmem_shared>>
        tpu.enqueue_indirect_dma source(%arg16 : memref<64x128xf32, #tpu.memory_space<vmem>>) target(%dma_start3A_221 : memref<10112x128xf32, #tpu.memory_space<vmem_shared>>) offsets(%dma_start3A_218 : memref<64xi32, #tpu.memory_space<vmem>>) semaphore(%arg23 : memref<!tpu.dma_semaphore, #tpu.memory_space<semaphore_mem>>) {add = true}
        %while3A_222 = arith.constant 0 : i32
        scf.yield %while3A_222 : i32
      }
      %while3A_94 = arith.constant 1 : i32
      %while3A_95 = scf.for %while3A_123 = %while3A_91 to %while3A_87 step %while3A_94 iter_args(%while3A_124 = %while3A_93) -> (i32)  : i32 {
        %mul3A_125 = arith.constant 2 : i32
        %mul3A_126 = arith.muli %mul3A_125, %while3A_123 : i32
        %mul3A_127 = arith.constant 80 : i32
        %mul3A_128 = arith.muli %mul3A_127, %add3A : i32
        %add3A_129 = arith.constant 0 : i32
        %add3A_130 = arith.addi %mul3A_128, %add3A_129 : i32
        %add3A_131 = arith.addi %add3A_130, %mul3A_126 : i32
        %ge3A = arith.constant 1 : i32
        %ge3A_132 = arith.cmpi sge, %while3A_123, %ge3A : i32
        %convert_element_type3A_133 = arith.extui %ge3A_132 : i1 to i32
        %cond3A_134 = arith.constant 0 : i32
        %cond3A_135 = arith.cmpi ne, %convert_element_type3A_133, %cond3A_134 : i32
        scf.if %cond3A_135 {
          %dma_wait3A_223 = arith.constant 0 : i32
          %dma_wait3A_224 = arith.constant 0 : i32
          %dma_wait3A_225 = tpu.memref_slice %arg12[%dma_wait3A_223, %dma_wait3A_224] : memref<40x64xi32, #tpu.memory_space<vmem>> -> memref<1x64xi32, #tpu.memory_space<vmem>>
          %dma_wait3A_226 = tpu.memref_squeeze %dma_wait3A_225 : memref<1x64xi32, #tpu.memory_space<vmem>> -> memref<64xi32, #tpu.memory_space<vmem>>
          %dma_wait3A_227 = arith.constant 0 : i32
          %dma_wait3A_228 = arith.constant 0 : i32
          %dma_wait3A_229 = tpu.memref_slice %arg17[%dma_wait3A_227, %dma_wait3A_228] : memref<10112x128xf32, #tpu.memory_space<vmem_shared>> -> memref<10112x128xf32, #tpu.memory_space<vmem_shared>>
          tpu.wait_indirect_dma semaphore(%arg22 : memref<!tpu.dma_semaphore, #tpu.memory_space<semaphore_mem>>) src(%arg13 : memref<64x128xf32, #tpu.memory_space<vmem>>) dst(%dma_wait3A_229 : memref<10112x128xf32, #tpu.memory_space<vmem_shared>>)
          %dma_wait3A_230 = arith.constant 0 : i32
          %dma_wait3A_231 = arith.constant 0 : i32
          %dma_wait3A_232 = tpu.memref_slice %arg12[%dma_wait3A_230, %dma_wait3A_231] : memref<40x64xi32, #tpu.memory_space<vmem>> -> memref<1x64xi32, #tpu.memory_space<vmem>>
          %dma_wait3A_233 = tpu.memref_squeeze %dma_wait3A_232 : memref<1x64xi32, #tpu.memory_space<vmem>> -> memref<64xi32, #tpu.memory_space<vmem>>
          %dma_wait3A_234 = arith.constant 0 : i32
          %dma_wait3A_235 = arith.constant 0 : i32
          %dma_wait3A_236 = tpu.memref_slice %arg17[%dma_wait3A_234, %dma_wait3A_235] : memref<10112x128xf32, #tpu.memory_space<vmem_shared>> -> memref<10112x128xf32, #tpu.memory_space<vmem_shared>>
          tpu.wait_indirect_dma semaphore(%arg22 : memref<!tpu.dma_semaphore, #tpu.memory_space<semaphore_mem>>) src(%arg15 : memref<64x128xf32, #tpu.memory_space<vmem>>) dst(%dma_wait3A_236 : memref<10112x128xf32, #tpu.memory_space<vmem_shared>>)
        } else {
        }
        %dma_start3A = arith.constant 0 : i32
        %dma_start3A_136 = tpu.memref_slice %arg11[%mul3A_126, %dma_start3A] : memref<40x64xi32, #tpu.memory_space<vmem>> -> memref<1x64xi32, #tpu.memory_space<vmem>>
        %dma_start3A_137 = tpu.memref_squeeze %dma_start3A_136 : memref<1x64xi32, #tpu.memory_space<vmem>> -> memref<64xi32, #tpu.memory_space<vmem>>
        %dma_start3A_138 = arith.constant 0 : i32
        %dma_start3A_139 = arith.constant 0 : i32
        %dma_start3A_140 = tpu.memref_slice %arg4[%dma_start3A_138, %dma_start3A_139] : memref<10000x128xf32, #tpu.memory_space<hbm>> -> memref<10000x128xf32, #tpu.memory_space<hbm>>
        tpu.enqueue_indirect_dma source(%dma_start3A_140 : memref<10000x128xf32, #tpu.memory_space<hbm>>) target(%arg13 : memref<64x128xf32, #tpu.memory_space<vmem>>) offsets(%dma_start3A_137 : memref<64xi32, #tpu.memory_space<vmem>>) semaphore(%arg18 : memref<!tpu.dma_semaphore, #tpu.memory_space<semaphore_mem>>)
        %mul3A_141 = arith.constant 64 : i32
        %mul3A_142 = arith.muli %add3A_131, %mul3A_141 : i32
        %dma_start3A_143 = arith.constant 0 : i32
        %dma_start3A_144 = tpu.memref_slice %arg6[%mul3A_142, %dma_start3A_143] : memref<160000x128xf32, #tpu.memory_space<hbm>> -> memref<64x128xf32, #tpu.memory_space<hbm>>
        %dma_start3A_145 = arith.constant 0 : i32
        %dma_start3A_146 = tpu.memref_slice %arg6[%mul3A_142, %dma_start3A_145] : memref<160000x128xf32, #tpu.memory_space<hbm>> -> memref<64x128xf32, #tpu.memory_space<hbm>>
        tpu.enqueue_dma source(%dma_start3A_146 : memref<64x128xf32, #tpu.memory_space<hbm>>) target(%arg15 : memref<64x128xf32, #tpu.memory_space<vmem>>) target_semaphore(%arg20 : memref<!tpu.dma_semaphore, #tpu.memory_space<semaphore_mem>>)
        %ge3A_147 = arith.constant 1 : i32
        %ge3A_148 = arith.cmpi sge, %while3A_123, %ge3A_147 : i32
        %convert_element_type3A_149 = arith.extui %ge3A_148 : i1 to i32
        %cond3A_150 = arith.constant 0 : i32
        %cond3A_151 = arith.cmpi ne, %convert_element_type3A_149, %cond3A_150 : i32
        scf.if %cond3A_151 {
          %dma_wait3A_223 = arith.constant 0 : i32
          %dma_wait3A_224 = arith.constant 0 : i32
          %dma_wait3A_225 = tpu.memref_slice %arg12[%dma_wait3A_223, %dma_wait3A_224] : memref<40x64xi32, #tpu.memory_space<vmem>> -> memref<1x64xi32, #tpu.memory_space<vmem>>
          %dma_wait3A_226 = tpu.memref_squeeze %dma_wait3A_225 : memref<1x64xi32, #tpu.memory_space<vmem>> -> memref<64xi32, #tpu.memory_space<vmem>>
          %dma_wait3A_227 = arith.constant 0 : i32
          %dma_wait3A_228 = arith.constant 0 : i32
          %dma_wait3A_229 = tpu.memref_slice %arg17[%dma_wait3A_227, %dma_wait3A_228] : memref<10112x128xf32, #tpu.memory_space<vmem_shared>> -> memref<10112x128xf32, #tpu.memory_space<vmem_shared>>
          tpu.wait_indirect_dma semaphore(%arg23 : memref<!tpu.dma_semaphore, #tpu.memory_space<semaphore_mem>>) src(%arg14 : memref<64x128xf32, #tpu.memory_space<vmem>>) dst(%dma_wait3A_229 : memref<10112x128xf32, #tpu.memory_space<vmem_shared>>)
          %dma_wait3A_230 = arith.constant 0 : i32
          %dma_wait3A_231 = arith.constant 0 : i32
          %dma_wait3A_232 = tpu.memref_slice %arg12[%dma_wait3A_230, %dma_wait3A_231] : memref<40x64xi32, #tpu.memory_space<vmem>> -> memref<1x64xi32, #tpu.memory_space<vmem>>
          %dma_wait3A_233 = tpu.memref_squeeze %dma_wait3A_232 : memref<1x64xi32, #tpu.memory_space<vmem>> -> memref<64xi32, #tpu.memory_space<vmem>>
          %dma_wait3A_234 = arith.constant 0 : i32
          %dma_wait3A_235 = arith.constant 0 : i32
          %dma_wait3A_236 = tpu.memref_slice %arg17[%dma_wait3A_234, %dma_wait3A_235] : memref<10112x128xf32, #tpu.memory_space<vmem_shared>> -> memref<10112x128xf32, #tpu.memory_space<vmem_shared>>
          tpu.wait_indirect_dma semaphore(%arg23 : memref<!tpu.dma_semaphore, #tpu.memory_space<semaphore_mem>>) src(%arg16 : memref<64x128xf32, #tpu.memory_space<vmem>>) dst(%dma_wait3A_236 : memref<10112x128xf32, #tpu.memory_space<vmem_shared>>)
        } else {
        }
        %add3A_152 = arith.constant 1 : i32
        %add3A_153 = arith.addi %mul3A_126, %add3A_152 : i32
        %dma_start3A_154 = arith.constant 0 : i32
        %dma_start3A_155 = tpu.memref_slice %arg11[%add3A_153, %dma_start3A_154] : memref<40x64xi32, #tpu.memory_space<vmem>> -> memref<1x64xi32, #tpu.memory_space<vmem>>
        %dma_start3A_156 = tpu.memref_squeeze %dma_start3A_155 : memref<1x64xi32, #tpu.memory_space<vmem>> -> memref<64xi32, #tpu.memory_space<vmem>>
        %dma_start3A_157 = arith.constant 0 : i32
        %dma_start3A_158 = arith.constant 0 : i32
        %dma_start3A_159 = tpu.memref_slice %arg4[%dma_start3A_157, %dma_start3A_158] : memref<10000x128xf32, #tpu.memory_space<hbm>> -> memref<10000x128xf32, #tpu.memory_space<hbm>>
        tpu.enqueue_indirect_dma source(%dma_start3A_159 : memref<10000x128xf32, #tpu.memory_space<hbm>>) target(%arg14 : memref<64x128xf32, #tpu.memory_space<vmem>>) offsets(%dma_start3A_156 : memref<64xi32, #tpu.memory_space<vmem>>) semaphore(%arg19 : memref<!tpu.dma_semaphore, #tpu.memory_space<semaphore_mem>>)
        %add3A_160 = arith.constant 1 : i32
        %add3A_161 = arith.addi %add3A_131, %add3A_160 : i32
        %mul3A_162 = arith.constant 64 : i32
        %mul3A_163 = arith.muli %add3A_161, %mul3A_162 : i32
        %dma_start3A_164 = arith.constant 0 : i32
        %dma_start3A_165 = tpu.memref_slice %arg6[%mul3A_163, %dma_start3A_164] : memref<160000x128xf32, #tpu.memory_space<hbm>> -> memref<64x128xf32, #tpu.memory_space<hbm>>
        %dma_start3A_166 = arith.constant 0 : i32
        %dma_start3A_167 = tpu.memref_slice %arg6[%mul3A_163, %dma_start3A_166] : memref<160000x128xf32, #tpu.memory_space<hbm>> -> memref<64x128xf32, #tpu.memory_space<hbm>>
        tpu.enqueue_dma source(%dma_start3A_167 : memref<64x128xf32, #tpu.memory_space<hbm>>) target(%arg16 : memref<64x128xf32, #tpu.memory_space<vmem>>) target_semaphore(%arg21 : memref<!tpu.dma_semaphore, #tpu.memory_space<semaphore_mem>>)
        %dma_wait3A_168 = arith.constant 0 : i32
        %dma_wait3A_169 = tpu.memref_slice %arg11[%mul3A_126, %dma_wait3A_168] : memref<40x64xi32, #tpu.memory_space<vmem>> -> memref<1x64xi32, #tpu.memory_space<vmem>>
        %dma_wait3A_170 = tpu.memref_squeeze %dma_wait3A_169 : memref<1x64xi32, #tpu.memory_space<vmem>> -> memref<64xi32, #tpu.memory_space<vmem>>
        %dma_wait3A_171 = arith.constant 0 : i32
        %dma_wait3A_172 = arith.constant 0 : i32
        %dma_wait3A_173 = tpu.memref_slice %arg4[%dma_wait3A_171, %dma_wait3A_172] : memref<10000x128xf32, #tpu.memory_space<hbm>> -> memref<10000x128xf32, #tpu.memory_space<hbm>>
        tpu.wait_indirect_dma semaphore(%arg18 : memref<!tpu.dma_semaphore, #tpu.memory_space<semaphore_mem>>) src(%dma_wait3A_173 : memref<10000x128xf32, #tpu.memory_space<hbm>>) dst(%arg13 : memref<64x128xf32, #tpu.memory_space<vmem>>)
        %mul3A_174 = arith.constant 64 : i32
        %mul3A_175 = arith.muli %add3A_131, %mul3A_174 : i32
        %dma_wait3A_176 = arith.constant 0 : i32
        %dma_wait3A_177 = tpu.memref_slice %arg6[%mul3A_175, %dma_wait3A_176] : memref<160000x128xf32, #tpu.memory_space<hbm>> -> memref<64x128xf32, #tpu.memory_space<hbm>>
        %dma_wait3A_178 = arith.constant 0 : i32
        %dma_wait3A_179 = tpu.memref_slice %arg6[%mul3A_175, %dma_wait3A_178] : memref<160000x128xf32, #tpu.memory_space<hbm>> -> memref<64x128xf32, #tpu.memory_space<hbm>>
        tpu.wait_dma2 semaphore(%arg20 : memref<!tpu.dma_semaphore, #tpu.memory_space<semaphore_mem>>) src(%dma_wait3A_179 : memref<64x128xf32, #tpu.memory_space<hbm>>) dst(%arg15 : memref<64x128xf32, #tpu.memory_space<vmem>>)
        %dma_start3A_180 = arith.constant 0 : i32
        %dma_start3A_181 = tpu.memref_slice %arg12[%mul3A_126, %dma_start3A_180] : memref<40x64xi32, #tpu.memory_space<vmem>> -> memref<1x64xi32, #tpu.memory_space<vmem>>
        %dma_start3A_182 = tpu.memref_squeeze %dma_start3A_181 : memref<1x64xi32, #tpu.memory_space<vmem>> -> memref<64xi32, #tpu.memory_space<vmem>>
        %dma_start3A_183 = arith.constant 0 : i32
        %dma_start3A_184 = arith.constant 0 : i32
        %dma_start3A_185 = tpu.memref_slice %arg17[%dma_start3A_183, %dma_start3A_184] : memref<10112x128xf32, #tpu.memory_space<vmem_shared>> -> memref<10112x128xf32, #tpu.memory_space<vmem_shared>>
        tpu.enqueue_indirect_dma source(%arg13 : memref<64x128xf32, #tpu.memory_space<vmem>>) target(%dma_start3A_185 : memref<10112x128xf32, #tpu.memory_space<vmem_shared>>) offsets(%dma_start3A_182 : memref<64xi32, #tpu.memory_space<vmem>>) semaphore(%arg22 : memref<!tpu.dma_semaphore, #tpu.memory_space<semaphore_mem>>) {add = true}
        %dma_start3A_186 = arith.constant 0 : i32
        %dma_start3A_187 = tpu.memref_slice %arg12[%mul3A_126, %dma_start3A_186] : memref<40x64xi32, #tpu.memory_space<vmem>> -> memref<1x64xi32, #tpu.memory_space<vmem>>
        %dma_start3A_188 = tpu.memref_squeeze %dma_start3A_187 : memref<1x64xi32, #tpu.memory_space<vmem>> -> memref<64xi32, #tpu.memory_space<vmem>>
        %dma_start3A_189 = arith.constant 0 : i32
        %dma_start3A_190 = arith.constant 0 : i32
        %dma_start3A_191 = tpu.memref_slice %arg17[%dma_start3A_189, %dma_start3A_190] : memref<10112x128xf32, #tpu.memory_space<vmem_shared>> -> memref<10112x128xf32, #tpu.memory_space<vmem_shared>>
        tpu.enqueue_indirect_dma source(%arg15 : memref<64x128xf32, #tpu.memory_space<vmem>>) target(%dma_start3A_191 : memref<10112x128xf32, #tpu.memory_space<vmem_shared>>) offsets(%dma_start3A_188 : memref<64xi32, #tpu.memory_space<vmem>>) semaphore(%arg22 : memref<!tpu.dma_semaphore, #tpu.memory_space<semaphore_mem>>) {add = true}
        %add3A_192 = arith.constant 1 : i32
        %add3A_193 = arith.addi %mul3A_126, %add3A_192 : i32
        %dma_wait3A_194 = arith.constant 0 : i32
        %dma_wait3A_195 = tpu.memref_slice %arg11[%add3A_193, %dma_wait3A_194] : memref<40x64xi32, #tpu.memory_space<vmem>> -> memref<1x64xi32, #tpu.memory_space<vmem>>
        %dma_wait3A_196 = tpu.memref_squeeze %dma_wait3A_195 : memref<1x64xi32, #tpu.memory_space<vmem>> -> memref<64xi32, #tpu.memory_space<vmem>>
        %dma_wait3A_197 = arith.constant 0 : i32
        %dma_wait3A_198 = arith.constant 0 : i32
        %dma_wait3A_199 = tpu.memref_slice %arg4[%dma_wait3A_197, %dma_wait3A_198] : memref<10000x128xf32, #tpu.memory_space<hbm>> -> memref<10000x128xf32, #tpu.memory_space<hbm>>
        tpu.wait_indirect_dma semaphore(%arg19 : memref<!tpu.dma_semaphore, #tpu.memory_space<semaphore_mem>>) src(%dma_wait3A_199 : memref<10000x128xf32, #tpu.memory_space<hbm>>) dst(%arg14 : memref<64x128xf32, #tpu.memory_space<vmem>>)
        %mul3A_200 = arith.constant 64 : i32
        %mul3A_201 = arith.muli %add3A_131, %mul3A_200 : i32
        %dma_wait3A_202 = arith.constant 0 : i32
        %dma_wait3A_203 = tpu.memref_slice %arg6[%mul3A_201, %dma_wait3A_202] : memref<160000x128xf32, #tpu.memory_space<hbm>> -> memref<64x128xf32, #tpu.memory_space<hbm>>
        %dma_wait3A_204 = arith.constant 0 : i32
        %dma_wait3A_205 = tpu.memref_slice %arg6[%mul3A_201, %dma_wait3A_204] : memref<160000x128xf32, #tpu.memory_space<hbm>> -> memref<64x128xf32, #tpu.memory_space<hbm>>
        tpu.wait_dma2 semaphore(%arg21 : memref<!tpu.dma_semaphore, #tpu.memory_space<semaphore_mem>>) src(%dma_wait3A_205 : memref<64x128xf32, #tpu.memory_space<hbm>>) dst(%arg16 : memref<64x128xf32, #tpu.memory_space<vmem>>)
        %add3A_206 = arith.constant 1 : i32
        %add3A_207 = arith.addi %mul3A_126, %add3A_206 : i32
        %dma_start3A_208 = arith.constant 0 : i32
        %dma_start3A_209 = tpu.memref_slice %arg12[%add3A_207, %dma_start3A_208] : memref<40x64xi32, #tpu.memory_space<vmem>> -> memref<1x64xi32, #tpu.memory_space<vmem>>
        %dma_start3A_210 = tpu.memref_squeeze %dma_start3A_209 : memref<1x64xi32, #tpu.memory_space<vmem>> -> memref<64xi32, #tpu.memory_space<vmem>>
        %dma_start3A_211 = arith.constant 0 : i32
        %dma_start3A_212 = arith.constant 0 : i32
        %dma_start3A_213 = tpu.memref_slice %arg17[%dma_start3A_211, %dma_start3A_212] : memref<10112x128xf32, #tpu.memory_space<vmem_shared>> -> memref<10112x128xf32, #tpu.memory_space<vmem_shared>>
        tpu.enqueue_indirect_dma source(%arg14 : memref<64x128xf32, #tpu.memory_space<vmem>>) target(%dma_start3A_213 : memref<10112x128xf32, #tpu.memory_space<vmem_shared>>) offsets(%dma_start3A_210 : memref<64xi32, #tpu.memory_space<vmem>>) semaphore(%arg23 : memref<!tpu.dma_semaphore, #tpu.memory_space<semaphore_mem>>) {add = true}
        %add3A_214 = arith.constant 1 : i32
        %add3A_215 = arith.addi %mul3A_126, %add3A_214 : i32
        %dma_start3A_216 = arith.constant 0 : i32
        %dma_start3A_217 = tpu.memref_slice %arg12[%add3A_215, %dma_start3A_216] : memref<40x64xi32, #tpu.memory_space<vmem>> -> memref<1x64xi32, #tpu.memory_space<vmem>>
        %dma_start3A_218 = tpu.memref_squeeze %dma_start3A_217 : memref<1x64xi32, #tpu.memory_space<vmem>> -> memref<64xi32, #tpu.memory_space<vmem>>
        %dma_start3A_219 = arith.constant 0 : i32
        %dma_start3A_220 = arith.constant 0 : i32
        %dma_start3A_221 = tpu.memref_slice %arg17[%dma_start3A_219, %dma_start3A_220] : memref<10112x128xf32, #tpu.memory_space<vmem_shared>> -> memref<10112x128xf32, #tpu.memory_space<vmem_shared>>
        tpu.enqueue_indirect_dma source(%arg16 : memref<64x128xf32, #tpu.memory_space<vmem>>) target(%dma_start3A_221 : memref<10112x128xf32, #tpu.memory_space<vmem_shared>>) offsets(%dma_start3A_218 : memref<64xi32, #tpu.memory_space<vmem>>) semaphore(%arg23 : memref<!tpu.dma_semaphore, #tpu.memory_space<semaphore_mem>>) {add = true}
        %while3A_222 = arith.constant 0 : i32
        scf.yield %while3A_222 : i32
      }
      %dma_wait3A = arith.constant 0 : i32
      %dma_wait3A_96 = arith.constant 0 : i32
      %dma_wait3A_97 = tpu.memref_slice %arg12[%dma_wait3A, %dma_wait3A_96] : memref<40x64xi32, #tpu.memory_space<vmem>> -> memref<1x64xi32, #tpu.memory_space<vmem>>
      %dma_wait3A_98 = tpu.memref_squeeze %dma_wait3A_97 : memref<1x64xi32, #tpu.memory_space<vmem>> -> memref<64xi32, #tpu.memory_space<vmem>>
      %dma_wait3A_99 = arith.constant 0 : i32
      %dma_wait3A_100 = arith.constant 0 : i32
      %dma_wait3A_101 = tpu.memref_slice %arg17[%dma_wait3A_99, %dma_wait3A_100] : memref<10112x128xf32, #tpu.memory_space<vmem_shared>> -> memref<10112x128xf32, #tpu.memory_space<vmem_shared>>
      tpu.wait_indirect_dma semaphore(%arg22 : memref<!tpu.dma_semaphore, #tpu.memory_space<semaphore_mem>>) src(%arg13 : memref<64x128xf32, #tpu.memory_space<vmem>>) dst(%dma_wait3A_101 : memref<10112x128xf32, #tpu.memory_space<vmem_shared>>)
      %dma_wait3A_102 = arith.constant 0 : i32
      %dma_wait3A_103 = arith.constant 0 : i32
      %dma_wait3A_104 = tpu.memref_slice %arg12[%dma_wait3A_102, %dma_wait3A_103] : memref<40x64xi32, #tpu.memory_space<vmem>> -> memref<1x64xi32, #tpu.memory_space<vmem>>
      %dma_wait3A_105 = tpu.memref_squeeze %dma_wait3A_104 : memref<1x64xi32, #tpu.memory_space<vmem>> -> memref<64xi32, #tpu.memory_space<vmem>>
      %dma_wait3A_106 = arith.constant 0 : i32
      %dma_wait3A_107 = arith.constant 0 : i32
      %dma_wait3A_108 = tpu.memref_slice %arg17[%dma_wait3A_106, %dma_wait3A_107] : memref<10112x128xf32, #tpu.memory_space<vmem_shared>> -> memref<10112x128xf32, #tpu.memory_space<vmem_shared>>
      tpu.wait_indirect_dma semaphore(%arg22 : memref<!tpu.dma_semaphore, #tpu.memory_space<semaphore_mem>>) src(%arg15 : memref<64x128xf32, #tpu.memory_space<vmem>>) dst(%dma_wait3A_108 : memref<10112x128xf32, #tpu.memory_space<vmem_shared>>)
      %dma_wait3A_109 = arith.constant 0 : i32
      %dma_wait3A_110 = arith.constant 0 : i32
      %dma_wait3A_111 = tpu.memref_slice %arg12[%dma_wait3A_109, %dma_wait3A_110] : memref<40x64xi32, #tpu.memory_space<vmem>> -> memref<1x64xi32, #tpu.memory_space<vmem>>
      %dma_wait3A_112 = tpu.memref_squeeze %dma_wait3A_111 : memref<1x64xi32, #tpu.memory_space<vmem>> -> memref<64xi32, #tpu.memory_space<vmem>>
      %dma_wait3A_113 = arith.constant 0 : i32
      %dma_wait3A_114 = arith.constant 0 : i32
      %dma_wait3A_115 = tpu.memref_slice %arg17[%dma_wait3A_113, %dma_wait3A_114] : memref<10112x128xf32, #tpu.memory_space<vmem_shared>> -> memref<10112x128xf32, #tpu.memory_space<vmem_shared>>
      tpu.wait_indirect_dma semaphore(%arg23 : memref<!tpu.dma_semaphore, #tpu.memory_space<semaphore_mem>>) src(%arg14 : memref<64x128xf32, #tpu.memory_space<vmem>>) dst(%dma_wait3A_115 : memref<10112x128xf32, #tpu.memory_space<vmem_shared>>)
      %dma_wait3A_116 = arith.constant 0 : i32
      %dma_wait3A_117 = arith.constant 0 : i32
      %dma_wait3A_118 = tpu.memref_slice %arg12[%dma_wait3A_116, %dma_wait3A_117] : memref<40x64xi32, #tpu.memory_space<vmem>> -> memref<1x64xi32, #tpu.memory_space<vmem>>
      %dma_wait3A_119 = tpu.memref_squeeze %dma_wait3A_118 : memref<1x64xi32, #tpu.memory_space<vmem>> -> memref<64xi32, #tpu.memory_space<vmem>>
      %dma_wait3A_120 = arith.constant 0 : i32
      %dma_wait3A_121 = arith.constant 0 : i32
      %dma_wait3A_122 = tpu.memref_slice %arg17[%dma_wait3A_120, %dma_wait3A_121] : memref<10112x128xf32, #tpu.memory_space<vmem_shared>> -> memref<10112x128xf32, #tpu.memory_space<vmem_shared>>
      tpu.wait_indirect_dma semaphore(%arg23 : memref<!tpu.dma_semaphore, #tpu.memory_space<semaphore_mem>>) src(%arg16 : memref<64x128xf32, #tpu.memory_space<vmem>>) dst(%dma_wait3A_122 : memref<10112x128xf32, #tpu.memory_space<vmem_shared>>)
    } else {
    }
    %sub3A_10 = arith.constant 40 : i32
    %sub3A_11 = arith.subi %select_n3A, %sub3A_10 : i32
    %jit3A_12 = arith.constant 0 : i32
    %jit3A_13 = arith.constant 40 : i32
    %max3A_14 = arith.maxsi %jit3A_12, %sub3A_11 : i32
    %min3A_15 = arith.minsi %jit3A_13, %max3A_14 : i32
    %gt3A_16 = arith.constant 0 : i32
    %gt3A_17 = arith.cmpi sgt, %min3A_15, %gt3A_16 : i32
    %convert_element_type3A_18 = arith.extui %gt3A_17 : i1 to i32
    %cond3A_19 = arith.constant 0 : i32
    %cond3A_20 = arith.cmpi ne, %convert_element_type3A_18, %cond3A_19 : i32
    scf.if %cond3A_20 {
      %mul3A_58 = arith.constant 80 : i32
      %mul3A_59 = arith.muli %mul3A_58, %add3A : i32
      %add3A_60 = arith.constant 40 : i32
      %add3A_61 = arith.addi %mul3A_59, %add3A_60 : i32
      "tpu.region"() ({
        %run_scoped3A = tpu.sem_alloc : memref<!tpu.dma_semaphore, #tpu.memory_space<semaphore_mem>>
        %dma_start3A = arith.constant 0 : i32
        %dma_start3A_123 = tpu.memref_slice %arg2[%add3A_61, %dma_start3A] : memref<2560x64xi32, #tpu.memory_space<hbm>> -> memref<40x64xi32, #tpu.memory_space<hbm>>
        %dma_start3A_124 = arith.constant 0 : i32
        %dma_start3A_125 = tpu.memref_slice %arg2[%add3A_61, %dma_start3A_124] : memref<2560x64xi32, #tpu.memory_space<hbm>> -> memref<40x64xi32, #tpu.memory_space<hbm>>
        tpu.enqueue_dma source(%dma_start3A_125 : memref<40x64xi32, #tpu.memory_space<hbm>>) target(%arg11 : memref<40x64xi32, #tpu.memory_space<vmem>>) target_semaphore(%run_scoped3A : memref<!tpu.dma_semaphore, #tpu.memory_space<semaphore_mem>>)
        %dma_wait3A_126 = arith.constant 0 : i32
        %dma_wait3A_127 = tpu.memref_slice %arg2[%add3A_61, %dma_wait3A_126] : memref<2560x64xi32, #tpu.memory_space<hbm>> -> memref<40x64xi32, #tpu.memory_space<hbm>>
        %dma_wait3A_128 = arith.constant 0 : i32
        %dma_wait3A_129 = tpu.memref_slice %arg2[%add3A_61, %dma_wait3A_128] : memref<2560x64xi32, #tpu.memory_space<hbm>> -> memref<40x64xi32, #tpu.memory_space<hbm>>
        tpu.wait_dma2 semaphore(%run_scoped3A : memref<!tpu.dma_semaphore, #tpu.memory_space<semaphore_mem>>) src(%dma_wait3A_129 : memref<40x64xi32, #tpu.memory_space<hbm>>) dst(%arg11 : memref<40x64xi32, #tpu.memory_space<vmem>>)
        tpu.yield
      }) : () -> ()
      %mul3A_62 = arith.constant 80 : i32
      %mul3A_63 = arith.muli %mul3A_62, %add3A : i32
      %add3A_64 = arith.constant 40 : i32
      %add3A_65 = arith.addi %mul3A_63, %add3A_64 : i32
      "tpu.region"() ({
        %run_scoped3A = tpu.sem_alloc : memref<!tpu.dma_semaphore, #tpu.memory_space<semaphore_mem>>
        %dma_start3A = arith.constant 0 : i32
        %dma_start3A_123 = tpu.memref_slice %arg3[%add3A_65, %dma_start3A] : memref<2560x64xi32, #tpu.memory_space<hbm>> -> memref<40x64xi32, #tpu.memory_space<hbm>>
        %dma_start3A_124 = arith.constant 0 : i32
        %dma_start3A_125 = tpu.memref_slice %arg3[%add3A_65, %dma_start3A_124] : memref<2560x64xi32, #tpu.memory_space<hbm>> -> memref<40x64xi32, #tpu.memory_space<hbm>>
        tpu.enqueue_dma source(%dma_start3A_125 : memref<40x64xi32, #tpu.memory_space<hbm>>) target(%arg12 : memref<40x64xi32, #tpu.memory_space<vmem>>) target_semaphore(%run_scoped3A : memref<!tpu.dma_semaphore, #tpu.memory_space<semaphore_mem>>)
        %dma_wait3A_126 = arith.constant 0 : i32
        %dma_wait3A_127 = tpu.memref_slice %arg3[%add3A_65, %dma_wait3A_126] : memref<2560x64xi32, #tpu.memory_space<hbm>> -> memref<40x64xi32, #tpu.memory_space<hbm>>
        %dma_wait3A_128 = arith.constant 0 : i32
        %dma_wait3A_129 = tpu.memref_slice %arg3[%add3A_65, %dma_wait3A_128] : memref<2560x64xi32, #tpu.memory_space<hbm>> -> memref<40x64xi32, #tpu.memory_space<hbm>>
        tpu.wait_dma2 semaphore(%run_scoped3A : memref<!tpu.dma_semaphore, #tpu.memory_space<semaphore_mem>>) src(%dma_wait3A_129 : memref<40x64xi32, #tpu.memory_space<hbm>>) dst(%arg12 : memref<40x64xi32, #tpu.memory_space<vmem>>)
        tpu.yield
      }) : () -> ()
      %jit3A_66 = arith.constant 2 : i32
      %div3A = arith.divsi %min3A_15, %jit3A_66 : i32
      %sign3A = arith.constant 0 : i32
      %sign3A_67 = arith.cmpi sgt, %min3A_15, %sign3A : i32
      %sign3A_68 = arith.extui %sign3A_67 : i1 to i32
      %sign3A_69 = arith.constant 0 : i32
      %sign3A_70 = arith.cmpi slt, %min3A_15, %sign3A_69 : i32
      %sign3A_71 = arith.extui %sign3A_70 : i1 to i32
      %sign3A_72 = arith.subi %sign3A_68, %sign3A_71 : i32
      %sign3A_73 = arith.constant 0 : i32
      %sign3A_74 = arith.cmpi sgt, %jit3A_66, %sign3A_73 : i32
      %sign3A_75 = arith.extui %sign3A_74 : i1 to i32
      %sign3A_76 = arith.constant 0 : i32
      %sign3A_77 = arith.cmpi slt, %jit3A_66, %sign3A_76 : i32
      %sign3A_78 = arith.extui %sign3A_77 : i1 to i32
      %sign3A_79 = arith.subi %sign3A_75, %sign3A_78 : i32
      %ne3A = arith.cmpi ne, %sign3A_72, %sign3A_79 : i32
      %rem3A = arith.remsi %min3A_15, %jit3A_66 : i32
      %ne3A_80 = arith.constant 0 : i32
      %ne3A_81 = arith.cmpi ne, %rem3A, %ne3A_80 : i32
      %and3A = arith.andi %ne3A, %ne3A_81 : i1
      %sub3A_82 = arith.constant 1 : i32
      %sub3A_83 = arith.subi %div3A, %sub3A_82 : i32
      %select_n3A_84 = arith.select %and3A, %sub3A_83, %div3A : i32
      %while3A = arith.constant 0 : i32
      %while3A_85 = arith.constant 0 : i32
      %while3A_86 = arith.subi %select_n3A_84, %while3A : i32
      %while3A_87 = arith.addi %while3A, %while3A_86 : i32
      %while3A_88 = arith.constant 1 : i32
      %while3A_89 = arith.divsi %while3A_86, %while3A_88 : i32
      %while3A_90 = arith.muli %while3A_89, %while3A_88 : i32
      %while3A_91 = arith.addi %while3A, %while3A_90 : i32
      %while3A_92 = arith.constant 1 : i32
      %while3A_93 = scf.for %while3A_123 = %while3A to %while3A_91 step %while3A_92 iter_args(%while3A_124 = %while3A_85) -> (i32)  : i32 {
        %mul3A_125 = arith.constant 2 : i32
        %mul3A_126 = arith.muli %mul3A_125, %while3A_123 : i32
        %mul3A_127 = arith.constant 80 : i32
        %mul3A_128 = arith.muli %mul3A_127, %add3A : i32
        %add3A_129 = arith.constant 40 : i32
        %add3A_130 = arith.addi %mul3A_128, %add3A_129 : i32
        %add3A_131 = arith.addi %add3A_130, %mul3A_126 : i32
        %ge3A = arith.constant 1 : i32
        %ge3A_132 = arith.cmpi sge, %while3A_123, %ge3A : i32
        %convert_element_type3A_133 = arith.extui %ge3A_132 : i1 to i32
        %cond3A_134 = arith.constant 0 : i32
        %cond3A_135 = arith.cmpi ne, %convert_element_type3A_133, %cond3A_134 : i32
        scf.if %cond3A_135 {
          %dma_wait3A_223 = arith.constant 0 : i32
          %dma_wait3A_224 = arith.constant 0 : i32
          %dma_wait3A_225 = tpu.memref_slice %arg12[%dma_wait3A_223, %dma_wait3A_224] : memref<40x64xi32, #tpu.memory_space<vmem>> -> memref<1x64xi32, #tpu.memory_space<vmem>>
          %dma_wait3A_226 = tpu.memref_squeeze %dma_wait3A_225 : memref<1x64xi32, #tpu.memory_space<vmem>> -> memref<64xi32, #tpu.memory_space<vmem>>
          %dma_wait3A_227 = arith.constant 0 : i32
          %dma_wait3A_228 = arith.constant 0 : i32
          %dma_wait3A_229 = tpu.memref_slice %arg17[%dma_wait3A_227, %dma_wait3A_228] : memref<10112x128xf32, #tpu.memory_space<vmem_shared>> -> memref<10112x128xf32, #tpu.memory_space<vmem_shared>>
          tpu.wait_indirect_dma semaphore(%arg22 : memref<!tpu.dma_semaphore, #tpu.memory_space<semaphore_mem>>) src(%arg13 : memref<64x128xf32, #tpu.memory_space<vmem>>) dst(%dma_wait3A_229 : memref<10112x128xf32, #tpu.memory_space<vmem_shared>>)
          %dma_wait3A_230 = arith.constant 0 : i32
          %dma_wait3A_231 = arith.constant 0 : i32
          %dma_wait3A_232 = tpu.memref_slice %arg12[%dma_wait3A_230, %dma_wait3A_231] : memref<40x64xi32, #tpu.memory_space<vmem>> -> memref<1x64xi32, #tpu.memory_space<vmem>>
          %dma_wait3A_233 = tpu.memref_squeeze %dma_wait3A_232 : memref<1x64xi32, #tpu.memory_space<vmem>> -> memref<64xi32, #tpu.memory_space<vmem>>
          %dma_wait3A_234 = arith.constant 0 : i32
          %dma_wait3A_235 = arith.constant 0 : i32
          %dma_wait3A_236 = tpu.memref_slice %arg17[%dma_wait3A_234, %dma_wait3A_235] : memref<10112x128xf32, #tpu.memory_space<vmem_shared>> -> memref<10112x128xf32, #tpu.memory_space<vmem_shared>>
          tpu.wait_indirect_dma semaphore(%arg22 : memref<!tpu.dma_semaphore, #tpu.memory_space<semaphore_mem>>) src(%arg15 : memref<64x128xf32, #tpu.memory_space<vmem>>) dst(%dma_wait3A_236 : memref<10112x128xf32, #tpu.memory_space<vmem_shared>>)
        } else {
        }
        %dma_start3A = arith.constant 0 : i32
        %dma_start3A_136 = tpu.memref_slice %arg11[%mul3A_126, %dma_start3A] : memref<40x64xi32, #tpu.memory_space<vmem>> -> memref<1x64xi32, #tpu.memory_space<vmem>>
        %dma_start3A_137 = tpu.memref_squeeze %dma_start3A_136 : memref<1x64xi32, #tpu.memory_space<vmem>> -> memref<64xi32, #tpu.memory_space<vmem>>
        %dma_start3A_138 = arith.constant 0 : i32
        %dma_start3A_139 = arith.constant 0 : i32
        %dma_start3A_140 = tpu.memref_slice %arg4[%dma_start3A_138, %dma_start3A_139] : memref<10000x128xf32, #tpu.memory_space<hbm>> -> memref<10000x128xf32, #tpu.memory_space<hbm>>
        tpu.enqueue_indirect_dma source(%dma_start3A_140 : memref<10000x128xf32, #tpu.memory_space<hbm>>) target(%arg13 : memref<64x128xf32, #tpu.memory_space<vmem>>) offsets(%dma_start3A_137 : memref<64xi32, #tpu.memory_space<vmem>>) semaphore(%arg18 : memref<!tpu.dma_semaphore, #tpu.memory_space<semaphore_mem>>)
        %mul3A_141 = arith.constant 64 : i32
        %mul3A_142 = arith.muli %add3A_131, %mul3A_141 : i32
        %dma_start3A_143 = arith.constant 0 : i32
        %dma_start3A_144 = tpu.memref_slice %arg6[%mul3A_142, %dma_start3A_143] : memref<160000x128xf32, #tpu.memory_space<hbm>> -> memref<64x128xf32, #tpu.memory_space<hbm>>
        %dma_start3A_145 = arith.constant 0 : i32
        %dma_start3A_146 = tpu.memref_slice %arg6[%mul3A_142, %dma_start3A_145] : memref<160000x128xf32, #tpu.memory_space<hbm>> -> memref<64x128xf32, #tpu.memory_space<hbm>>
        tpu.enqueue_dma source(%dma_start3A_146 : memref<64x128xf32, #tpu.memory_space<hbm>>) target(%arg15 : memref<64x128xf32, #tpu.memory_space<vmem>>) target_semaphore(%arg20 : memref<!tpu.dma_semaphore, #tpu.memory_space<semaphore_mem>>)
        %ge3A_147 = arith.constant 1 : i32
        %ge3A_148 = arith.cmpi sge, %while3A_123, %ge3A_147 : i32
        %convert_element_type3A_149 = arith.extui %ge3A_148 : i1 to i32
        %cond3A_150 = arith.constant 0 : i32
        %cond3A_151 = arith.cmpi ne, %convert_element_type3A_149, %cond3A_150 : i32
        scf.if %cond3A_151 {
          %dma_wait3A_223 = arith.constant 0 : i32
          %dma_wait3A_224 = arith.constant 0 : i32
          %dma_wait3A_225 = tpu.memref_slice %arg12[%dma_wait3A_223, %dma_wait3A_224] : memref<40x64xi32, #tpu.memory_space<vmem>> -> memref<1x64xi32, #tpu.memory_space<vmem>>
          %dma_wait3A_226 = tpu.memref_squeeze %dma_wait3A_225 : memref<1x64xi32, #tpu.memory_space<vmem>> -> memref<64xi32, #tpu.memory_space<vmem>>
          %dma_wait3A_227 = arith.constant 0 : i32
          %dma_wait3A_228 = arith.constant 0 : i32
          %dma_wait3A_229 = tpu.memref_slice %arg17[%dma_wait3A_227, %dma_wait3A_228] : memref<10112x128xf32, #tpu.memory_space<vmem_shared>> -> memref<10112x128xf32, #tpu.memory_space<vmem_shared>>
          tpu.wait_indirect_dma semaphore(%arg23 : memref<!tpu.dma_semaphore, #tpu.memory_space<semaphore_mem>>) src(%arg14 : memref<64x128xf32, #tpu.memory_space<vmem>>) dst(%dma_wait3A_229 : memref<10112x128xf32, #tpu.memory_space<vmem_shared>>)
          %dma_wait3A_230 = arith.constant 0 : i32
          %dma_wait3A_231 = arith.constant 0 : i32
          %dma_wait3A_232 = tpu.memref_slice %arg12[%dma_wait3A_230, %dma_wait3A_231] : memref<40x64xi32, #tpu.memory_space<vmem>> -> memref<1x64xi32, #tpu.memory_space<vmem>>
          %dma_wait3A_233 = tpu.memref_squeeze %dma_wait3A_232 : memref<1x64xi32, #tpu.memory_space<vmem>> -> memref<64xi32, #tpu.memory_space<vmem>>
          %dma_wait3A_234 = arith.constant 0 : i32
          %dma_wait3A_235 = arith.constant 0 : i32
          %dma_wait3A_236 = tpu.memref_slice %arg17[%dma_wait3A_234, %dma_wait3A_235] : memref<10112x128xf32, #tpu.memory_space<vmem_shared>> -> memref<10112x128xf32, #tpu.memory_space<vmem_shared>>
          tpu.wait_indirect_dma semaphore(%arg23 : memref<!tpu.dma_semaphore, #tpu.memory_space<semaphore_mem>>) src(%arg16 : memref<64x128xf32, #tpu.memory_space<vmem>>) dst(%dma_wait3A_236 : memref<10112x128xf32, #tpu.memory_space<vmem_shared>>)
        } else {
        }
        %add3A_152 = arith.constant 1 : i32
        %add3A_153 = arith.addi %mul3A_126, %add3A_152 : i32
        %dma_start3A_154 = arith.constant 0 : i32
        %dma_start3A_155 = tpu.memref_slice %arg11[%add3A_153, %dma_start3A_154] : memref<40x64xi32, #tpu.memory_space<vmem>> -> memref<1x64xi32, #tpu.memory_space<vmem>>
        %dma_start3A_156 = tpu.memref_squeeze %dma_start3A_155 : memref<1x64xi32, #tpu.memory_space<vmem>> -> memref<64xi32, #tpu.memory_space<vmem>>
        %dma_start3A_157 = arith.constant 0 : i32
        %dma_start3A_158 = arith.constant 0 : i32
        %dma_start3A_159 = tpu.memref_slice %arg4[%dma_start3A_157, %dma_start3A_158] : memref<10000x128xf32, #tpu.memory_space<hbm>> -> memref<10000x128xf32, #tpu.memory_space<hbm>>
        tpu.enqueue_indirect_dma source(%dma_start3A_159 : memref<10000x128xf32, #tpu.memory_space<hbm>>) target(%arg14 : memref<64x128xf32, #tpu.memory_space<vmem>>) offsets(%dma_start3A_156 : memref<64xi32, #tpu.memory_space<vmem>>) semaphore(%arg19 : memref<!tpu.dma_semaphore, #tpu.memory_space<semaphore_mem>>)
        %add3A_160 = arith.constant 1 : i32
        %add3A_161 = arith.addi %add3A_131, %add3A_160 : i32
        %mul3A_162 = arith.constant 64 : i32
        %mul3A_163 = arith.muli %add3A_161, %mul3A_162 : i32
        %dma_start3A_164 = arith.constant 0 : i32
        %dma_start3A_165 = tpu.memref_slice %arg6[%mul3A_163, %dma_start3A_164] : memref<160000x128xf32, #tpu.memory_space<hbm>> -> memref<64x128xf32, #tpu.memory_space<hbm>>
        %dma_start3A_166 = arith.constant 0 : i32
        %dma_start3A_167 = tpu.memref_slice %arg6[%mul3A_163, %dma_start3A_166] : memref<160000x128xf32, #tpu.memory_space<hbm>> -> memref<64x128xf32, #tpu.memory_space<hbm>>
        tpu.enqueue_dma source(%dma_start3A_167 : memref<64x128xf32, #tpu.memory_space<hbm>>) target(%arg16 : memref<64x128xf32, #tpu.memory_space<vmem>>) target_semaphore(%arg21 : memref<!tpu.dma_semaphore, #tpu.memory_space<semaphore_mem>>)
        %dma_wait3A_168 = arith.constant 0 : i32
        %dma_wait3A_169 = tpu.memref_slice %arg11[%mul3A_126, %dma_wait3A_168] : memref<40x64xi32, #tpu.memory_space<vmem>> -> memref<1x64xi32, #tpu.memory_space<vmem>>
        %dma_wait3A_170 = tpu.memref_squeeze %dma_wait3A_169 : memref<1x64xi32, #tpu.memory_space<vmem>> -> memref<64xi32, #tpu.memory_space<vmem>>
        %dma_wait3A_171 = arith.constant 0 : i32
        %dma_wait3A_172 = arith.constant 0 : i32
        %dma_wait3A_173 = tpu.memref_slice %arg4[%dma_wait3A_171, %dma_wait3A_172] : memref<10000x128xf32, #tpu.memory_space<hbm>> -> memref<10000x128xf32, #tpu.memory_space<hbm>>
        tpu.wait_indirect_dma semaphore(%arg18 : memref<!tpu.dma_semaphore, #tpu.memory_space<semaphore_mem>>) src(%dma_wait3A_173 : memref<10000x128xf32, #tpu.memory_space<hbm>>) dst(%arg13 : memref<64x128xf32, #tpu.memory_space<vmem>>)
        %mul3A_174 = arith.constant 64 : i32
        %mul3A_175 = arith.muli %add3A_131, %mul3A_174 : i32
        %dma_wait3A_176 = arith.constant 0 : i32
        %dma_wait3A_177 = tpu.memref_slice %arg6[%mul3A_175, %dma_wait3A_176] : memref<160000x128xf32, #tpu.memory_space<hbm>> -> memref<64x128xf32, #tpu.memory_space<hbm>>
        %dma_wait3A_178 = arith.constant 0 : i32
        %dma_wait3A_179 = tpu.memref_slice %arg6[%mul3A_175, %dma_wait3A_178] : memref<160000x128xf32, #tpu.memory_space<hbm>> -> memref<64x128xf32, #tpu.memory_space<hbm>>
        tpu.wait_dma2 semaphore(%arg20 : memref<!tpu.dma_semaphore, #tpu.memory_space<semaphore_mem>>) src(%dma_wait3A_179 : memref<64x128xf32, #tpu.memory_space<hbm>>) dst(%arg15 : memref<64x128xf32, #tpu.memory_space<vmem>>)
        %dma_start3A_180 = arith.constant 0 : i32
        %dma_start3A_181 = tpu.memref_slice %arg12[%mul3A_126, %dma_start3A_180] : memref<40x64xi32, #tpu.memory_space<vmem>> -> memref<1x64xi32, #tpu.memory_space<vmem>>
        %dma_start3A_182 = tpu.memref_squeeze %dma_start3A_181 : memref<1x64xi32, #tpu.memory_space<vmem>> -> memref<64xi32, #tpu.memory_space<vmem>>
        %dma_start3A_183 = arith.constant 0 : i32
        %dma_start3A_184 = arith.constant 0 : i32
        %dma_start3A_185 = tpu.memref_slice %arg17[%dma_start3A_183, %dma_start3A_184] : memref<10112x128xf32, #tpu.memory_space<vmem_shared>> -> memref<10112x128xf32, #tpu.memory_space<vmem_shared>>
        tpu.enqueue_indirect_dma source(%arg13 : memref<64x128xf32, #tpu.memory_space<vmem>>) target(%dma_start3A_185 : memref<10112x128xf32, #tpu.memory_space<vmem_shared>>) offsets(%dma_start3A_182 : memref<64xi32, #tpu.memory_space<vmem>>) semaphore(%arg22 : memref<!tpu.dma_semaphore, #tpu.memory_space<semaphore_mem>>) {add = true}
        %dma_start3A_186 = arith.constant 0 : i32
        %dma_start3A_187 = tpu.memref_slice %arg12[%mul3A_126, %dma_start3A_186] : memref<40x64xi32, #tpu.memory_space<vmem>> -> memref<1x64xi32, #tpu.memory_space<vmem>>
        %dma_start3A_188 = tpu.memref_squeeze %dma_start3A_187 : memref<1x64xi32, #tpu.memory_space<vmem>> -> memref<64xi32, #tpu.memory_space<vmem>>
        %dma_start3A_189 = arith.constant 0 : i32
        %dma_start3A_190 = arith.constant 0 : i32
        %dma_start3A_191 = tpu.memref_slice %arg17[%dma_start3A_189, %dma_start3A_190] : memref<10112x128xf32, #tpu.memory_space<vmem_shared>> -> memref<10112x128xf32, #tpu.memory_space<vmem_shared>>
        tpu.enqueue_indirect_dma source(%arg15 : memref<64x128xf32, #tpu.memory_space<vmem>>) target(%dma_start3A_191 : memref<10112x128xf32, #tpu.memory_space<vmem_shared>>) offsets(%dma_start3A_188 : memref<64xi32, #tpu.memory_space<vmem>>) semaphore(%arg22 : memref<!tpu.dma_semaphore, #tpu.memory_space<semaphore_mem>>) {add = true}
        %add3A_192 = arith.constant 1 : i32
        %add3A_193 = arith.addi %mul3A_126, %add3A_192 : i32
        %dma_wait3A_194 = arith.constant 0 : i32
        %dma_wait3A_195 = tpu.memref_slice %arg11[%add3A_193, %dma_wait3A_194] : memref<40x64xi32, #tpu.memory_space<vmem>> -> memref<1x64xi32, #tpu.memory_space<vmem>>
        %dma_wait3A_196 = tpu.memref_squeeze %dma_wait3A_195 : memref<1x64xi32, #tpu.memory_space<vmem>> -> memref<64xi32, #tpu.memory_space<vmem>>
        %dma_wait3A_197 = arith.constant 0 : i32
        %dma_wait3A_198 = arith.constant 0 : i32
        %dma_wait3A_199 = tpu.memref_slice %arg4[%dma_wait3A_197, %dma_wait3A_198] : memref<10000x128xf32, #tpu.memory_space<hbm>> -> memref<10000x128xf32, #tpu.memory_space<hbm>>
        tpu.wait_indirect_dma semaphore(%arg19 : memref<!tpu.dma_semaphore, #tpu.memory_space<semaphore_mem>>) src(%dma_wait3A_199 : memref<10000x128xf32, #tpu.memory_space<hbm>>) dst(%arg14 : memref<64x128xf32, #tpu.memory_space<vmem>>)
        %mul3A_200 = arith.constant 64 : i32
        %mul3A_201 = arith.muli %add3A_131, %mul3A_200 : i32
        %dma_wait3A_202 = arith.constant 0 : i32
        %dma_wait3A_203 = tpu.memref_slice %arg6[%mul3A_201, %dma_wait3A_202] : memref<160000x128xf32, #tpu.memory_space<hbm>> -> memref<64x128xf32, #tpu.memory_space<hbm>>
        %dma_wait3A_204 = arith.constant 0 : i32
        %dma_wait3A_205 = tpu.memref_slice %arg6[%mul3A_201, %dma_wait3A_204] : memref<160000x128xf32, #tpu.memory_space<hbm>> -> memref<64x128xf32, #tpu.memory_space<hbm>>
        tpu.wait_dma2 semaphore(%arg21 : memref<!tpu.dma_semaphore, #tpu.memory_space<semaphore_mem>>) src(%dma_wait3A_205 : memref<64x128xf32, #tpu.memory_space<hbm>>) dst(%arg16 : memref<64x128xf32, #tpu.memory_space<vmem>>)
        %add3A_206 = arith.constant 1 : i32
        %add3A_207 = arith.addi %mul3A_126, %add3A_206 : i32
        %dma_start3A_208 = arith.constant 0 : i32
        %dma_start3A_209 = tpu.memref_slice %arg12[%add3A_207, %dma_start3A_208] : memref<40x64xi32, #tpu.memory_space<vmem>> -> memref<1x64xi32, #tpu.memory_space<vmem>>
        %dma_start3A_210 = tpu.memref_squeeze %dma_start3A_209 : memref<1x64xi32, #tpu.memory_space<vmem>> -> memref<64xi32, #tpu.memory_space<vmem>>
        %dma_start3A_211 = arith.constant 0 : i32
        %dma_start3A_212 = arith.constant 0 : i32
        %dma_start3A_213 = tpu.memref_slice %arg17[%dma_start3A_211, %dma_start3A_212] : memref<10112x128xf32, #tpu.memory_space<vmem_shared>> -> memref<10112x128xf32, #tpu.memory_space<vmem_shared>>
        tpu.enqueue_indirect_dma source(%arg14 : memref<64x128xf32, #tpu.memory_space<vmem>>) target(%dma_start3A_213 : memref<10112x128xf32, #tpu.memory_space<vmem_shared>>) offsets(%dma_start3A_210 : memref<64xi32, #tpu.memory_space<vmem>>) semaphore(%arg23 : memref<!tpu.dma_semaphore, #tpu.memory_space<semaphore_mem>>) {add = true}
        %add3A_214 = arith.constant 1 : i32
        %add3A_215 = arith.addi %mul3A_126, %add3A_214 : i32
        %dma_start3A_216 = arith.constant 0 : i32
        %dma_start3A_217 = tpu.memref_slice %arg12[%add3A_215, %dma_start3A_216] : memref<40x64xi32, #tpu.memory_space<vmem>> -> memref<1x64xi32, #tpu.memory_space<vmem>>
        %dma_start3A_218 = tpu.memref_squeeze %dma_start3A_217 : memref<1x64xi32, #tpu.memory_space<vmem>> -> memref<64xi32, #tpu.memory_space<vmem>>
        %dma_start3A_219 = arith.constant 0 : i32
        %dma_start3A_220 = arith.constant 0 : i32
        %dma_start3A_221 = tpu.memref_slice %arg17[%dma_start3A_219, %dma_start3A_220] : memref<10112x128xf32, #tpu.memory_space<vmem_shared>> -> memref<10112x128xf32, #tpu.memory_space<vmem_shared>>
        tpu.enqueue_indirect_dma source(%arg16 : memref<64x128xf32, #tpu.memory_space<vmem>>) target(%dma_start3A_221 : memref<10112x128xf32, #tpu.memory_space<vmem_shared>>) offsets(%dma_start3A_218 : memref<64xi32, #tpu.memory_space<vmem>>) semaphore(%arg23 : memref<!tpu.dma_semaphore, #tpu.memory_space<semaphore_mem>>) {add = true}
        %while3A_222 = arith.constant 0 : i32
        scf.yield %while3A_222 : i32
      }
      %while3A_94 = arith.constant 1 : i32
      %while3A_95 = scf.for %while3A_123 = %while3A_91 to %while3A_87 step %while3A_94 iter_args(%while3A_124 = %while3A_93) -> (i32)  : i32 {
        %mul3A_125 = arith.constant 2 : i32
        %mul3A_126 = arith.muli %mul3A_125, %while3A_123 : i32
        %mul3A_127 = arith.constant 80 : i32
        %mul3A_128 = arith.muli %mul3A_127, %add3A : i32
        %add3A_129 = arith.constant 40 : i32
        %add3A_130 = arith.addi %mul3A_128, %add3A_129 : i32
        %add3A_131 = arith.addi %add3A_130, %mul3A_126 : i32
        %ge3A = arith.constant 1 : i32
        %ge3A_132 = arith.cmpi sge, %while3A_123, %ge3A : i32
        %convert_element_type3A_133 = arith.extui %ge3A_132 : i1 to i32
        %cond3A_134 = arith.constant 0 : i32
        %cond3A_135 = arith.cmpi ne, %convert_element_type3A_133, %cond3A_134 : i32
        scf.if %cond3A_135 {
          %dma_wait3A_223 = arith.constant 0 : i32
          %dma_wait3A_224 = arith.constant 0 : i32
          %dma_wait3A_225 = tpu.memref_slice %arg12[%dma_wait3A_223, %dma_wait3A_224] : memref<40x64xi32, #tpu.memory_space<vmem>> -> memref<1x64xi32, #tpu.memory_space<vmem>>
          %dma_wait3A_226 = tpu.memref_squeeze %dma_wait3A_225 : memref<1x64xi32, #tpu.memory_space<vmem>> -> memref<64xi32, #tpu.memory_space<vmem>>
          %dma_wait3A_227 = arith.constant 0 : i32
          %dma_wait3A_228 = arith.constant 0 : i32
          %dma_wait3A_229 = tpu.memref_slice %arg17[%dma_wait3A_227, %dma_wait3A_228] : memref<10112x128xf32, #tpu.memory_space<vmem_shared>> -> memref<10112x128xf32, #tpu.memory_space<vmem_shared>>
          tpu.wait_indirect_dma semaphore(%arg22 : memref<!tpu.dma_semaphore, #tpu.memory_space<semaphore_mem>>) src(%arg13 : memref<64x128xf32, #tpu.memory_space<vmem>>) dst(%dma_wait3A_229 : memref<10112x128xf32, #tpu.memory_space<vmem_shared>>)
          %dma_wait3A_230 = arith.constant 0 : i32
          %dma_wait3A_231 = arith.constant 0 : i32
          %dma_wait3A_232 = tpu.memref_slice %arg12[%dma_wait3A_230, %dma_wait3A_231] : memref<40x64xi32, #tpu.memory_space<vmem>> -> memref<1x64xi32, #tpu.memory_space<vmem>>
          %dma_wait3A_233 = tpu.memref_squeeze %dma_wait3A_232 : memref<1x64xi32, #tpu.memory_space<vmem>> -> memref<64xi32, #tpu.memory_space<vmem>>
          %dma_wait3A_234 = arith.constant 0 : i32
          %dma_wait3A_235 = arith.constant 0 : i32
          %dma_wait3A_236 = tpu.memref_slice %arg17[%dma_wait3A_234, %dma_wait3A_235] : memref<10112x128xf32, #tpu.memory_space<vmem_shared>> -> memref<10112x128xf32, #tpu.memory_space<vmem_shared>>
          tpu.wait_indirect_dma semaphore(%arg22 : memref<!tpu.dma_semaphore, #tpu.memory_space<semaphore_mem>>) src(%arg15 : memref<64x128xf32, #tpu.memory_space<vmem>>) dst(%dma_wait3A_236 : memref<10112x128xf32, #tpu.memory_space<vmem_shared>>)
        } else {
        }
        %dma_start3A = arith.constant 0 : i32
        %dma_start3A_136 = tpu.memref_slice %arg11[%mul3A_126, %dma_start3A] : memref<40x64xi32, #tpu.memory_space<vmem>> -> memref<1x64xi32, #tpu.memory_space<vmem>>
        %dma_start3A_137 = tpu.memref_squeeze %dma_start3A_136 : memref<1x64xi32, #tpu.memory_space<vmem>> -> memref<64xi32, #tpu.memory_space<vmem>>
        %dma_start3A_138 = arith.constant 0 : i32
        %dma_start3A_139 = arith.constant 0 : i32
        %dma_start3A_140 = tpu.memref_slice %arg4[%dma_start3A_138, %dma_start3A_139] : memref<10000x128xf32, #tpu.memory_space<hbm>> -> memref<10000x128xf32, #tpu.memory_space<hbm>>
        tpu.enqueue_indirect_dma source(%dma_start3A_140 : memref<10000x128xf32, #tpu.memory_space<hbm>>) target(%arg13 : memref<64x128xf32, #tpu.memory_space<vmem>>) offsets(%dma_start3A_137 : memref<64xi32, #tpu.memory_space<vmem>>) semaphore(%arg18 : memref<!tpu.dma_semaphore, #tpu.memory_space<semaphore_mem>>)
        %mul3A_141 = arith.constant 64 : i32
        %mul3A_142 = arith.muli %add3A_131, %mul3A_141 : i32
        %dma_start3A_143 = arith.constant 0 : i32
        %dma_start3A_144 = tpu.memref_slice %arg6[%mul3A_142, %dma_start3A_143] : memref<160000x128xf32, #tpu.memory_space<hbm>> -> memref<64x128xf32, #tpu.memory_space<hbm>>
        %dma_start3A_145 = arith.constant 0 : i32
        %dma_start3A_146 = tpu.memref_slice %arg6[%mul3A_142, %dma_start3A_145] : memref<160000x128xf32, #tpu.memory_space<hbm>> -> memref<64x128xf32, #tpu.memory_space<hbm>>
        tpu.enqueue_dma source(%dma_start3A_146 : memref<64x128xf32, #tpu.memory_space<hbm>>) target(%arg15 : memref<64x128xf32, #tpu.memory_space<vmem>>) target_semaphore(%arg20 : memref<!tpu.dma_semaphore, #tpu.memory_space<semaphore_mem>>)
        %ge3A_147 = arith.constant 1 : i32
        %ge3A_148 = arith.cmpi sge, %while3A_123, %ge3A_147 : i32
        %convert_element_type3A_149 = arith.extui %ge3A_148 : i1 to i32
        %cond3A_150 = arith.constant 0 : i32
        %cond3A_151 = arith.cmpi ne, %convert_element_type3A_149, %cond3A_150 : i32
        scf.if %cond3A_151 {
          %dma_wait3A_223 = arith.constant 0 : i32
          %dma_wait3A_224 = arith.constant 0 : i32
          %dma_wait3A_225 = tpu.memref_slice %arg12[%dma_wait3A_223, %dma_wait3A_224] : memref<40x64xi32, #tpu.memory_space<vmem>> -> memref<1x64xi32, #tpu.memory_space<vmem>>
          %dma_wait3A_226 = tpu.memref_squeeze %dma_wait3A_225 : memref<1x64xi32, #tpu.memory_space<vmem>> -> memref<64xi32, #tpu.memory_space<vmem>>
          %dma_wait3A_227 = arith.constant 0 : i32
          %dma_wait3A_228 = arith.constant 0 : i32
          %dma_wait3A_229 = tpu.memref_slice %arg17[%dma_wait3A_227, %dma_wait3A_228] : memref<10112x128xf32, #tpu.memory_space<vmem_shared>> -> memref<10112x128xf32, #tpu.memory_space<vmem_shared>>
          tpu.wait_indirect_dma semaphore(%arg23 : memref<!tpu.dma_semaphore, #tpu.memory_space<semaphore_mem>>) src(%arg14 : memref<64x128xf32, #tpu.memory_space<vmem>>) dst(%dma_wait3A_229 : memref<10112x128xf32, #tpu.memory_space<vmem_shared>>)
          %dma_wait3A_230 = arith.constant 0 : i32
          %dma_wait3A_231 = arith.constant 0 : i32
          %dma_wait3A_232 = tpu.memref_slice %arg12[%dma_wait3A_230, %dma_wait3A_231] : memref<40x64xi32, #tpu.memory_space<vmem>> -> memref<1x64xi32, #tpu.memory_space<vmem>>
          %dma_wait3A_233 = tpu.memref_squeeze %dma_wait3A_232 : memref<1x64xi32, #tpu.memory_space<vmem>> -> memref<64xi32, #tpu.memory_space<vmem>>
          %dma_wait3A_234 = arith.constant 0 : i32
          %dma_wait3A_235 = arith.constant 0 : i32
          %dma_wait3A_236 = tpu.memref_slice %arg17[%dma_wait3A_234, %dma_wait3A_235] : memref<10112x128xf32, #tpu.memory_space<vmem_shared>> -> memref<10112x128xf32, #tpu.memory_space<vmem_shared>>
          tpu.wait_indirect_dma semaphore(%arg23 : memref<!tpu.dma_semaphore, #tpu.memory_space<semaphore_mem>>) src(%arg16 : memref<64x128xf32, #tpu.memory_space<vmem>>) dst(%dma_wait3A_236 : memref<10112x128xf32, #tpu.memory_space<vmem_shared>>)
        } else {
        }
        %add3A_152 = arith.constant 1 : i32
        %add3A_153 = arith.addi %mul3A_126, %add3A_152 : i32
        %dma_start3A_154 = arith.constant 0 : i32
        %dma_start3A_155 = tpu.memref_slice %arg11[%add3A_153, %dma_start3A_154] : memref<40x64xi32, #tpu.memory_space<vmem>> -> memref<1x64xi32, #tpu.memory_space<vmem>>
        %dma_start3A_156 = tpu.memref_squeeze %dma_start3A_155 : memref<1x64xi32, #tpu.memory_space<vmem>> -> memref<64xi32, #tpu.memory_space<vmem>>
        %dma_start3A_157 = arith.constant 0 : i32
        %dma_start3A_158 = arith.constant 0 : i32
        %dma_start3A_159 = tpu.memref_slice %arg4[%dma_start3A_157, %dma_start3A_158] : memref<10000x128xf32, #tpu.memory_space<hbm>> -> memref<10000x128xf32, #tpu.memory_space<hbm>>
        tpu.enqueue_indirect_dma source(%dma_start3A_159 : memref<10000x128xf32, #tpu.memory_space<hbm>>) target(%arg14 : memref<64x128xf32, #tpu.memory_space<vmem>>) offsets(%dma_start3A_156 : memref<64xi32, #tpu.memory_space<vmem>>) semaphore(%arg19 : memref<!tpu.dma_semaphore, #tpu.memory_space<semaphore_mem>>)
        %add3A_160 = arith.constant 1 : i32
        %add3A_161 = arith.addi %add3A_131, %add3A_160 : i32
        %mul3A_162 = arith.constant 64 : i32
        %mul3A_163 = arith.muli %add3A_161, %mul3A_162 : i32
        %dma_start3A_164 = arith.constant 0 : i32
        %dma_start3A_165 = tpu.memref_slice %arg6[%mul3A_163, %dma_start3A_164] : memref<160000x128xf32, #tpu.memory_space<hbm>> -> memref<64x128xf32, #tpu.memory_space<hbm>>
        %dma_start3A_166 = arith.constant 0 : i32
        %dma_start3A_167 = tpu.memref_slice %arg6[%mul3A_163, %dma_start3A_166] : memref<160000x128xf32, #tpu.memory_space<hbm>> -> memref<64x128xf32, #tpu.memory_space<hbm>>
        tpu.enqueue_dma source(%dma_start3A_167 : memref<64x128xf32, #tpu.memory_space<hbm>>) target(%arg16 : memref<64x128xf32, #tpu.memory_space<vmem>>) target_semaphore(%arg21 : memref<!tpu.dma_semaphore, #tpu.memory_space<semaphore_mem>>)
        %dma_wait3A_168 = arith.constant 0 : i32
        %dma_wait3A_169 = tpu.memref_slice %arg11[%mul3A_126, %dma_wait3A_168] : memref<40x64xi32, #tpu.memory_space<vmem>> -> memref<1x64xi32, #tpu.memory_space<vmem>>
        %dma_wait3A_170 = tpu.memref_squeeze %dma_wait3A_169 : memref<1x64xi32, #tpu.memory_space<vmem>> -> memref<64xi32, #tpu.memory_space<vmem>>
        %dma_wait3A_171 = arith.constant 0 : i32
        %dma_wait3A_172 = arith.constant 0 : i32
        %dma_wait3A_173 = tpu.memref_slice %arg4[%dma_wait3A_171, %dma_wait3A_172] : memref<10000x128xf32, #tpu.memory_space<hbm>> -> memref<10000x128xf32, #tpu.memory_space<hbm>>
        tpu.wait_indirect_dma semaphore(%arg18 : memref<!tpu.dma_semaphore, #tpu.memory_space<semaphore_mem>>) src(%dma_wait3A_173 : memref<10000x128xf32, #tpu.memory_space<hbm>>) dst(%arg13 : memref<64x128xf32, #tpu.memory_space<vmem>>)
        %mul3A_174 = arith.constant 64 : i32
        %mul3A_175 = arith.muli %add3A_131, %mul3A_174 : i32
        %dma_wait3A_176 = arith.constant 0 : i32
        %dma_wait3A_177 = tpu.memref_slice %arg6[%mul3A_175, %dma_wait3A_176] : memref<160000x128xf32, #tpu.memory_space<hbm>> -> memref<64x128xf32, #tpu.memory_space<hbm>>
        %dma_wait3A_178 = arith.constant 0 : i32
        %dma_wait3A_179 = tpu.memref_slice %arg6[%mul3A_175, %dma_wait3A_178] : memref<160000x128xf32, #tpu.memory_space<hbm>> -> memref<64x128xf32, #tpu.memory_space<hbm>>
        tpu.wait_dma2 semaphore(%arg20 : memref<!tpu.dma_semaphore, #tpu.memory_space<semaphore_mem>>) src(%dma_wait3A_179 : memref<64x128xf32, #tpu.memory_space<hbm>>) dst(%arg15 : memref<64x128xf32, #tpu.memory_space<vmem>>)
        %dma_start3A_180 = arith.constant 0 : i32
        %dma_start3A_181 = tpu.memref_slice %arg12[%mul3A_126, %dma_start3A_180] : memref<40x64xi32, #tpu.memory_space<vmem>> -> memref<1x64xi32, #tpu.memory_space<vmem>>
        %dma_start3A_182 = tpu.memref_squeeze %dma_start3A_181 : memref<1x64xi32, #tpu.memory_space<vmem>> -> memref<64xi32, #tpu.memory_space<vmem>>
        %dma_start3A_183 = arith.constant 0 : i32
        %dma_start3A_184 = arith.constant 0 : i32
        %dma_start3A_185 = tpu.memref_slice %arg17[%dma_start3A_183, %dma_start3A_184] : memref<10112x128xf32, #tpu.memory_space<vmem_shared>> -> memref<10112x128xf32, #tpu.memory_space<vmem_shared>>
        tpu.enqueue_indirect_dma source(%arg13 : memref<64x128xf32, #tpu.memory_space<vmem>>) target(%dma_start3A_185 : memref<10112x128xf32, #tpu.memory_space<vmem_shared>>) offsets(%dma_start3A_182 : memref<64xi32, #tpu.memory_space<vmem>>) semaphore(%arg22 : memref<!tpu.dma_semaphore, #tpu.memory_space<semaphore_mem>>) {add = true}
        %dma_start3A_186 = arith.constant 0 : i32
        %dma_start3A_187 = tpu.memref_slice %arg12[%mul3A_126, %dma_start3A_186] : memref<40x64xi32, #tpu.memory_space<vmem>> -> memref<1x64xi32, #tpu.memory_space<vmem>>
        %dma_start3A_188 = tpu.memref_squeeze %dma_start3A_187 : memref<1x64xi32, #tpu.memory_space<vmem>> -> memref<64xi32, #tpu.memory_space<vmem>>
        %dma_start3A_189 = arith.constant 0 : i32
        %dma_start3A_190 = arith.constant 0 : i32
        %dma_start3A_191 = tpu.memref_slice %arg17[%dma_start3A_189, %dma_start3A_190] : memref<10112x128xf32, #tpu.memory_space<vmem_shared>> -> memref<10112x128xf32, #tpu.memory_space<vmem_shared>>
        tpu.enqueue_indirect_dma source(%arg15 : memref<64x128xf32, #tpu.memory_space<vmem>>) target(%dma_start3A_191 : memref<10112x128xf32, #tpu.memory_space<vmem_shared>>) offsets(%dma_start3A_188 : memref<64xi32, #tpu.memory_space<vmem>>) semaphore(%arg22 : memref<!tpu.dma_semaphore, #tpu.memory_space<semaphore_mem>>) {add = true}
        %add3A_192 = arith.constant 1 : i32
        %add3A_193 = arith.addi %mul3A_126, %add3A_192 : i32
        %dma_wait3A_194 = arith.constant 0 : i32
        %dma_wait3A_195 = tpu.memref_slice %arg11[%add3A_193, %dma_wait3A_194] : memref<40x64xi32, #tpu.memory_space<vmem>> -> memref<1x64xi32, #tpu.memory_space<vmem>>
        %dma_wait3A_196 = tpu.memref_squeeze %dma_wait3A_195 : memref<1x64xi32, #tpu.memory_space<vmem>> -> memref<64xi32, #tpu.memory_space<vmem>>
        %dma_wait3A_197 = arith.constant 0 : i32
        %dma_wait3A_198 = arith.constant 0 : i32
        %dma_wait3A_199 = tpu.memref_slice %arg4[%dma_wait3A_197, %dma_wait3A_198] : memref<10000x128xf32, #tpu.memory_space<hbm>> -> memref<10000x128xf32, #tpu.memory_space<hbm>>
        tpu.wait_indirect_dma semaphore(%arg19 : memref<!tpu.dma_semaphore, #tpu.memory_space<semaphore_mem>>) src(%dma_wait3A_199 : memref<10000x128xf32, #tpu.memory_space<hbm>>) dst(%arg14 : memref<64x128xf32, #tpu.memory_space<vmem>>)
        %mul3A_200 = arith.constant 64 : i32
        %mul3A_201 = arith.muli %add3A_131, %mul3A_200 : i32
        %dma_wait3A_202 = arith.constant 0 : i32
        %dma_wait3A_203 = tpu.memref_slice %arg6[%mul3A_201, %dma_wait3A_202] : memref<160000x128xf32, #tpu.memory_space<hbm>> -> memref<64x128xf32, #tpu.memory_space<hbm>>
        %dma_wait3A_204 = arith.constant 0 : i32
        %dma_wait3A_205 = tpu.memref_slice %arg6[%mul3A_201, %dma_wait3A_204] : memref<160000x128xf32, #tpu.memory_space<hbm>> -> memref<64x128xf32, #tpu.memory_space<hbm>>
        tpu.wait_dma2 semaphore(%arg21 : memref<!tpu.dma_semaphore, #tpu.memory_space<semaphore_mem>>) src(%dma_wait3A_205 : memref<64x128xf32, #tpu.memory_space<hbm>>) dst(%arg16 : memref<64x128xf32, #tpu.memory_space<vmem>>)
        %add3A_206 = arith.constant 1 : i32
        %add3A_207 = arith.addi %mul3A_126, %add3A_206 : i32
        %dma_start3A_208 = arith.constant 0 : i32
        %dma_start3A_209 = tpu.memref_slice %arg12[%add3A_207, %dma_start3A_208] : memref<40x64xi32, #tpu.memory_space<vmem>> -> memref<1x64xi32, #tpu.memory_space<vmem>>
        %dma_start3A_210 = tpu.memref_squeeze %dma_start3A_209 : memref<1x64xi32, #tpu.memory_space<vmem>> -> memref<64xi32, #tpu.memory_space<vmem>>
        %dma_start3A_211 = arith.constant 0 : i32
        %dma_start3A_212 = arith.constant 0 : i32
        %dma_start3A_213 = tpu.memref_slice %arg17[%dma_start3A_211, %dma_start3A_212] : memref<10112x128xf32, #tpu.memory_space<vmem_shared>> -> memref<10112x128xf32, #tpu.memory_space<vmem_shared>>
        tpu.enqueue_indirect_dma source(%arg14 : memref<64x128xf32, #tpu.memory_space<vmem>>) target(%dma_start3A_213 : memref<10112x128xf32, #tpu.memory_space<vmem_shared>>) offsets(%dma_start3A_210 : memref<64xi32, #tpu.memory_space<vmem>>) semaphore(%arg23 : memref<!tpu.dma_semaphore, #tpu.memory_space<semaphore_mem>>) {add = true}
        %add3A_214 = arith.constant 1 : i32
        %add3A_215 = arith.addi %mul3A_126, %add3A_214 : i32
        %dma_start3A_216 = arith.constant 0 : i32
        %dma_start3A_217 = tpu.memref_slice %arg12[%add3A_215, %dma_start3A_216] : memref<40x64xi32, #tpu.memory_space<vmem>> -> memref<1x64xi32, #tpu.memory_space<vmem>>
        %dma_start3A_218 = tpu.memref_squeeze %dma_start3A_217 : memref<1x64xi32, #tpu.memory_space<vmem>> -> memref<64xi32, #tpu.memory_space<vmem>>
        %dma_start3A_219 = arith.constant 0 : i32
        %dma_start3A_220 = arith.constant 0 : i32
        %dma_start3A_221 = tpu.memref_slice %arg17[%dma_start3A_219, %dma_start3A_220] : memref<10112x128xf32, #tpu.memory_space<vmem_shared>> -> memref<10112x128xf32, #tpu.memory_space<vmem_shared>>
        tpu.enqueue_indirect_dma source(%arg16 : memref<64x128xf32, #tpu.memory_space<vmem>>) target(%dma_start3A_221 : memref<10112x128xf32, #tpu.memory_space<vmem_shared>>) offsets(%dma_start3A_218 : memref<64xi32, #tpu.memory_space<vmem>>) semaphore(%arg23 : memref<!tpu.dma_semaphore, #tpu.memory_space<semaphore_mem>>) {add = true}
        %while3A_222 = arith.constant 0 : i32
        scf.yield %while3A_222 : i32
      }
      %dma_wait3A = arith.constant 0 : i32
      %dma_wait3A_96 = arith.constant 0 : i32
      %dma_wait3A_97 = tpu.memref_slice %arg12[%dma_wait3A, %dma_wait3A_96] : memref<40x64xi32, #tpu.memory_space<vmem>> -> memref<1x64xi32, #tpu.memory_space<vmem>>
      %dma_wait3A_98 = tpu.memref_squeeze %dma_wait3A_97 : memref<1x64xi32, #tpu.memory_space<vmem>> -> memref<64xi32, #tpu.memory_space<vmem>>
      %dma_wait3A_99 = arith.constant 0 : i32
      %dma_wait3A_100 = arith.constant 0 : i32
      %dma_wait3A_101 = tpu.memref_slice %arg17[%dma_wait3A_99, %dma_wait3A_100] : memref<10112x128xf32, #tpu.memory_space<vmem_shared>> -> memref<10112x128xf32, #tpu.memory_space<vmem_shared>>
      tpu.wait_indirect_dma semaphore(%arg22 : memref<!tpu.dma_semaphore, #tpu.memory_space<semaphore_mem>>) src(%arg13 : memref<64x128xf32, #tpu.memory_space<vmem>>) dst(%dma_wait3A_101 : memref<10112x128xf32, #tpu.memory_space<vmem_shared>>)
      %dma_wait3A_102 = arith.constant 0 : i32
      %dma_wait3A_103 = arith.constant 0 : i32
      %dma_wait3A_104 = tpu.memref_slice %arg12[%dma_wait3A_102, %dma_wait3A_103] : memref<40x64xi32, #tpu.memory_space<vmem>> -> memref<1x64xi32, #tpu.memory_space<vmem>>
      %dma_wait3A_105 = tpu.memref_squeeze %dma_wait3A_104 : memref<1x64xi32, #tpu.memory_space<vmem>> -> memref<64xi32, #tpu.memory_space<vmem>>
      %dma_wait3A_106 = arith.constant 0 : i32
      %dma_wait3A_107 = arith.constant 0 : i32
      %dma_wait3A_108 = tpu.memref_slice %arg17[%dma_wait3A_106, %dma_wait3A_107] : memref<10112x128xf32, #tpu.memory_space<vmem_shared>> -> memref<10112x128xf32, #tpu.memory_space<vmem_shared>>
      tpu.wait_indirect_dma semaphore(%arg22 : memref<!tpu.dma_semaphore, #tpu.memory_space<semaphore_mem>>) src(%arg15 : memref<64x128xf32, #tpu.memory_space<vmem>>) dst(%dma_wait3A_108 : memref<10112x128xf32, #tpu.memory_space<vmem_shared>>)
      %dma_wait3A_109 = arith.constant 0 : i32
      %dma_wait3A_110 = arith.constant 0 : i32
      %dma_wait3A_111 = tpu.memref_slice %arg12[%dma_wait3A_109, %dma_wait3A_110] : memref<40x64xi32, #tpu.memory_space<vmem>> -> memref<1x64xi32, #tpu.memory_space<vmem>>
      %dma_wait3A_112 = tpu.memref_squeeze %dma_wait3A_111 : memref<1x64xi32, #tpu.memory_space<vmem>> -> memref<64xi32, #tpu.memory_space<vmem>>
      %dma_wait3A_113 = arith.constant 0 : i32
      %dma_wait3A_114 = arith.constant 0 : i32
      %dma_wait3A_115 = tpu.memref_slice %arg17[%dma_wait3A_113, %dma_wait3A_114] : memref<10112x128xf32, #tpu.memory_space<vmem_shared>> -> memref<10112x128xf32, #tpu.memory_space<vmem_shared>>
      tpu.wait_indirect_dma semaphore(%arg23 : memref<!tpu.dma_semaphore, #tpu.memory_space<semaphore_mem>>) src(%arg14 : memref<64x128xf32, #tpu.memory_space<vmem>>) dst(%dma_wait3A_115 : memref<10112x128xf32, #tpu.memory_space<vmem_shared>>)
      %dma_wait3A_116 = arith.constant 0 : i32
      %dma_wait3A_117 = arith.constant 0 : i32
      %dma_wait3A_118 = tpu.memref_slice %arg12[%dma_wait3A_116, %dma_wait3A_117] : memref<40x64xi32, #tpu.memory_space<vmem>> -> memref<1x64xi32, #tpu.memory_space<vmem>>
      %dma_wait3A_119 = tpu.memref_squeeze %dma_wait3A_118 : memref<1x64xi32, #tpu.memory_space<vmem>> -> memref<64xi32, #tpu.memory_space<vmem>>
      %dma_wait3A_120 = arith.constant 0 : i32
      %dma_wait3A_121 = arith.constant 0 : i32
      %dma_wait3A_122 = tpu.memref_slice %arg17[%dma_wait3A_120, %dma_wait3A_121] : memref<10112x128xf32, #tpu.memory_space<vmem_shared>> -> memref<10112x128xf32, #tpu.memory_space<vmem_shared>>
      tpu.wait_indirect_dma semaphore(%arg23 : memref<!tpu.dma_semaphore, #tpu.memory_space<semaphore_mem>>) src(%arg16 : memref<64x128xf32, #tpu.memory_space<vmem>>) dst(%dma_wait3A_122 : memref<10112x128xf32, #tpu.memory_space<vmem_shared>>)
    } else {
    }
    %barrier3A_21 = arith.constant 0 : index
    tpu.barrier barrier_id(%barrier3A_21)
    %mul3A_22 = arith.constant 632 : i32
    %mul3A_23 = arith.muli %mul3A_22, %arg1 : i32
    %mul3A_24 = arith.constant 632 : i32
    %mul3A_25 = arith.muli %mul3A_24, %arg1 : i32
    "tpu.region"() ({
      %run_scoped3A = tpu.sem_alloc : memref<!tpu.dma_semaphore, #tpu.memory_space<semaphore_mem>>
      %dma_start3A = arith.constant 0 : i32
      %dma_start3A_58 = tpu.memref_slice %arg9[%arg0, %mul3A_25, %dma_start3A] : memref<2x10112x128xf32, #tpu.memory_space<hbm>> -> memref<1x632x128xf32, #tpu.memory_space<hbm>>
      %dma_start3A_59 = tpu.memref_squeeze %dma_start3A_58 : memref<1x632x128xf32, #tpu.memory_space<hbm>> -> memref<632x128xf32, #tpu.memory_space<hbm>>
      %dma_start3A_60 = arith.constant 0 : i32
      %dma_start3A_61 = tpu.memref_slice %arg17[%mul3A_23, %dma_start3A_60] : memref<10112x128xf32, #tpu.memory_space<vmem_shared>> -> memref<632x128xf32, #tpu.memory_space<vmem_shared>>
      tpu.enqueue_dma source(%dma_start3A_61 : memref<632x128xf32, #tpu.memory_space<vmem_shared>>) target(%dma_start3A_59 : memref<632x128xf32, #tpu.memory_space<hbm>>) target_semaphore(%run_scoped3A : memref<!tpu.dma_semaphore, #tpu.memory_space<semaphore_mem>>)
      %dma_wait3A = arith.constant 0 : i32
      %dma_wait3A_62 = tpu.memref_slice %arg9[%arg0, %mul3A_25, %dma_wait3A] : memref<2x10112x128xf32, #tpu.memory_space<hbm>> -> memref<1x632x128xf32, #tpu.memory_space<hbm>>
      %dma_wait3A_63 = tpu.memref_squeeze %dma_wait3A_62 : memref<1x632x128xf32, #tpu.memory_space<hbm>> -> memref<632x128xf32, #tpu.memory_space<hbm>>
      %dma_wait3A_64 = arith.constant 0 : i32
      %dma_wait3A_65 = tpu.memref_slice %arg17[%mul3A_23, %dma_wait3A_64] : memref<10112x128xf32, #tpu.memory_space<vmem_shared>> -> memref<632x128xf32, #tpu.memory_space<vmem_shared>>
      tpu.wait_dma2 semaphore(%run_scoped3A : memref<!tpu.dma_semaphore, #tpu.memory_space<semaphore_mem>>) src(%dma_wait3A_65 : memref<632x128xf32, #tpu.memory_space<vmem_shared>>) dst(%dma_wait3A_63 : memref<632x128xf32, #tpu.memory_space<hbm>>)
      tpu.yield
    }) : () -> ()
    %barrier3A_26 = arith.constant 0 : index
    tpu.barrier barrier_id(%barrier3A_26)
    %mul3A_27 = arith.constant 632 : i32
    %mul3A_28 = arith.muli %mul3A_27, %arg1 : i32
    "tpu.region"() ({
      %run_scoped3A = tpu.sem_alloc : memref<!tpu.dma_semaphore, #tpu.memory_space<semaphore_mem>>
      %dma_start3A = arith.constant 0 : i32
      %dma_start3A_58 = tpu.memref_slice %arg17[%mul3A_28, %dma_start3A] : memref<10112x128xf32, #tpu.memory_space<vmem_shared>> -> memref<632x128xf32, #tpu.memory_space<vmem_shared>>
      tpu.enqueue_dma source(%arg8 : memref<632x128xf32, #tpu.memory_space<hbm>>) target(%dma_start3A_58 : memref<632x128xf32, #tpu.memory_space<vmem_shared>>) target_semaphore(%run_scoped3A : memref<!tpu.dma_semaphore, #tpu.memory_space<semaphore_mem>>)
      %dma_wait3A = arith.constant 0 : i32
      %dma_wait3A_59 = tpu.memref_slice %arg17[%mul3A_28, %dma_wait3A] : memref<10112x128xf32, #tpu.memory_space<vmem_shared>> -> memref<632x128xf32, #tpu.memory_space<vmem_shared>>
      tpu.wait_dma2 semaphore(%run_scoped3A : memref<!tpu.dma_semaphore, #tpu.memory_space<semaphore_mem>>) src(%arg8 : memref<632x128xf32, #tpu.memory_space<hbm>>) dst(%dma_wait3A_59 : memref<632x128xf32, #tpu.memory_space<vmem_shared>>)
      tpu.yield
    }) : () -> ()
    %barrier3A_29 = arith.constant 0 : index
    tpu.barrier barrier_id(%barrier3A_29)
    %sub3A_30 = arith.constant 0 : i32
    %sub3A_31 = arith.subi %select_n3A, %sub3A_30 : i32
    %jit3A_32 = arith.constant 0 : i32
    %jit3A_33 = arith.constant 40 : i32
    %max3A_34 = arith.maxsi %jit3A_32, %sub3A_31 : i32
    %min3A_35 = arith.minsi %jit3A_33, %max3A_34 : i32
    %gt3A_36 = arith.constant 0 : i32
    %gt3A_37 = arith.cmpi sgt, %min3A_35, %gt3A_36 : i32
    %convert_element_type3A_38 = arith.extui %gt3A_37 : i1 to i32
    %cond3A_39 = arith.constant 0 : i32
    %cond3A_40 = arith.cmpi ne, %convert_element_type3A_38, %cond3A_39 : i32
    scf.if %cond3A_40 {
      %mul3A_58 = arith.constant 80 : i32
      %mul3A_59 = arith.muli %mul3A_58, %add3A : i32
      %add3A_60 = arith.constant 0 : i32
      %add3A_61 = arith.addi %mul3A_59, %add3A_60 : i32
      "tpu.region"() ({
        %run_scoped3A = tpu.sem_alloc : memref<!tpu.dma_semaphore, #tpu.memory_space<semaphore_mem>>
        %dma_start3A = arith.constant 0 : i32
        %dma_start3A_123 = tpu.memref_slice %arg2[%add3A_61, %dma_start3A] : memref<2560x64xi32, #tpu.memory_space<hbm>> -> memref<40x64xi32, #tpu.memory_space<hbm>>
        %dma_start3A_124 = arith.constant 0 : i32
        %dma_start3A_125 = tpu.memref_slice %arg2[%add3A_61, %dma_start3A_124] : memref<2560x64xi32, #tpu.memory_space<hbm>> -> memref<40x64xi32, #tpu.memory_space<hbm>>
        tpu.enqueue_dma source(%dma_start3A_125 : memref<40x64xi32, #tpu.memory_space<hbm>>) target(%arg11 : memref<40x64xi32, #tpu.memory_space<vmem>>) target_semaphore(%run_scoped3A : memref<!tpu.dma_semaphore, #tpu.memory_space<semaphore_mem>>)
        %dma_wait3A_126 = arith.constant 0 : i32
        %dma_wait3A_127 = tpu.memref_slice %arg2[%add3A_61, %dma_wait3A_126] : memref<2560x64xi32, #tpu.memory_space<hbm>> -> memref<40x64xi32, #tpu.memory_space<hbm>>
        %dma_wait3A_128 = arith.constant 0 : i32
        %dma_wait3A_129 = tpu.memref_slice %arg2[%add3A_61, %dma_wait3A_128] : memref<2560x64xi32, #tpu.memory_space<hbm>> -> memref<40x64xi32, #tpu.memory_space<hbm>>
        tpu.wait_dma2 semaphore(%run_scoped3A : memref<!tpu.dma_semaphore, #tpu.memory_space<semaphore_mem>>) src(%dma_wait3A_129 : memref<40x64xi32, #tpu.memory_space<hbm>>) dst(%arg11 : memref<40x64xi32, #tpu.memory_space<vmem>>)
        tpu.yield
      }) : () -> ()
      %mul3A_62 = arith.constant 80 : i32
      %mul3A_63 = arith.muli %mul3A_62, %add3A : i32
      %add3A_64 = arith.constant 0 : i32
      %add3A_65 = arith.addi %mul3A_63, %add3A_64 : i32
      "tpu.region"() ({
        %run_scoped3A = tpu.sem_alloc : memref<!tpu.dma_semaphore, #tpu.memory_space<semaphore_mem>>
        %dma_start3A = arith.constant 0 : i32
        %dma_start3A_123 = tpu.memref_slice %arg3[%add3A_65, %dma_start3A] : memref<2560x64xi32, #tpu.memory_space<hbm>> -> memref<40x64xi32, #tpu.memory_space<hbm>>
        %dma_start3A_124 = arith.constant 0 : i32
        %dma_start3A_125 = tpu.memref_slice %arg3[%add3A_65, %dma_start3A_124] : memref<2560x64xi32, #tpu.memory_space<hbm>> -> memref<40x64xi32, #tpu.memory_space<hbm>>
        tpu.enqueue_dma source(%dma_start3A_125 : memref<40x64xi32, #tpu.memory_space<hbm>>) target(%arg12 : memref<40x64xi32, #tpu.memory_space<vmem>>) target_semaphore(%run_scoped3A : memref<!tpu.dma_semaphore, #tpu.memory_space<semaphore_mem>>)
        %dma_wait3A_126 = arith.constant 0 : i32
        %dma_wait3A_127 = tpu.memref_slice %arg3[%add3A_65, %dma_wait3A_126] : memref<2560x64xi32, #tpu.memory_space<hbm>> -> memref<40x64xi32, #tpu.memory_space<hbm>>
        %dma_wait3A_128 = arith.constant 0 : i32
        %dma_wait3A_129 = tpu.memref_slice %arg3[%add3A_65, %dma_wait3A_128] : memref<2560x64xi32, #tpu.memory_space<hbm>> -> memref<40x64xi32, #tpu.memory_space<hbm>>
        tpu.wait_dma2 semaphore(%run_scoped3A : memref<!tpu.dma_semaphore, #tpu.memory_space<semaphore_mem>>) src(%dma_wait3A_129 : memref<40x64xi32, #tpu.memory_space<hbm>>) dst(%arg12 : memref<40x64xi32, #tpu.memory_space<vmem>>)
        tpu.yield
      }) : () -> ()
      %jit3A_66 = arith.constant 2 : i32
      %div3A = arith.divsi %min3A_35, %jit3A_66 : i32
      %sign3A = arith.constant 0 : i32
      %sign3A_67 = arith.cmpi sgt, %min3A_35, %sign3A : i32
      %sign3A_68 = arith.extui %sign3A_67 : i1 to i32
      %sign3A_69 = arith.constant 0 : i32
      %sign3A_70 = arith.cmpi slt, %min3A_35, %sign3A_69 : i32
      %sign3A_71 = arith.extui %sign3A_70 : i1 to i32
      %sign3A_72 = arith.subi %sign3A_68, %sign3A_71 : i32
      %sign3A_73 = arith.constant 0 : i32
      %sign3A_74 = arith.cmpi sgt, %jit3A_66, %sign3A_73 : i32
      %sign3A_75 = arith.extui %sign3A_74 : i1 to i32
      %sign3A_76 = arith.constant 0 : i32
      %sign3A_77 = arith.cmpi slt, %jit3A_66, %sign3A_76 : i32
      %sign3A_78 = arith.extui %sign3A_77 : i1 to i32
      %sign3A_79 = arith.subi %sign3A_75, %sign3A_78 : i32
      %ne3A = arith.cmpi ne, %sign3A_72, %sign3A_79 : i32
      %rem3A = arith.remsi %min3A_35, %jit3A_66 : i32
      %ne3A_80 = arith.constant 0 : i32
      %ne3A_81 = arith.cmpi ne, %rem3A, %ne3A_80 : i32
      %and3A = arith.andi %ne3A, %ne3A_81 : i1
      %sub3A_82 = arith.constant 1 : i32
      %sub3A_83 = arith.subi %div3A, %sub3A_82 : i32
      %select_n3A_84 = arith.select %and3A, %sub3A_83, %div3A : i32
      %while3A = arith.constant 0 : i32
      %while3A_85 = arith.constant 0 : i32
      %while3A_86 = arith.subi %select_n3A_84, %while3A : i32
      %while3A_87 = arith.addi %while3A, %while3A_86 : i32
      %while3A_88 = arith.constant 1 : i32
      %while3A_89 = arith.divsi %while3A_86, %while3A_88 : i32
      %while3A_90 = arith.muli %while3A_89, %while3A_88 : i32
      %while3A_91 = arith.addi %while3A, %while3A_90 : i32
      %while3A_92 = arith.constant 1 : i32
      %while3A_93 = scf.for %while3A_123 = %while3A to %while3A_91 step %while3A_92 iter_args(%while3A_124 = %while3A_85) -> (i32)  : i32 {
        %mul3A_125 = arith.constant 2 : i32
        %mul3A_126 = arith.muli %mul3A_125, %while3A_123 : i32
        %mul3A_127 = arith.constant 80 : i32
        %mul3A_128 = arith.muli %mul3A_127, %add3A : i32
        %add3A_129 = arith.constant 0 : i32
        %add3A_130 = arith.addi %mul3A_128, %add3A_129 : i32
        %add3A_131 = arith.addi %add3A_130, %mul3A_126 : i32
        %ge3A = arith.constant 1 : i32
        %ge3A_132 = arith.cmpi sge, %while3A_123, %ge3A : i32
        %convert_element_type3A_133 = arith.extui %ge3A_132 : i1 to i32
        %cond3A_134 = arith.constant 0 : i32
        %cond3A_135 = arith.cmpi ne, %convert_element_type3A_133, %cond3A_134 : i32
        scf.if %cond3A_135 {
          %dma_wait3A_223 = arith.constant 0 : i32
          %dma_wait3A_224 = arith.constant 0 : i32
          %dma_wait3A_225 = tpu.memref_slice %arg12[%dma_wait3A_223, %dma_wait3A_224] : memref<40x64xi32, #tpu.memory_space<vmem>> -> memref<1x64xi32, #tpu.memory_space<vmem>>
          %dma_wait3A_226 = tpu.memref_squeeze %dma_wait3A_225 : memref<1x64xi32, #tpu.memory_space<vmem>> -> memref<64xi32, #tpu.memory_space<vmem>>
          %dma_wait3A_227 = arith.constant 0 : i32
          %dma_wait3A_228 = arith.constant 0 : i32
          %dma_wait3A_229 = tpu.memref_slice %arg17[%dma_wait3A_227, %dma_wait3A_228] : memref<10112x128xf32, #tpu.memory_space<vmem_shared>> -> memref<10112x128xf32, #tpu.memory_space<vmem_shared>>
          tpu.wait_indirect_dma semaphore(%arg22 : memref<!tpu.dma_semaphore, #tpu.memory_space<semaphore_mem>>) src(%arg13 : memref<64x128xf32, #tpu.memory_space<vmem>>) dst(%dma_wait3A_229 : memref<10112x128xf32, #tpu.memory_space<vmem_shared>>)
          %dma_wait3A_230 = arith.constant 0 : i32
          %dma_wait3A_231 = arith.constant 0 : i32
          %dma_wait3A_232 = tpu.memref_slice %arg12[%dma_wait3A_230, %dma_wait3A_231] : memref<40x64xi32, #tpu.memory_space<vmem>> -> memref<1x64xi32, #tpu.memory_space<vmem>>
          %dma_wait3A_233 = tpu.memref_squeeze %dma_wait3A_232 : memref<1x64xi32, #tpu.memory_space<vmem>> -> memref<64xi32, #tpu.memory_space<vmem>>
          %dma_wait3A_234 = arith.constant 0 : i32
          %dma_wait3A_235 = arith.constant 0 : i32
          %dma_wait3A_236 = tpu.memref_slice %arg17[%dma_wait3A_234, %dma_wait3A_235] : memref<10112x128xf32, #tpu.memory_space<vmem_shared>> -> memref<10112x128xf32, #tpu.memory_space<vmem_shared>>
          tpu.wait_indirect_dma semaphore(%arg22 : memref<!tpu.dma_semaphore, #tpu.memory_space<semaphore_mem>>) src(%arg15 : memref<64x128xf32, #tpu.memory_space<vmem>>) dst(%dma_wait3A_236 : memref<10112x128xf32, #tpu.memory_space<vmem_shared>>)
        } else {
        }
        %dma_start3A = arith.constant 0 : i32
        %dma_start3A_136 = tpu.memref_slice %arg11[%mul3A_126, %dma_start3A] : memref<40x64xi32, #tpu.memory_space<vmem>> -> memref<1x64xi32, #tpu.memory_space<vmem>>
        %dma_start3A_137 = tpu.memref_squeeze %dma_start3A_136 : memref<1x64xi32, #tpu.memory_space<vmem>> -> memref<64xi32, #tpu.memory_space<vmem>>
        %dma_start3A_138 = arith.constant 0 : i32
        %dma_start3A_139 = arith.constant 0 : i32
        %dma_start3A_140 = tpu.memref_slice %arg5[%dma_start3A_138, %dma_start3A_139] : memref<10000x128xf32, #tpu.memory_space<hbm>> -> memref<10000x128xf32, #tpu.memory_space<hbm>>
        tpu.enqueue_indirect_dma source(%dma_start3A_140 : memref<10000x128xf32, #tpu.memory_space<hbm>>) target(%arg13 : memref<64x128xf32, #tpu.memory_space<vmem>>) offsets(%dma_start3A_137 : memref<64xi32, #tpu.memory_space<vmem>>) semaphore(%arg18 : memref<!tpu.dma_semaphore, #tpu.memory_space<semaphore_mem>>)
        %mul3A_141 = arith.constant 64 : i32
        %mul3A_142 = arith.muli %add3A_131, %mul3A_141 : i32
        %dma_start3A_143 = arith.constant 0 : i32
        %dma_start3A_144 = tpu.memref_slice %arg7[%mul3A_142, %dma_start3A_143] : memref<160000x128xf32, #tpu.memory_space<hbm>> -> memref<64x128xf32, #tpu.memory_space<hbm>>
        %dma_start3A_145 = arith.constant 0 : i32
        %dma_start3A_146 = tpu.memref_slice %arg7[%mul3A_142, %dma_start3A_145] : memref<160000x128xf32, #tpu.memory_space<hbm>> -> memref<64x128xf32, #tpu.memory_space<hbm>>
        tpu.enqueue_dma source(%dma_start3A_146 : memref<64x128xf32, #tpu.memory_space<hbm>>) target(%arg15 : memref<64x128xf32, #tpu.memory_space<vmem>>) target_semaphore(%arg20 : memref<!tpu.dma_semaphore, #tpu.memory_space<semaphore_mem>>)
        %ge3A_147 = arith.constant 1 : i32
        %ge3A_148 = arith.cmpi sge, %while3A_123, %ge3A_147 : i32
        %convert_element_type3A_149 = arith.extui %ge3A_148 : i1 to i32
        %cond3A_150 = arith.constant 0 : i32
        %cond3A_151 = arith.cmpi ne, %convert_element_type3A_149, %cond3A_150 : i32
        scf.if %cond3A_151 {
          %dma_wait3A_223 = arith.constant 0 : i32
          %dma_wait3A_224 = arith.constant 0 : i32
          %dma_wait3A_225 = tpu.memref_slice %arg12[%dma_wait3A_223, %dma_wait3A_224] : memref<40x64xi32, #tpu.memory_space<vmem>> -> memref<1x64xi32, #tpu.memory_space<vmem>>
          %dma_wait3A_226 = tpu.memref_squeeze %dma_wait3A_225 : memref<1x64xi32, #tpu.memory_space<vmem>> -> memref<64xi32, #tpu.memory_space<vmem>>
          %dma_wait3A_227 = arith.constant 0 : i32
          %dma_wait3A_228 = arith.constant 0 : i32
          %dma_wait3A_229 = tpu.memref_slice %arg17[%dma_wait3A_227, %dma_wait3A_228] : memref<10112x128xf32, #tpu.memory_space<vmem_shared>> -> memref<10112x128xf32, #tpu.memory_space<vmem_shared>>
          tpu.wait_indirect_dma semaphore(%arg23 : memref<!tpu.dma_semaphore, #tpu.memory_space<semaphore_mem>>) src(%arg14 : memref<64x128xf32, #tpu.memory_space<vmem>>) dst(%dma_wait3A_229 : memref<10112x128xf32, #tpu.memory_space<vmem_shared>>)
          %dma_wait3A_230 = arith.constant 0 : i32
          %dma_wait3A_231 = arith.constant 0 : i32
          %dma_wait3A_232 = tpu.memref_slice %arg12[%dma_wait3A_230, %dma_wait3A_231] : memref<40x64xi32, #tpu.memory_space<vmem>> -> memref<1x64xi32, #tpu.memory_space<vmem>>
          %dma_wait3A_233 = tpu.memref_squeeze %dma_wait3A_232 : memref<1x64xi32, #tpu.memory_space<vmem>> -> memref<64xi32, #tpu.memory_space<vmem>>
          %dma_wait3A_234 = arith.constant 0 : i32
          %dma_wait3A_235 = arith.constant 0 : i32
          %dma_wait3A_236 = tpu.memref_slice %arg17[%dma_wait3A_234, %dma_wait3A_235] : memref<10112x128xf32, #tpu.memory_space<vmem_shared>> -> memref<10112x128xf32, #tpu.memory_space<vmem_shared>>
          tpu.wait_indirect_dma semaphore(%arg23 : memref<!tpu.dma_semaphore, #tpu.memory_space<semaphore_mem>>) src(%arg16 : memref<64x128xf32, #tpu.memory_space<vmem>>) dst(%dma_wait3A_236 : memref<10112x128xf32, #tpu.memory_space<vmem_shared>>)
        } else {
        }
        %add3A_152 = arith.constant 1 : i32
        %add3A_153 = arith.addi %mul3A_126, %add3A_152 : i32
        %dma_start3A_154 = arith.constant 0 : i32
        %dma_start3A_155 = tpu.memref_slice %arg11[%add3A_153, %dma_start3A_154] : memref<40x64xi32, #tpu.memory_space<vmem>> -> memref<1x64xi32, #tpu.memory_space<vmem>>
        %dma_start3A_156 = tpu.memref_squeeze %dma_start3A_155 : memref<1x64xi32, #tpu.memory_space<vmem>> -> memref<64xi32, #tpu.memory_space<vmem>>
        %dma_start3A_157 = arith.constant 0 : i32
        %dma_start3A_158 = arith.constant 0 : i32
        %dma_start3A_159 = tpu.memref_slice %arg5[%dma_start3A_157, %dma_start3A_158] : memref<10000x128xf32, #tpu.memory_space<hbm>> -> memref<10000x128xf32, #tpu.memory_space<hbm>>
        tpu.enqueue_indirect_dma source(%dma_start3A_159 : memref<10000x128xf32, #tpu.memory_space<hbm>>) target(%arg14 : memref<64x128xf32, #tpu.memory_space<vmem>>) offsets(%dma_start3A_156 : memref<64xi32, #tpu.memory_space<vmem>>) semaphore(%arg19 : memref<!tpu.dma_semaphore, #tpu.memory_space<semaphore_mem>>)
        %add3A_160 = arith.constant 1 : i32
        %add3A_161 = arith.addi %add3A_131, %add3A_160 : i32
        %mul3A_162 = arith.constant 64 : i32
        %mul3A_163 = arith.muli %add3A_161, %mul3A_162 : i32
        %dma_start3A_164 = arith.constant 0 : i32
        %dma_start3A_165 = tpu.memref_slice %arg7[%mul3A_163, %dma_start3A_164] : memref<160000x128xf32, #tpu.memory_space<hbm>> -> memref<64x128xf32, #tpu.memory_space<hbm>>
        %dma_start3A_166 = arith.constant 0 : i32
        %dma_start3A_167 = tpu.memref_slice %arg7[%mul3A_163, %dma_start3A_166] : memref<160000x128xf32, #tpu.memory_space<hbm>> -> memref<64x128xf32, #tpu.memory_space<hbm>>
        tpu.enqueue_dma source(%dma_start3A_167 : memref<64x128xf32, #tpu.memory_space<hbm>>) target(%arg16 : memref<64x128xf32, #tpu.memory_space<vmem>>) target_semaphore(%arg21 : memref<!tpu.dma_semaphore, #tpu.memory_space<semaphore_mem>>)
        %dma_wait3A_168 = arith.constant 0 : i32
        %dma_wait3A_169 = tpu.memref_slice %arg11[%mul3A_126, %dma_wait3A_168] : memref<40x64xi32, #tpu.memory_space<vmem>> -> memref<1x64xi32, #tpu.memory_space<vmem>>
        %dma_wait3A_170 = tpu.memref_squeeze %dma_wait3A_169 : memref<1x64xi32, #tpu.memory_space<vmem>> -> memref<64xi32, #tpu.memory_space<vmem>>
        %dma_wait3A_171 = arith.constant 0 : i32
        %dma_wait3A_172 = arith.constant 0 : i32
        %dma_wait3A_173 = tpu.memref_slice %arg5[%dma_wait3A_171, %dma_wait3A_172] : memref<10000x128xf32, #tpu.memory_space<hbm>> -> memref<10000x128xf32, #tpu.memory_space<hbm>>
        tpu.wait_indirect_dma semaphore(%arg18 : memref<!tpu.dma_semaphore, #tpu.memory_space<semaphore_mem>>) src(%dma_wait3A_173 : memref<10000x128xf32, #tpu.memory_space<hbm>>) dst(%arg13 : memref<64x128xf32, #tpu.memory_space<vmem>>)
        %mul3A_174 = arith.constant 64 : i32
        %mul3A_175 = arith.muli %add3A_131, %mul3A_174 : i32
        %dma_wait3A_176 = arith.constant 0 : i32
        %dma_wait3A_177 = tpu.memref_slice %arg7[%mul3A_175, %dma_wait3A_176] : memref<160000x128xf32, #tpu.memory_space<hbm>> -> memref<64x128xf32, #tpu.memory_space<hbm>>
        %dma_wait3A_178 = arith.constant 0 : i32
        %dma_wait3A_179 = tpu.memref_slice %arg7[%mul3A_175, %dma_wait3A_178] : memref<160000x128xf32, #tpu.memory_space<hbm>> -> memref<64x128xf32, #tpu.memory_space<hbm>>
        tpu.wait_dma2 semaphore(%arg20 : memref<!tpu.dma_semaphore, #tpu.memory_space<semaphore_mem>>) src(%dma_wait3A_179 : memref<64x128xf32, #tpu.memory_space<hbm>>) dst(%arg15 : memref<64x128xf32, #tpu.memory_space<vmem>>)
        %dma_start3A_180 = arith.constant 0 : i32
        %dma_start3A_181 = tpu.memref_slice %arg12[%mul3A_126, %dma_start3A_180] : memref<40x64xi32, #tpu.memory_space<vmem>> -> memref<1x64xi32, #tpu.memory_space<vmem>>
        %dma_start3A_182 = tpu.memref_squeeze %dma_start3A_181 : memref<1x64xi32, #tpu.memory_space<vmem>> -> memref<64xi32, #tpu.memory_space<vmem>>
        %dma_start3A_183 = arith.constant 0 : i32
        %dma_start3A_184 = arith.constant 0 : i32
        %dma_start3A_185 = tpu.memref_slice %arg17[%dma_start3A_183, %dma_start3A_184] : memref<10112x128xf32, #tpu.memory_space<vmem_shared>> -> memref<10112x128xf32, #tpu.memory_space<vmem_shared>>
        tpu.enqueue_indirect_dma source(%arg13 : memref<64x128xf32, #tpu.memory_space<vmem>>) target(%dma_start3A_185 : memref<10112x128xf32, #tpu.memory_space<vmem_shared>>) offsets(%dma_start3A_182 : memref<64xi32, #tpu.memory_space<vmem>>) semaphore(%arg22 : memref<!tpu.dma_semaphore, #tpu.memory_space<semaphore_mem>>) {add = true}
        %dma_start3A_186 = arith.constant 0 : i32
        %dma_start3A_187 = tpu.memref_slice %arg12[%mul3A_126, %dma_start3A_186] : memref<40x64xi32, #tpu.memory_space<vmem>> -> memref<1x64xi32, #tpu.memory_space<vmem>>
        %dma_start3A_188 = tpu.memref_squeeze %dma_start3A_187 : memref<1x64xi32, #tpu.memory_space<vmem>> -> memref<64xi32, #tpu.memory_space<vmem>>
        %dma_start3A_189 = arith.constant 0 : i32
        %dma_start3A_190 = arith.constant 0 : i32
        %dma_start3A_191 = tpu.memref_slice %arg17[%dma_start3A_189, %dma_start3A_190] : memref<10112x128xf32, #tpu.memory_space<vmem_shared>> -> memref<10112x128xf32, #tpu.memory_space<vmem_shared>>
        tpu.enqueue_indirect_dma source(%arg15 : memref<64x128xf32, #tpu.memory_space<vmem>>) target(%dma_start3A_191 : memref<10112x128xf32, #tpu.memory_space<vmem_shared>>) offsets(%dma_start3A_188 : memref<64xi32, #tpu.memory_space<vmem>>) semaphore(%arg22 : memref<!tpu.dma_semaphore, #tpu.memory_space<semaphore_mem>>) {add = true}
        %add3A_192 = arith.constant 1 : i32
        %add3A_193 = arith.addi %mul3A_126, %add3A_192 : i32
        %dma_wait3A_194 = arith.constant 0 : i32
        %dma_wait3A_195 = tpu.memref_slice %arg11[%add3A_193, %dma_wait3A_194] : memref<40x64xi32, #tpu.memory_space<vmem>> -> memref<1x64xi32, #tpu.memory_space<vmem>>
        %dma_wait3A_196 = tpu.memref_squeeze %dma_wait3A_195 : memref<1x64xi32, #tpu.memory_space<vmem>> -> memref<64xi32, #tpu.memory_space<vmem>>
        %dma_wait3A_197 = arith.constant 0 : i32
        %dma_wait3A_198 = arith.constant 0 : i32
        %dma_wait3A_199 = tpu.memref_slice %arg5[%dma_wait3A_197, %dma_wait3A_198] : memref<10000x128xf32, #tpu.memory_space<hbm>> -> memref<10000x128xf32, #tpu.memory_space<hbm>>
        tpu.wait_indirect_dma semaphore(%arg19 : memref<!tpu.dma_semaphore, #tpu.memory_space<semaphore_mem>>) src(%dma_wait3A_199 : memref<10000x128xf32, #tpu.memory_space<hbm>>) dst(%arg14 : memref<64x128xf32, #tpu.memory_space<vmem>>)
        %mul3A_200 = arith.constant 64 : i32
        %mul3A_201 = arith.muli %add3A_131, %mul3A_200 : i32
        %dma_wait3A_202 = arith.constant 0 : i32
        %dma_wait3A_203 = tpu.memref_slice %arg7[%mul3A_201, %dma_wait3A_202] : memref<160000x128xf32, #tpu.memory_space<hbm>> -> memref<64x128xf32, #tpu.memory_space<hbm>>
        %dma_wait3A_204 = arith.constant 0 : i32
        %dma_wait3A_205 = tpu.memref_slice %arg7[%mul3A_201, %dma_wait3A_204] : memref<160000x128xf32, #tpu.memory_space<hbm>> -> memref<64x128xf32, #tpu.memory_space<hbm>>
        tpu.wait_dma2 semaphore(%arg21 : memref<!tpu.dma_semaphore, #tpu.memory_space<semaphore_mem>>) src(%dma_wait3A_205 : memref<64x128xf32, #tpu.memory_space<hbm>>) dst(%arg16 : memref<64x128xf32, #tpu.memory_space<vmem>>)
        %add3A_206 = arith.constant 1 : i32
        %add3A_207 = arith.addi %mul3A_126, %add3A_206 : i32
        %dma_start3A_208 = arith.constant 0 : i32
        %dma_start3A_209 = tpu.memref_slice %arg12[%add3A_207, %dma_start3A_208] : memref<40x64xi32, #tpu.memory_space<vmem>> -> memref<1x64xi32, #tpu.memory_space<vmem>>
        %dma_start3A_210 = tpu.memref_squeeze %dma_start3A_209 : memref<1x64xi32, #tpu.memory_space<vmem>> -> memref<64xi32, #tpu.memory_space<vmem>>
        %dma_start3A_211 = arith.constant 0 : i32
        %dma_start3A_212 = arith.constant 0 : i32
        %dma_start3A_213 = tpu.memref_slice %arg17[%dma_start3A_211, %dma_start3A_212] : memref<10112x128xf32, #tpu.memory_space<vmem_shared>> -> memref<10112x128xf32, #tpu.memory_space<vmem_shared>>
        tpu.enqueue_indirect_dma source(%arg14 : memref<64x128xf32, #tpu.memory_space<vmem>>) target(%dma_start3A_213 : memref<10112x128xf32, #tpu.memory_space<vmem_shared>>) offsets(%dma_start3A_210 : memref<64xi32, #tpu.memory_space<vmem>>) semaphore(%arg23 : memref<!tpu.dma_semaphore, #tpu.memory_space<semaphore_mem>>) {add = true}
        %add3A_214 = arith.constant 1 : i32
        %add3A_215 = arith.addi %mul3A_126, %add3A_214 : i32
        %dma_start3A_216 = arith.constant 0 : i32
        %dma_start3A_217 = tpu.memref_slice %arg12[%add3A_215, %dma_start3A_216] : memref<40x64xi32, #tpu.memory_space<vmem>> -> memref<1x64xi32, #tpu.memory_space<vmem>>
        %dma_start3A_218 = tpu.memref_squeeze %dma_start3A_217 : memref<1x64xi32, #tpu.memory_space<vmem>> -> memref<64xi32, #tpu.memory_space<vmem>>
        %dma_start3A_219 = arith.constant 0 : i32
        %dma_start3A_220 = arith.constant 0 : i32
        %dma_start3A_221 = tpu.memref_slice %arg17[%dma_start3A_219, %dma_start3A_220] : memref<10112x128xf32, #tpu.memory_space<vmem_shared>> -> memref<10112x128xf32, #tpu.memory_space<vmem_shared>>
        tpu.enqueue_indirect_dma source(%arg16 : memref<64x128xf32, #tpu.memory_space<vmem>>) target(%dma_start3A_221 : memref<10112x128xf32, #tpu.memory_space<vmem_shared>>) offsets(%dma_start3A_218 : memref<64xi32, #tpu.memory_space<vmem>>) semaphore(%arg23 : memref<!tpu.dma_semaphore, #tpu.memory_space<semaphore_mem>>) {add = true}
        %while3A_222 = arith.constant 0 : i32
        scf.yield %while3A_222 : i32
      }
      %while3A_94 = arith.constant 1 : i32
      %while3A_95 = scf.for %while3A_123 = %while3A_91 to %while3A_87 step %while3A_94 iter_args(%while3A_124 = %while3A_93) -> (i32)  : i32 {
        %mul3A_125 = arith.constant 2 : i32
        %mul3A_126 = arith.muli %mul3A_125, %while3A_123 : i32
        %mul3A_127 = arith.constant 80 : i32
        %mul3A_128 = arith.muli %mul3A_127, %add3A : i32
        %add3A_129 = arith.constant 0 : i32
        %add3A_130 = arith.addi %mul3A_128, %add3A_129 : i32
        %add3A_131 = arith.addi %add3A_130, %mul3A_126 : i32
        %ge3A = arith.constant 1 : i32
        %ge3A_132 = arith.cmpi sge, %while3A_123, %ge3A : i32
        %convert_element_type3A_133 = arith.extui %ge3A_132 : i1 to i32
        %cond3A_134 = arith.constant 0 : i32
        %cond3A_135 = arith.cmpi ne, %convert_element_type3A_133, %cond3A_134 : i32
        scf.if %cond3A_135 {
          %dma_wait3A_223 = arith.constant 0 : i32
          %dma_wait3A_224 = arith.constant 0 : i32
          %dma_wait3A_225 = tpu.memref_slice %arg12[%dma_wait3A_223, %dma_wait3A_224] : memref<40x64xi32, #tpu.memory_space<vmem>> -> memref<1x64xi32, #tpu.memory_space<vmem>>
          %dma_wait3A_226 = tpu.memref_squeeze %dma_wait3A_225 : memref<1x64xi32, #tpu.memory_space<vmem>> -> memref<64xi32, #tpu.memory_space<vmem>>
          %dma_wait3A_227 = arith.constant 0 : i32
          %dma_wait3A_228 = arith.constant 0 : i32
          %dma_wait3A_229 = tpu.memref_slice %arg17[%dma_wait3A_227, %dma_wait3A_228] : memref<10112x128xf32, #tpu.memory_space<vmem_shared>> -> memref<10112x128xf32, #tpu.memory_space<vmem_shared>>
          tpu.wait_indirect_dma semaphore(%arg22 : memref<!tpu.dma_semaphore, #tpu.memory_space<semaphore_mem>>) src(%arg13 : memref<64x128xf32, #tpu.memory_space<vmem>>) dst(%dma_wait3A_229 : memref<10112x128xf32, #tpu.memory_space<vmem_shared>>)
          %dma_wait3A_230 = arith.constant 0 : i32
          %dma_wait3A_231 = arith.constant 0 : i32
          %dma_wait3A_232 = tpu.memref_slice %arg12[%dma_wait3A_230, %dma_wait3A_231] : memref<40x64xi32, #tpu.memory_space<vmem>> -> memref<1x64xi32, #tpu.memory_space<vmem>>
          %dma_wait3A_233 = tpu.memref_squeeze %dma_wait3A_232 : memref<1x64xi32, #tpu.memory_space<vmem>> -> memref<64xi32, #tpu.memory_space<vmem>>
          %dma_wait3A_234 = arith.constant 0 : i32
          %dma_wait3A_235 = arith.constant 0 : i32
          %dma_wait3A_236 = tpu.memref_slice %arg17[%dma_wait3A_234, %dma_wait3A_235] : memref<10112x128xf32, #tpu.memory_space<vmem_shared>> -> memref<10112x128xf32, #tpu.memory_space<vmem_shared>>
          tpu.wait_indirect_dma semaphore(%arg22 : memref<!tpu.dma_semaphore, #tpu.memory_space<semaphore_mem>>) src(%arg15 : memref<64x128xf32, #tpu.memory_space<vmem>>) dst(%dma_wait3A_236 : memref<10112x128xf32, #tpu.memory_space<vmem_shared>>)
        } else {
        }
        %dma_start3A = arith.constant 0 : i32
        %dma_start3A_136 = tpu.memref_slice %arg11[%mul3A_126, %dma_start3A] : memref<40x64xi32, #tpu.memory_space<vmem>> -> memref<1x64xi32, #tpu.memory_space<vmem>>
        %dma_start3A_137 = tpu.memref_squeeze %dma_start3A_136 : memref<1x64xi32, #tpu.memory_space<vmem>> -> memref<64xi32, #tpu.memory_space<vmem>>
        %dma_start3A_138 = arith.constant 0 : i32
        %dma_start3A_139 = arith.constant 0 : i32
        %dma_start3A_140 = tpu.memref_slice %arg5[%dma_start3A_138, %dma_start3A_139] : memref<10000x128xf32, #tpu.memory_space<hbm>> -> memref<10000x128xf32, #tpu.memory_space<hbm>>
        tpu.enqueue_indirect_dma source(%dma_start3A_140 : memref<10000x128xf32, #tpu.memory_space<hbm>>) target(%arg13 : memref<64x128xf32, #tpu.memory_space<vmem>>) offsets(%dma_start3A_137 : memref<64xi32, #tpu.memory_space<vmem>>) semaphore(%arg18 : memref<!tpu.dma_semaphore, #tpu.memory_space<semaphore_mem>>)
        %mul3A_141 = arith.constant 64 : i32
        %mul3A_142 = arith.muli %add3A_131, %mul3A_141 : i32
        %dma_start3A_143 = arith.constant 0 : i32
        %dma_start3A_144 = tpu.memref_slice %arg7[%mul3A_142, %dma_start3A_143] : memref<160000x128xf32, #tpu.memory_space<hbm>> -> memref<64x128xf32, #tpu.memory_space<hbm>>
        %dma_start3A_145 = arith.constant 0 : i32
        %dma_start3A_146 = tpu.memref_slice %arg7[%mul3A_142, %dma_start3A_145] : memref<160000x128xf32, #tpu.memory_space<hbm>> -> memref<64x128xf32, #tpu.memory_space<hbm>>
        tpu.enqueue_dma source(%dma_start3A_146 : memref<64x128xf32, #tpu.memory_space<hbm>>) target(%arg15 : memref<64x128xf32, #tpu.memory_space<vmem>>) target_semaphore(%arg20 : memref<!tpu.dma_semaphore, #tpu.memory_space<semaphore_mem>>)
        %ge3A_147 = arith.constant 1 : i32
        %ge3A_148 = arith.cmpi sge, %while3A_123, %ge3A_147 : i32
        %convert_element_type3A_149 = arith.extui %ge3A_148 : i1 to i32
        %cond3A_150 = arith.constant 0 : i32
        %cond3A_151 = arith.cmpi ne, %convert_element_type3A_149, %cond3A_150 : i32
        scf.if %cond3A_151 {
          %dma_wait3A_223 = arith.constant 0 : i32
          %dma_wait3A_224 = arith.constant 0 : i32
          %dma_wait3A_225 = tpu.memref_slice %arg12[%dma_wait3A_223, %dma_wait3A_224] : memref<40x64xi32, #tpu.memory_space<vmem>> -> memref<1x64xi32, #tpu.memory_space<vmem>>
          %dma_wait3A_226 = tpu.memref_squeeze %dma_wait3A_225 : memref<1x64xi32, #tpu.memory_space<vmem>> -> memref<64xi32, #tpu.memory_space<vmem>>
          %dma_wait3A_227 = arith.constant 0 : i32
          %dma_wait3A_228 = arith.constant 0 : i32
          %dma_wait3A_229 = tpu.memref_slice %arg17[%dma_wait3A_227, %dma_wait3A_228] : memref<10112x128xf32, #tpu.memory_space<vmem_shared>> -> memref<10112x128xf32, #tpu.memory_space<vmem_shared>>
          tpu.wait_indirect_dma semaphore(%arg23 : memref<!tpu.dma_semaphore, #tpu.memory_space<semaphore_mem>>) src(%arg14 : memref<64x128xf32, #tpu.memory_space<vmem>>) dst(%dma_wait3A_229 : memref<10112x128xf32, #tpu.memory_space<vmem_shared>>)
          %dma_wait3A_230 = arith.constant 0 : i32
          %dma_wait3A_231 = arith.constant 0 : i32
          %dma_wait3A_232 = tpu.memref_slice %arg12[%dma_wait3A_230, %dma_wait3A_231] : memref<40x64xi32, #tpu.memory_space<vmem>> -> memref<1x64xi32, #tpu.memory_space<vmem>>
          %dma_wait3A_233 = tpu.memref_squeeze %dma_wait3A_232 : memref<1x64xi32, #tpu.memory_space<vmem>> -> memref<64xi32, #tpu.memory_space<vmem>>
          %dma_wait3A_234 = arith.constant 0 : i32
          %dma_wait3A_235 = arith.constant 0 : i32
          %dma_wait3A_236 = tpu.memref_slice %arg17[%dma_wait3A_234, %dma_wait3A_235] : memref<10112x128xf32, #tpu.memory_space<vmem_shared>> -> memref<10112x128xf32, #tpu.memory_space<vmem_shared>>
          tpu.wait_indirect_dma semaphore(%arg23 : memref<!tpu.dma_semaphore, #tpu.memory_space<semaphore_mem>>) src(%arg16 : memref<64x128xf32, #tpu.memory_space<vmem>>) dst(%dma_wait3A_236 : memref<10112x128xf32, #tpu.memory_space<vmem_shared>>)
        } else {
        }
        %add3A_152 = arith.constant 1 : i32
        %add3A_153 = arith.addi %mul3A_126, %add3A_152 : i32
        %dma_start3A_154 = arith.constant 0 : i32
        %dma_start3A_155 = tpu.memref_slice %arg11[%add3A_153, %dma_start3A_154] : memref<40x64xi32, #tpu.memory_space<vmem>> -> memref<1x64xi32, #tpu.memory_space<vmem>>
        %dma_start3A_156 = tpu.memref_squeeze %dma_start3A_155 : memref<1x64xi32, #tpu.memory_space<vmem>> -> memref<64xi32, #tpu.memory_space<vmem>>
        %dma_start3A_157 = arith.constant 0 : i32
        %dma_start3A_158 = arith.constant 0 : i32
        %dma_start3A_159 = tpu.memref_slice %arg5[%dma_start3A_157, %dma_start3A_158] : memref<10000x128xf32, #tpu.memory_space<hbm>> -> memref<10000x128xf32, #tpu.memory_space<hbm>>
        tpu.enqueue_indirect_dma source(%dma_start3A_159 : memref<10000x128xf32, #tpu.memory_space<hbm>>) target(%arg14 : memref<64x128xf32, #tpu.memory_space<vmem>>) offsets(%dma_start3A_156 : memref<64xi32, #tpu.memory_space<vmem>>) semaphore(%arg19 : memref<!tpu.dma_semaphore, #tpu.memory_space<semaphore_mem>>)
        %add3A_160 = arith.constant 1 : i32
        %add3A_161 = arith.addi %add3A_131, %add3A_160 : i32
        %mul3A_162 = arith.constant 64 : i32
        %mul3A_163 = arith.muli %add3A_161, %mul3A_162 : i32
        %dma_start3A_164 = arith.constant 0 : i32
        %dma_start3A_165 = tpu.memref_slice %arg7[%mul3A_163, %dma_start3A_164] : memref<160000x128xf32, #tpu.memory_space<hbm>> -> memref<64x128xf32, #tpu.memory_space<hbm>>
        %dma_start3A_166 = arith.constant 0 : i32
        %dma_start3A_167 = tpu.memref_slice %arg7[%mul3A_163, %dma_start3A_166] : memref<160000x128xf32, #tpu.memory_space<hbm>> -> memref<64x128xf32, #tpu.memory_space<hbm>>
        tpu.enqueue_dma source(%dma_start3A_167 : memref<64x128xf32, #tpu.memory_space<hbm>>) target(%arg16 : memref<64x128xf32, #tpu.memory_space<vmem>>) target_semaphore(%arg21 : memref<!tpu.dma_semaphore, #tpu.memory_space<semaphore_mem>>)
        %dma_wait3A_168 = arith.constant 0 : i32
        %dma_wait3A_169 = tpu.memref_slice %arg11[%mul3A_126, %dma_wait3A_168] : memref<40x64xi32, #tpu.memory_space<vmem>> -> memref<1x64xi32, #tpu.memory_space<vmem>>
        %dma_wait3A_170 = tpu.memref_squeeze %dma_wait3A_169 : memref<1x64xi32, #tpu.memory_space<vmem>> -> memref<64xi32, #tpu.memory_space<vmem>>
        %dma_wait3A_171 = arith.constant 0 : i32
        %dma_wait3A_172 = arith.constant 0 : i32
        %dma_wait3A_173 = tpu.memref_slice %arg5[%dma_wait3A_171, %dma_wait3A_172] : memref<10000x128xf32, #tpu.memory_space<hbm>> -> memref<10000x128xf32, #tpu.memory_space<hbm>>
        tpu.wait_indirect_dma semaphore(%arg18 : memref<!tpu.dma_semaphore, #tpu.memory_space<semaphore_mem>>) src(%dma_wait3A_173 : memref<10000x128xf32, #tpu.memory_space<hbm>>) dst(%arg13 : memref<64x128xf32, #tpu.memory_space<vmem>>)
        %mul3A_174 = arith.constant 64 : i32
        %mul3A_175 = arith.muli %add3A_131, %mul3A_174 : i32
        %dma_wait3A_176 = arith.constant 0 : i32
        %dma_wait3A_177 = tpu.memref_slice %arg7[%mul3A_175, %dma_wait3A_176] : memref<160000x128xf32, #tpu.memory_space<hbm>> -> memref<64x128xf32, #tpu.memory_space<hbm>>
        %dma_wait3A_178 = arith.constant 0 : i32
        %dma_wait3A_179 = tpu.memref_slice %arg7[%mul3A_175, %dma_wait3A_178] : memref<160000x128xf32, #tpu.memory_space<hbm>> -> memref<64x128xf32, #tpu.memory_space<hbm>>
        tpu.wait_dma2 semaphore(%arg20 : memref<!tpu.dma_semaphore, #tpu.memory_space<semaphore_mem>>) src(%dma_wait3A_179 : memref<64x128xf32, #tpu.memory_space<hbm>>) dst(%arg15 : memref<64x128xf32, #tpu.memory_space<vmem>>)
        %dma_start3A_180 = arith.constant 0 : i32
        %dma_start3A_181 = tpu.memref_slice %arg12[%mul3A_126, %dma_start3A_180] : memref<40x64xi32, #tpu.memory_space<vmem>> -> memref<1x64xi32, #tpu.memory_space<vmem>>
        %dma_start3A_182 = tpu.memref_squeeze %dma_start3A_181 : memref<1x64xi32, #tpu.memory_space<vmem>> -> memref<64xi32, #tpu.memory_space<vmem>>
        %dma_start3A_183 = arith.constant 0 : i32
        %dma_start3A_184 = arith.constant 0 : i32
        %dma_start3A_185 = tpu.memref_slice %arg17[%dma_start3A_183, %dma_start3A_184] : memref<10112x128xf32, #tpu.memory_space<vmem_shared>> -> memref<10112x128xf32, #tpu.memory_space<vmem_shared>>
        tpu.enqueue_indirect_dma source(%arg13 : memref<64x128xf32, #tpu.memory_space<vmem>>) target(%dma_start3A_185 : memref<10112x128xf32, #tpu.memory_space<vmem_shared>>) offsets(%dma_start3A_182 : memref<64xi32, #tpu.memory_space<vmem>>) semaphore(%arg22 : memref<!tpu.dma_semaphore, #tpu.memory_space<semaphore_mem>>) {add = true}
        %dma_start3A_186 = arith.constant 0 : i32
        %dma_start3A_187 = tpu.memref_slice %arg12[%mul3A_126, %dma_start3A_186] : memref<40x64xi32, #tpu.memory_space<vmem>> -> memref<1x64xi32, #tpu.memory_space<vmem>>
        %dma_start3A_188 = tpu.memref_squeeze %dma_start3A_187 : memref<1x64xi32, #tpu.memory_space<vmem>> -> memref<64xi32, #tpu.memory_space<vmem>>
        %dma_start3A_189 = arith.constant 0 : i32
        %dma_start3A_190 = arith.constant 0 : i32
        %dma_start3A_191 = tpu.memref_slice %arg17[%dma_start3A_189, %dma_start3A_190] : memref<10112x128xf32, #tpu.memory_space<vmem_shared>> -> memref<10112x128xf32, #tpu.memory_space<vmem_shared>>
        tpu.enqueue_indirect_dma source(%arg15 : memref<64x128xf32, #tpu.memory_space<vmem>>) target(%dma_start3A_191 : memref<10112x128xf32, #tpu.memory_space<vmem_shared>>) offsets(%dma_start3A_188 : memref<64xi32, #tpu.memory_space<vmem>>) semaphore(%arg22 : memref<!tpu.dma_semaphore, #tpu.memory_space<semaphore_mem>>) {add = true}
        %add3A_192 = arith.constant 1 : i32
        %add3A_193 = arith.addi %mul3A_126, %add3A_192 : i32
        %dma_wait3A_194 = arith.constant 0 : i32
        %dma_wait3A_195 = tpu.memref_slice %arg11[%add3A_193, %dma_wait3A_194] : memref<40x64xi32, #tpu.memory_space<vmem>> -> memref<1x64xi32, #tpu.memory_space<vmem>>
        %dma_wait3A_196 = tpu.memref_squeeze %dma_wait3A_195 : memref<1x64xi32, #tpu.memory_space<vmem>> -> memref<64xi32, #tpu.memory_space<vmem>>
        %dma_wait3A_197 = arith.constant 0 : i32
        %dma_wait3A_198 = arith.constant 0 : i32
        %dma_wait3A_199 = tpu.memref_slice %arg5[%dma_wait3A_197, %dma_wait3A_198] : memref<10000x128xf32, #tpu.memory_space<hbm>> -> memref<10000x128xf32, #tpu.memory_space<hbm>>
        tpu.wait_indirect_dma semaphore(%arg19 : memref<!tpu.dma_semaphore, #tpu.memory_space<semaphore_mem>>) src(%dma_wait3A_199 : memref<10000x128xf32, #tpu.memory_space<hbm>>) dst(%arg14 : memref<64x128xf32, #tpu.memory_space<vmem>>)
        %mul3A_200 = arith.constant 64 : i32
        %mul3A_201 = arith.muli %add3A_131, %mul3A_200 : i32
        %dma_wait3A_202 = arith.constant 0 : i32
        %dma_wait3A_203 = tpu.memref_slice %arg7[%mul3A_201, %dma_wait3A_202] : memref<160000x128xf32, #tpu.memory_space<hbm>> -> memref<64x128xf32, #tpu.memory_space<hbm>>
        %dma_wait3A_204 = arith.constant 0 : i32
        %dma_wait3A_205 = tpu.memref_slice %arg7[%mul3A_201, %dma_wait3A_204] : memref<160000x128xf32, #tpu.memory_space<hbm>> -> memref<64x128xf32, #tpu.memory_space<hbm>>
        tpu.wait_dma2 semaphore(%arg21 : memref<!tpu.dma_semaphore, #tpu.memory_space<semaphore_mem>>) src(%dma_wait3A_205 : memref<64x128xf32, #tpu.memory_space<hbm>>) dst(%arg16 : memref<64x128xf32, #tpu.memory_space<vmem>>)
        %add3A_206 = arith.constant 1 : i32
        %add3A_207 = arith.addi %mul3A_126, %add3A_206 : i32
        %dma_start3A_208 = arith.constant 0 : i32
        %dma_start3A_209 = tpu.memref_slice %arg12[%add3A_207, %dma_start3A_208] : memref<40x64xi32, #tpu.memory_space<vmem>> -> memref<1x64xi32, #tpu.memory_space<vmem>>
        %dma_start3A_210 = tpu.memref_squeeze %dma_start3A_209 : memref<1x64xi32, #tpu.memory_space<vmem>> -> memref<64xi32, #tpu.memory_space<vmem>>
        %dma_start3A_211 = arith.constant 0 : i32
        %dma_start3A_212 = arith.constant 0 : i32
        %dma_start3A_213 = tpu.memref_slice %arg17[%dma_start3A_211, %dma_start3A_212] : memref<10112x128xf32, #tpu.memory_space<vmem_shared>> -> memref<10112x128xf32, #tpu.memory_space<vmem_shared>>
        tpu.enqueue_indirect_dma source(%arg14 : memref<64x128xf32, #tpu.memory_space<vmem>>) target(%dma_start3A_213 : memref<10112x128xf32, #tpu.memory_space<vmem_shared>>) offsets(%dma_start3A_210 : memref<64xi32, #tpu.memory_space<vmem>>) semaphore(%arg23 : memref<!tpu.dma_semaphore, #tpu.memory_space<semaphore_mem>>) {add = true}
        %add3A_214 = arith.constant 1 : i32
        %add3A_215 = arith.addi %mul3A_126, %add3A_214 : i32
        %dma_start3A_216 = arith.constant 0 : i32
        %dma_start3A_217 = tpu.memref_slice %arg12[%add3A_215, %dma_start3A_216] : memref<40x64xi32, #tpu.memory_space<vmem>> -> memref<1x64xi32, #tpu.memory_space<vmem>>
        %dma_start3A_218 = tpu.memref_squeeze %dma_start3A_217 : memref<1x64xi32, #tpu.memory_space<vmem>> -> memref<64xi32, #tpu.memory_space<vmem>>
        %dma_start3A_219 = arith.constant 0 : i32
        %dma_start3A_220 = arith.constant 0 : i32
        %dma_start3A_221 = tpu.memref_slice %arg17[%dma_start3A_219, %dma_start3A_220] : memref<10112x128xf32, #tpu.memory_space<vmem_shared>> -> memref<10112x128xf32, #tpu.memory_space<vmem_shared>>
        tpu.enqueue_indirect_dma source(%arg16 : memref<64x128xf32, #tpu.memory_space<vmem>>) target(%dma_start3A_221 : memref<10112x128xf32, #tpu.memory_space<vmem_shared>>) offsets(%dma_start3A_218 : memref<64xi32, #tpu.memory_space<vmem>>) semaphore(%arg23 : memref<!tpu.dma_semaphore, #tpu.memory_space<semaphore_mem>>) {add = true}
        %while3A_222 = arith.constant 0 : i32
        scf.yield %while3A_222 : i32
      }
      %dma_wait3A = arith.constant 0 : i32
      %dma_wait3A_96 = arith.constant 0 : i32
      %dma_wait3A_97 = tpu.memref_slice %arg12[%dma_wait3A, %dma_wait3A_96] : memref<40x64xi32, #tpu.memory_space<vmem>> -> memref<1x64xi32, #tpu.memory_space<vmem>>
      %dma_wait3A_98 = tpu.memref_squeeze %dma_wait3A_97 : memref<1x64xi32, #tpu.memory_space<vmem>> -> memref<64xi32, #tpu.memory_space<vmem>>
      %dma_wait3A_99 = arith.constant 0 : i32
      %dma_wait3A_100 = arith.constant 0 : i32
      %dma_wait3A_101 = tpu.memref_slice %arg17[%dma_wait3A_99, %dma_wait3A_100] : memref<10112x128xf32, #tpu.memory_space<vmem_shared>> -> memref<10112x128xf32, #tpu.memory_space<vmem_shared>>
      tpu.wait_indirect_dma semaphore(%arg22 : memref<!tpu.dma_semaphore, #tpu.memory_space<semaphore_mem>>) src(%arg13 : memref<64x128xf32, #tpu.memory_space<vmem>>) dst(%dma_wait3A_101 : memref<10112x128xf32, #tpu.memory_space<vmem_shared>>)
      %dma_wait3A_102 = arith.constant 0 : i32
      %dma_wait3A_103 = arith.constant 0 : i32
      %dma_wait3A_104 = tpu.memref_slice %arg12[%dma_wait3A_102, %dma_wait3A_103] : memref<40x64xi32, #tpu.memory_space<vmem>> -> memref<1x64xi32, #tpu.memory_space<vmem>>
      %dma_wait3A_105 = tpu.memref_squeeze %dma_wait3A_104 : memref<1x64xi32, #tpu.memory_space<vmem>> -> memref<64xi32, #tpu.memory_space<vmem>>
      %dma_wait3A_106 = arith.constant 0 : i32
      %dma_wait3A_107 = arith.constant 0 : i32
      %dma_wait3A_108 = tpu.memref_slice %arg17[%dma_wait3A_106, %dma_wait3A_107] : memref<10112x128xf32, #tpu.memory_space<vmem_shared>> -> memref<10112x128xf32, #tpu.memory_space<vmem_shared>>
      tpu.wait_indirect_dma semaphore(%arg22 : memref<!tpu.dma_semaphore, #tpu.memory_space<semaphore_mem>>) src(%arg15 : memref<64x128xf32, #tpu.memory_space<vmem>>) dst(%dma_wait3A_108 : memref<10112x128xf32, #tpu.memory_space<vmem_shared>>)
      %dma_wait3A_109 = arith.constant 0 : i32
      %dma_wait3A_110 = arith.constant 0 : i32
      %dma_wait3A_111 = tpu.memref_slice %arg12[%dma_wait3A_109, %dma_wait3A_110] : memref<40x64xi32, #tpu.memory_space<vmem>> -> memref<1x64xi32, #tpu.memory_space<vmem>>
      %dma_wait3A_112 = tpu.memref_squeeze %dma_wait3A_111 : memref<1x64xi32, #tpu.memory_space<vmem>> -> memref<64xi32, #tpu.memory_space<vmem>>
      %dma_wait3A_113 = arith.constant 0 : i32
      %dma_wait3A_114 = arith.constant 0 : i32
      %dma_wait3A_115 = tpu.memref_slice %arg17[%dma_wait3A_113, %dma_wait3A_114] : memref<10112x128xf32, #tpu.memory_space<vmem_shared>> -> memref<10112x128xf32, #tpu.memory_space<vmem_shared>>
      tpu.wait_indirect_dma semaphore(%arg23 : memref<!tpu.dma_semaphore, #tpu.memory_space<semaphore_mem>>) src(%arg14 : memref<64x128xf32, #tpu.memory_space<vmem>>) dst(%dma_wait3A_115 : memref<10112x128xf32, #tpu.memory_space<vmem_shared>>)
      %dma_wait3A_116 = arith.constant 0 : i32
      %dma_wait3A_117 = arith.constant 0 : i32
      %dma_wait3A_118 = tpu.memref_slice %arg12[%dma_wait3A_116, %dma_wait3A_117] : memref<40x64xi32, #tpu.memory_space<vmem>> -> memref<1x64xi32, #tpu.memory_space<vmem>>
      %dma_wait3A_119 = tpu.memref_squeeze %dma_wait3A_118 : memref<1x64xi32, #tpu.memory_space<vmem>> -> memref<64xi32, #tpu.memory_space<vmem>>
      %dma_wait3A_120 = arith.constant 0 : i32
      %dma_wait3A_121 = arith.constant 0 : i32
      %dma_wait3A_122 = tpu.memref_slice %arg17[%dma_wait3A_120, %dma_wait3A_121] : memref<10112x128xf32, #tpu.memory_space<vmem_shared>> -> memref<10112x128xf32, #tpu.memory_space<vmem_shared>>
      tpu.wait_indirect_dma semaphore(%arg23 : memref<!tpu.dma_semaphore, #tpu.memory_space<semaphore_mem>>) src(%arg16 : memref<64x128xf32, #tpu.memory_space<vmem>>) dst(%dma_wait3A_122 : memref<10112x128xf32, #tpu.memory_space<vmem_shared>>)
    } else {
    }
    %sub3A_41 = arith.constant 40 : i32
    %sub3A_42 = arith.subi %select_n3A, %sub3A_41 : i32
    %jit3A_43 = arith.constant 0 : i32
    %jit3A_44 = arith.constant 40 : i32
    %max3A_45 = arith.maxsi %jit3A_43, %sub3A_42 : i32
    %min3A_46 = arith.minsi %jit3A_44, %max3A_45 : i32
    %gt3A_47 = arith.constant 0 : i32
    %gt3A_48 = arith.cmpi sgt, %min3A_46, %gt3A_47 : i32
    %convert_element_type3A_49 = arith.extui %gt3A_48 : i1 to i32
    %cond3A_50 = arith.constant 0 : i32
    %cond3A_51 = arith.cmpi ne, %convert_element_type3A_49, %cond3A_50 : i32
    scf.if %cond3A_51 {
      %mul3A_58 = arith.constant 80 : i32
      %mul3A_59 = arith.muli %mul3A_58, %add3A : i32
      %add3A_60 = arith.constant 40 : i32
      %add3A_61 = arith.addi %mul3A_59, %add3A_60 : i32
      "tpu.region"() ({
        %run_scoped3A = tpu.sem_alloc : memref<!tpu.dma_semaphore, #tpu.memory_space<semaphore_mem>>
        %dma_start3A = arith.constant 0 : i32
        %dma_start3A_123 = tpu.memref_slice %arg2[%add3A_61, %dma_start3A] : memref<2560x64xi32, #tpu.memory_space<hbm>> -> memref<40x64xi32, #tpu.memory_space<hbm>>
        %dma_start3A_124 = arith.constant 0 : i32
        %dma_start3A_125 = tpu.memref_slice %arg2[%add3A_61, %dma_start3A_124] : memref<2560x64xi32, #tpu.memory_space<hbm>> -> memref<40x64xi32, #tpu.memory_space<hbm>>
        tpu.enqueue_dma source(%dma_start3A_125 : memref<40x64xi32, #tpu.memory_space<hbm>>) target(%arg11 : memref<40x64xi32, #tpu.memory_space<vmem>>) target_semaphore(%run_scoped3A : memref<!tpu.dma_semaphore, #tpu.memory_space<semaphore_mem>>)
        %dma_wait3A_126 = arith.constant 0 : i32
        %dma_wait3A_127 = tpu.memref_slice %arg2[%add3A_61, %dma_wait3A_126] : memref<2560x64xi32, #tpu.memory_space<hbm>> -> memref<40x64xi32, #tpu.memory_space<hbm>>
        %dma_wait3A_128 = arith.constant 0 : i32
        %dma_wait3A_129 = tpu.memref_slice %arg2[%add3A_61, %dma_wait3A_128] : memref<2560x64xi32, #tpu.memory_space<hbm>> -> memref<40x64xi32, #tpu.memory_space<hbm>>
        tpu.wait_dma2 semaphore(%run_scoped3A : memref<!tpu.dma_semaphore, #tpu.memory_space<semaphore_mem>>) src(%dma_wait3A_129 : memref<40x64xi32, #tpu.memory_space<hbm>>) dst(%arg11 : memref<40x64xi32, #tpu.memory_space<vmem>>)
        tpu.yield
      }) : () -> ()
      %mul3A_62 = arith.constant 80 : i32
      %mul3A_63 = arith.muli %mul3A_62, %add3A : i32
      %add3A_64 = arith.constant 40 : i32
      %add3A_65 = arith.addi %mul3A_63, %add3A_64 : i32
      "tpu.region"() ({
        %run_scoped3A = tpu.sem_alloc : memref<!tpu.dma_semaphore, #tpu.memory_space<semaphore_mem>>
        %dma_start3A = arith.constant 0 : i32
        %dma_start3A_123 = tpu.memref_slice %arg3[%add3A_65, %dma_start3A] : memref<2560x64xi32, #tpu.memory_space<hbm>> -> memref<40x64xi32, #tpu.memory_space<hbm>>
        %dma_start3A_124 = arith.constant 0 : i32
        %dma_start3A_125 = tpu.memref_slice %arg3[%add3A_65, %dma_start3A_124] : memref<2560x64xi32, #tpu.memory_space<hbm>> -> memref<40x64xi32, #tpu.memory_space<hbm>>
        tpu.enqueue_dma source(%dma_start3A_125 : memref<40x64xi32, #tpu.memory_space<hbm>>) target(%arg12 : memref<40x64xi32, #tpu.memory_space<vmem>>) target_semaphore(%run_scoped3A : memref<!tpu.dma_semaphore, #tpu.memory_space<semaphore_mem>>)
        %dma_wait3A_126 = arith.constant 0 : i32
        %dma_wait3A_127 = tpu.memref_slice %arg3[%add3A_65, %dma_wait3A_126] : memref<2560x64xi32, #tpu.memory_space<hbm>> -> memref<40x64xi32, #tpu.memory_space<hbm>>
        %dma_wait3A_128 = arith.constant 0 : i32
        %dma_wait3A_129 = tpu.memref_slice %arg3[%add3A_65, %dma_wait3A_128] : memref<2560x64xi32, #tpu.memory_space<hbm>> -> memref<40x64xi32, #tpu.memory_space<hbm>>
        tpu.wait_dma2 semaphore(%run_scoped3A : memref<!tpu.dma_semaphore, #tpu.memory_space<semaphore_mem>>) src(%dma_wait3A_129 : memref<40x64xi32, #tpu.memory_space<hbm>>) dst(%arg12 : memref<40x64xi32, #tpu.memory_space<vmem>>)
        tpu.yield
      }) : () -> ()
      %jit3A_66 = arith.constant 2 : i32
      %div3A = arith.divsi %min3A_46, %jit3A_66 : i32
      %sign3A = arith.constant 0 : i32
      %sign3A_67 = arith.cmpi sgt, %min3A_46, %sign3A : i32
      %sign3A_68 = arith.extui %sign3A_67 : i1 to i32
      %sign3A_69 = arith.constant 0 : i32
      %sign3A_70 = arith.cmpi slt, %min3A_46, %sign3A_69 : i32
      %sign3A_71 = arith.extui %sign3A_70 : i1 to i32
      %sign3A_72 = arith.subi %sign3A_68, %sign3A_71 : i32
      %sign3A_73 = arith.constant 0 : i32
      %sign3A_74 = arith.cmpi sgt, %jit3A_66, %sign3A_73 : i32
      %sign3A_75 = arith.extui %sign3A_74 : i1 to i32
      %sign3A_76 = arith.constant 0 : i32
      %sign3A_77 = arith.cmpi slt, %jit3A_66, %sign3A_76 : i32
      %sign3A_78 = arith.extui %sign3A_77 : i1 to i32
      %sign3A_79 = arith.subi %sign3A_75, %sign3A_78 : i32
      %ne3A = arith.cmpi ne, %sign3A_72, %sign3A_79 : i32
      %rem3A = arith.remsi %min3A_46, %jit3A_66 : i32
      %ne3A_80 = arith.constant 0 : i32
      %ne3A_81 = arith.cmpi ne, %rem3A, %ne3A_80 : i32
      %and3A = arith.andi %ne3A, %ne3A_81 : i1
      %sub3A_82 = arith.constant 1 : i32
      %sub3A_83 = arith.subi %div3A, %sub3A_82 : i32
      %select_n3A_84 = arith.select %and3A, %sub3A_83, %div3A : i32
      %while3A = arith.constant 0 : i32
      %while3A_85 = arith.constant 0 : i32
      %while3A_86 = arith.subi %select_n3A_84, %while3A : i32
      %while3A_87 = arith.addi %while3A, %while3A_86 : i32
      %while3A_88 = arith.constant 1 : i32
      %while3A_89 = arith.divsi %while3A_86, %while3A_88 : i32
      %while3A_90 = arith.muli %while3A_89, %while3A_88 : i32
      %while3A_91 = arith.addi %while3A, %while3A_90 : i32
      %while3A_92 = arith.constant 1 : i32
      %while3A_93 = scf.for %while3A_123 = %while3A to %while3A_91 step %while3A_92 iter_args(%while3A_124 = %while3A_85) -> (i32)  : i32 {
        %mul3A_125 = arith.constant 2 : i32
        %mul3A_126 = arith.muli %mul3A_125, %while3A_123 : i32
        %mul3A_127 = arith.constant 80 : i32
        %mul3A_128 = arith.muli %mul3A_127, %add3A : i32
        %add3A_129 = arith.constant 40 : i32
        %add3A_130 = arith.addi %mul3A_128, %add3A_129 : i32
        %add3A_131 = arith.addi %add3A_130, %mul3A_126 : i32
        %ge3A = arith.constant 1 : i32
        %ge3A_132 = arith.cmpi sge, %while3A_123, %ge3A : i32
        %convert_element_type3A_133 = arith.extui %ge3A_132 : i1 to i32
        %cond3A_134 = arith.constant 0 : i32
        %cond3A_135 = arith.cmpi ne, %convert_element_type3A_133, %cond3A_134 : i32
        scf.if %cond3A_135 {
          %dma_wait3A_223 = arith.constant 0 : i32
          %dma_wait3A_224 = arith.constant 0 : i32
          %dma_wait3A_225 = tpu.memref_slice %arg12[%dma_wait3A_223, %dma_wait3A_224] : memref<40x64xi32, #tpu.memory_space<vmem>> -> memref<1x64xi32, #tpu.memory_space<vmem>>
          %dma_wait3A_226 = tpu.memref_squeeze %dma_wait3A_225 : memref<1x64xi32, #tpu.memory_space<vmem>> -> memref<64xi32, #tpu.memory_space<vmem>>
          %dma_wait3A_227 = arith.constant 0 : i32
          %dma_wait3A_228 = arith.constant 0 : i32
          %dma_wait3A_229 = tpu.memref_slice %arg17[%dma_wait3A_227, %dma_wait3A_228] : memref<10112x128xf32, #tpu.memory_space<vmem_shared>> -> memref<10112x128xf32, #tpu.memory_space<vmem_shared>>
          tpu.wait_indirect_dma semaphore(%arg22 : memref<!tpu.dma_semaphore, #tpu.memory_space<semaphore_mem>>) src(%arg13 : memref<64x128xf32, #tpu.memory_space<vmem>>) dst(%dma_wait3A_229 : memref<10112x128xf32, #tpu.memory_space<vmem_shared>>)
          %dma_wait3A_230 = arith.constant 0 : i32
          %dma_wait3A_231 = arith.constant 0 : i32
          %dma_wait3A_232 = tpu.memref_slice %arg12[%dma_wait3A_230, %dma_wait3A_231] : memref<40x64xi32, #tpu.memory_space<vmem>> -> memref<1x64xi32, #tpu.memory_space<vmem>>
          %dma_wait3A_233 = tpu.memref_squeeze %dma_wait3A_232 : memref<1x64xi32, #tpu.memory_space<vmem>> -> memref<64xi32, #tpu.memory_space<vmem>>
          %dma_wait3A_234 = arith.constant 0 : i32
          %dma_wait3A_235 = arith.constant 0 : i32
          %dma_wait3A_236 = tpu.memref_slice %arg17[%dma_wait3A_234, %dma_wait3A_235] : memref<10112x128xf32, #tpu.memory_space<vmem_shared>> -> memref<10112x128xf32, #tpu.memory_space<vmem_shared>>
          tpu.wait_indirect_dma semaphore(%arg22 : memref<!tpu.dma_semaphore, #tpu.memory_space<semaphore_mem>>) src(%arg15 : memref<64x128xf32, #tpu.memory_space<vmem>>) dst(%dma_wait3A_236 : memref<10112x128xf32, #tpu.memory_space<vmem_shared>>)
        } else {
        }
        %dma_start3A = arith.constant 0 : i32
        %dma_start3A_136 = tpu.memref_slice %arg11[%mul3A_126, %dma_start3A] : memref<40x64xi32, #tpu.memory_space<vmem>> -> memref<1x64xi32, #tpu.memory_space<vmem>>
        %dma_start3A_137 = tpu.memref_squeeze %dma_start3A_136 : memref<1x64xi32, #tpu.memory_space<vmem>> -> memref<64xi32, #tpu.memory_space<vmem>>
        %dma_start3A_138 = arith.constant 0 : i32
        %dma_start3A_139 = arith.constant 0 : i32
        %dma_start3A_140 = tpu.memref_slice %arg5[%dma_start3A_138, %dma_start3A_139] : memref<10000x128xf32, #tpu.memory_space<hbm>> -> memref<10000x128xf32, #tpu.memory_space<hbm>>
        tpu.enqueue_indirect_dma source(%dma_start3A_140 : memref<10000x128xf32, #tpu.memory_space<hbm>>) target(%arg13 : memref<64x128xf32, #tpu.memory_space<vmem>>) offsets(%dma_start3A_137 : memref<64xi32, #tpu.memory_space<vmem>>) semaphore(%arg18 : memref<!tpu.dma_semaphore, #tpu.memory_space<semaphore_mem>>)
        %mul3A_141 = arith.constant 64 : i32
        %mul3A_142 = arith.muli %add3A_131, %mul3A_141 : i32
        %dma_start3A_143 = arith.constant 0 : i32
        %dma_start3A_144 = tpu.memref_slice %arg7[%mul3A_142, %dma_start3A_143] : memref<160000x128xf32, #tpu.memory_space<hbm>> -> memref<64x128xf32, #tpu.memory_space<hbm>>
        %dma_start3A_145 = arith.constant 0 : i32
        %dma_start3A_146 = tpu.memref_slice %arg7[%mul3A_142, %dma_start3A_145] : memref<160000x128xf32, #tpu.memory_space<hbm>> -> memref<64x128xf32, #tpu.memory_space<hbm>>
        tpu.enqueue_dma source(%dma_start3A_146 : memref<64x128xf32, #tpu.memory_space<hbm>>) target(%arg15 : memref<64x128xf32, #tpu.memory_space<vmem>>) target_semaphore(%arg20 : memref<!tpu.dma_semaphore, #tpu.memory_space<semaphore_mem>>)
        %ge3A_147 = arith.constant 1 : i32
        %ge3A_148 = arith.cmpi sge, %while3A_123, %ge3A_147 : i32
        %convert_element_type3A_149 = arith.extui %ge3A_148 : i1 to i32
        %cond3A_150 = arith.constant 0 : i32
        %cond3A_151 = arith.cmpi ne, %convert_element_type3A_149, %cond3A_150 : i32
        scf.if %cond3A_151 {
          %dma_wait3A_223 = arith.constant 0 : i32
          %dma_wait3A_224 = arith.constant 0 : i32
          %dma_wait3A_225 = tpu.memref_slice %arg12[%dma_wait3A_223, %dma_wait3A_224] : memref<40x64xi32, #tpu.memory_space<vmem>> -> memref<1x64xi32, #tpu.memory_space<vmem>>
          %dma_wait3A_226 = tpu.memref_squeeze %dma_wait3A_225 : memref<1x64xi32, #tpu.memory_space<vmem>> -> memref<64xi32, #tpu.memory_space<vmem>>
          %dma_wait3A_227 = arith.constant 0 : i32
          %dma_wait3A_228 = arith.constant 0 : i32
          %dma_wait3A_229 = tpu.memref_slice %arg17[%dma_wait3A_227, %dma_wait3A_228] : memref<10112x128xf32, #tpu.memory_space<vmem_shared>> -> memref<10112x128xf32, #tpu.memory_space<vmem_shared>>
          tpu.wait_indirect_dma semaphore(%arg23 : memref<!tpu.dma_semaphore, #tpu.memory_space<semaphore_mem>>) src(%arg14 : memref<64x128xf32, #tpu.memory_space<vmem>>) dst(%dma_wait3A_229 : memref<10112x128xf32, #tpu.memory_space<vmem_shared>>)
          %dma_wait3A_230 = arith.constant 0 : i32
          %dma_wait3A_231 = arith.constant 0 : i32
          %dma_wait3A_232 = tpu.memref_slice %arg12[%dma_wait3A_230, %dma_wait3A_231] : memref<40x64xi32, #tpu.memory_space<vmem>> -> memref<1x64xi32, #tpu.memory_space<vmem>>
          %dma_wait3A_233 = tpu.memref_squeeze %dma_wait3A_232 : memref<1x64xi32, #tpu.memory_space<vmem>> -> memref<64xi32, #tpu.memory_space<vmem>>
          %dma_wait3A_234 = arith.constant 0 : i32
          %dma_wait3A_235 = arith.constant 0 : i32
          %dma_wait3A_236 = tpu.memref_slice %arg17[%dma_wait3A_234, %dma_wait3A_235] : memref<10112x128xf32, #tpu.memory_space<vmem_shared>> -> memref<10112x128xf32, #tpu.memory_space<vmem_shared>>
          tpu.wait_indirect_dma semaphore(%arg23 : memref<!tpu.dma_semaphore, #tpu.memory_space<semaphore_mem>>) src(%arg16 : memref<64x128xf32, #tpu.memory_space<vmem>>) dst(%dma_wait3A_236 : memref<10112x128xf32, #tpu.memory_space<vmem_shared>>)
        } else {
        }
        %add3A_152 = arith.constant 1 : i32
        %add3A_153 = arith.addi %mul3A_126, %add3A_152 : i32
        %dma_start3A_154 = arith.constant 0 : i32
        %dma_start3A_155 = tpu.memref_slice %arg11[%add3A_153, %dma_start3A_154] : memref<40x64xi32, #tpu.memory_space<vmem>> -> memref<1x64xi32, #tpu.memory_space<vmem>>
        %dma_start3A_156 = tpu.memref_squeeze %dma_start3A_155 : memref<1x64xi32, #tpu.memory_space<vmem>> -> memref<64xi32, #tpu.memory_space<vmem>>
        %dma_start3A_157 = arith.constant 0 : i32
        %dma_start3A_158 = arith.constant 0 : i32
        %dma_start3A_159 = tpu.memref_slice %arg5[%dma_start3A_157, %dma_start3A_158] : memref<10000x128xf32, #tpu.memory_space<hbm>> -> memref<10000x128xf32, #tpu.memory_space<hbm>>
        tpu.enqueue_indirect_dma source(%dma_start3A_159 : memref<10000x128xf32, #tpu.memory_space<hbm>>) target(%arg14 : memref<64x128xf32, #tpu.memory_space<vmem>>) offsets(%dma_start3A_156 : memref<64xi32, #tpu.memory_space<vmem>>) semaphore(%arg19 : memref<!tpu.dma_semaphore, #tpu.memory_space<semaphore_mem>>)
        %add3A_160 = arith.constant 1 : i32
        %add3A_161 = arith.addi %add3A_131, %add3A_160 : i32
        %mul3A_162 = arith.constant 64 : i32
        %mul3A_163 = arith.muli %add3A_161, %mul3A_162 : i32
        %dma_start3A_164 = arith.constant 0 : i32
        %dma_start3A_165 = tpu.memref_slice %arg7[%mul3A_163, %dma_start3A_164] : memref<160000x128xf32, #tpu.memory_space<hbm>> -> memref<64x128xf32, #tpu.memory_space<hbm>>
        %dma_start3A_166 = arith.constant 0 : i32
        %dma_start3A_167 = tpu.memref_slice %arg7[%mul3A_163, %dma_start3A_166] : memref<160000x128xf32, #tpu.memory_space<hbm>> -> memref<64x128xf32, #tpu.memory_space<hbm>>
        tpu.enqueue_dma source(%dma_start3A_167 : memref<64x128xf32, #tpu.memory_space<hbm>>) target(%arg16 : memref<64x128xf32, #tpu.memory_space<vmem>>) target_semaphore(%arg21 : memref<!tpu.dma_semaphore, #tpu.memory_space<semaphore_mem>>)
        %dma_wait3A_168 = arith.constant 0 : i32
        %dma_wait3A_169 = tpu.memref_slice %arg11[%mul3A_126, %dma_wait3A_168] : memref<40x64xi32, #tpu.memory_space<vmem>> -> memref<1x64xi32, #tpu.memory_space<vmem>>
        %dma_wait3A_170 = tpu.memref_squeeze %dma_wait3A_169 : memref<1x64xi32, #tpu.memory_space<vmem>> -> memref<64xi32, #tpu.memory_space<vmem>>
        %dma_wait3A_171 = arith.constant 0 : i32
        %dma_wait3A_172 = arith.constant 0 : i32
        %dma_wait3A_173 = tpu.memref_slice %arg5[%dma_wait3A_171, %dma_wait3A_172] : memref<10000x128xf32, #tpu.memory_space<hbm>> -> memref<10000x128xf32, #tpu.memory_space<hbm>>
        tpu.wait_indirect_dma semaphore(%arg18 : memref<!tpu.dma_semaphore, #tpu.memory_space<semaphore_mem>>) src(%dma_wait3A_173 : memref<10000x128xf32, #tpu.memory_space<hbm>>) dst(%arg13 : memref<64x128xf32, #tpu.memory_space<vmem>>)
        %mul3A_174 = arith.constant 64 : i32
        %mul3A_175 = arith.muli %add3A_131, %mul3A_174 : i32
        %dma_wait3A_176 = arith.constant 0 : i32
        %dma_wait3A_177 = tpu.memref_slice %arg7[%mul3A_175, %dma_wait3A_176] : memref<160000x128xf32, #tpu.memory_space<hbm>> -> memref<64x128xf32, #tpu.memory_space<hbm>>
        %dma_wait3A_178 = arith.constant 0 : i32
        %dma_wait3A_179 = tpu.memref_slice %arg7[%mul3A_175, %dma_wait3A_178] : memref<160000x128xf32, #tpu.memory_space<hbm>> -> memref<64x128xf32, #tpu.memory_space<hbm>>
        tpu.wait_dma2 semaphore(%arg20 : memref<!tpu.dma_semaphore, #tpu.memory_space<semaphore_mem>>) src(%dma_wait3A_179 : memref<64x128xf32, #tpu.memory_space<hbm>>) dst(%arg15 : memref<64x128xf32, #tpu.memory_space<vmem>>)
        %dma_start3A_180 = arith.constant 0 : i32
        %dma_start3A_181 = tpu.memref_slice %arg12[%mul3A_126, %dma_start3A_180] : memref<40x64xi32, #tpu.memory_space<vmem>> -> memref<1x64xi32, #tpu.memory_space<vmem>>
        %dma_start3A_182 = tpu.memref_squeeze %dma_start3A_181 : memref<1x64xi32, #tpu.memory_space<vmem>> -> memref<64xi32, #tpu.memory_space<vmem>>
        %dma_start3A_183 = arith.constant 0 : i32
        %dma_start3A_184 = arith.constant 0 : i32
        %dma_start3A_185 = tpu.memref_slice %arg17[%dma_start3A_183, %dma_start3A_184] : memref<10112x128xf32, #tpu.memory_space<vmem_shared>> -> memref<10112x128xf32, #tpu.memory_space<vmem_shared>>
        tpu.enqueue_indirect_dma source(%arg13 : memref<64x128xf32, #tpu.memory_space<vmem>>) target(%dma_start3A_185 : memref<10112x128xf32, #tpu.memory_space<vmem_shared>>) offsets(%dma_start3A_182 : memref<64xi32, #tpu.memory_space<vmem>>) semaphore(%arg22 : memref<!tpu.dma_semaphore, #tpu.memory_space<semaphore_mem>>) {add = true}
        %dma_start3A_186 = arith.constant 0 : i32
        %dma_start3A_187 = tpu.memref_slice %arg12[%mul3A_126, %dma_start3A_186] : memref<40x64xi32, #tpu.memory_space<vmem>> -> memref<1x64xi32, #tpu.memory_space<vmem>>
        %dma_start3A_188 = tpu.memref_squeeze %dma_start3A_187 : memref<1x64xi32, #tpu.memory_space<vmem>> -> memref<64xi32, #tpu.memory_space<vmem>>
        %dma_start3A_189 = arith.constant 0 : i32
        %dma_start3A_190 = arith.constant 0 : i32
        %dma_start3A_191 = tpu.memref_slice %arg17[%dma_start3A_189, %dma_start3A_190] : memref<10112x128xf32, #tpu.memory_space<vmem_shared>> -> memref<10112x128xf32, #tpu.memory_space<vmem_shared>>
        tpu.enqueue_indirect_dma source(%arg15 : memref<64x128xf32, #tpu.memory_space<vmem>>) target(%dma_start3A_191 : memref<10112x128xf32, #tpu.memory_space<vmem_shared>>) offsets(%dma_start3A_188 : memref<64xi32, #tpu.memory_space<vmem>>) semaphore(%arg22 : memref<!tpu.dma_semaphore, #tpu.memory_space<semaphore_mem>>) {add = true}
        %add3A_192 = arith.constant 1 : i32
        %add3A_193 = arith.addi %mul3A_126, %add3A_192 : i32
        %dma_wait3A_194 = arith.constant 0 : i32
        %dma_wait3A_195 = tpu.memref_slice %arg11[%add3A_193, %dma_wait3A_194] : memref<40x64xi32, #tpu.memory_space<vmem>> -> memref<1x64xi32, #tpu.memory_space<vmem>>
        %dma_wait3A_196 = tpu.memref_squeeze %dma_wait3A_195 : memref<1x64xi32, #tpu.memory_space<vmem>> -> memref<64xi32, #tpu.memory_space<vmem>>
        %dma_wait3A_197 = arith.constant 0 : i32
        %dma_wait3A_198 = arith.constant 0 : i32
        %dma_wait3A_199 = tpu.memref_slice %arg5[%dma_wait3A_197, %dma_wait3A_198] : memref<10000x128xf32, #tpu.memory_space<hbm>> -> memref<10000x128xf32, #tpu.memory_space<hbm>>
        tpu.wait_indirect_dma semaphore(%arg19 : memref<!tpu.dma_semaphore, #tpu.memory_space<semaphore_mem>>) src(%dma_wait3A_199 : memref<10000x128xf32, #tpu.memory_space<hbm>>) dst(%arg14 : memref<64x128xf32, #tpu.memory_space<vmem>>)
        %mul3A_200 = arith.constant 64 : i32
        %mul3A_201 = arith.muli %add3A_131, %mul3A_200 : i32
        %dma_wait3A_202 = arith.constant 0 : i32
        %dma_wait3A_203 = tpu.memref_slice %arg7[%mul3A_201, %dma_wait3A_202] : memref<160000x128xf32, #tpu.memory_space<hbm>> -> memref<64x128xf32, #tpu.memory_space<hbm>>
        %dma_wait3A_204 = arith.constant 0 : i32
        %dma_wait3A_205 = tpu.memref_slice %arg7[%mul3A_201, %dma_wait3A_204] : memref<160000x128xf32, #tpu.memory_space<hbm>> -> memref<64x128xf32, #tpu.memory_space<hbm>>
        tpu.wait_dma2 semaphore(%arg21 : memref<!tpu.dma_semaphore, #tpu.memory_space<semaphore_mem>>) src(%dma_wait3A_205 : memref<64x128xf32, #tpu.memory_space<hbm>>) dst(%arg16 : memref<64x128xf32, #tpu.memory_space<vmem>>)
        %add3A_206 = arith.constant 1 : i32
        %add3A_207 = arith.addi %mul3A_126, %add3A_206 : i32
        %dma_start3A_208 = arith.constant 0 : i32
        %dma_start3A_209 = tpu.memref_slice %arg12[%add3A_207, %dma_start3A_208] : memref<40x64xi32, #tpu.memory_space<vmem>> -> memref<1x64xi32, #tpu.memory_space<vmem>>
        %dma_start3A_210 = tpu.memref_squeeze %dma_start3A_209 : memref<1x64xi32, #tpu.memory_space<vmem>> -> memref<64xi32, #tpu.memory_space<vmem>>
        %dma_start3A_211 = arith.constant 0 : i32
        %dma_start3A_212 = arith.constant 0 : i32
        %dma_start3A_213 = tpu.memref_slice %arg17[%dma_start3A_211, %dma_start3A_212] : memref<10112x128xf32, #tpu.memory_space<vmem_shared>> -> memref<10112x128xf32, #tpu.memory_space<vmem_shared>>
        tpu.enqueue_indirect_dma source(%arg14 : memref<64x128xf32, #tpu.memory_space<vmem>>) target(%dma_start3A_213 : memref<10112x128xf32, #tpu.memory_space<vmem_shared>>) offsets(%dma_start3A_210 : memref<64xi32, #tpu.memory_space<vmem>>) semaphore(%arg23 : memref<!tpu.dma_semaphore, #tpu.memory_space<semaphore_mem>>) {add = true}
        %add3A_214 = arith.constant 1 : i32
        %add3A_215 = arith.addi %mul3A_126, %add3A_214 : i32
        %dma_start3A_216 = arith.constant 0 : i32
        %dma_start3A_217 = tpu.memref_slice %arg12[%add3A_215, %dma_start3A_216] : memref<40x64xi32, #tpu.memory_space<vmem>> -> memref<1x64xi32, #tpu.memory_space<vmem>>
        %dma_start3A_218 = tpu.memref_squeeze %dma_start3A_217 : memref<1x64xi32, #tpu.memory_space<vmem>> -> memref<64xi32, #tpu.memory_space<vmem>>
        %dma_start3A_219 = arith.constant 0 : i32
        %dma_start3A_220 = arith.constant 0 : i32
        %dma_start3A_221 = tpu.memref_slice %arg17[%dma_start3A_219, %dma_start3A_220] : memref<10112x128xf32, #tpu.memory_space<vmem_shared>> -> memref<10112x128xf32, #tpu.memory_space<vmem_shared>>
        tpu.enqueue_indirect_dma source(%arg16 : memref<64x128xf32, #tpu.memory_space<vmem>>) target(%dma_start3A_221 : memref<10112x128xf32, #tpu.memory_space<vmem_shared>>) offsets(%dma_start3A_218 : memref<64xi32, #tpu.memory_space<vmem>>) semaphore(%arg23 : memref<!tpu.dma_semaphore, #tpu.memory_space<semaphore_mem>>) {add = true}
        %while3A_222 = arith.constant 0 : i32
        scf.yield %while3A_222 : i32
      }
      %while3A_94 = arith.constant 1 : i32
      %while3A_95 = scf.for %while3A_123 = %while3A_91 to %while3A_87 step %while3A_94 iter_args(%while3A_124 = %while3A_93) -> (i32)  : i32 {
        %mul3A_125 = arith.constant 2 : i32
        %mul3A_126 = arith.muli %mul3A_125, %while3A_123 : i32
        %mul3A_127 = arith.constant 80 : i32
        %mul3A_128 = arith.muli %mul3A_127, %add3A : i32
        %add3A_129 = arith.constant 40 : i32
        %add3A_130 = arith.addi %mul3A_128, %add3A_129 : i32
        %add3A_131 = arith.addi %add3A_130, %mul3A_126 : i32
        %ge3A = arith.constant 1 : i32
        %ge3A_132 = arith.cmpi sge, %while3A_123, %ge3A : i32
        %convert_element_type3A_133 = arith.extui %ge3A_132 : i1 to i32
        %cond3A_134 = arith.constant 0 : i32
        %cond3A_135 = arith.cmpi ne, %convert_element_type3A_133, %cond3A_134 : i32
        scf.if %cond3A_135 {
          %dma_wait3A_223 = arith.constant 0 : i32
          %dma_wait3A_224 = arith.constant 0 : i32
          %dma_wait3A_225 = tpu.memref_slice %arg12[%dma_wait3A_223, %dma_wait3A_224] : memref<40x64xi32, #tpu.memory_space<vmem>> -> memref<1x64xi32, #tpu.memory_space<vmem>>
          %dma_wait3A_226 = tpu.memref_squeeze %dma_wait3A_225 : memref<1x64xi32, #tpu.memory_space<vmem>> -> memref<64xi32, #tpu.memory_space<vmem>>
          %dma_wait3A_227 = arith.constant 0 : i32
          %dma_wait3A_228 = arith.constant 0 : i32
          %dma_wait3A_229 = tpu.memref_slice %arg17[%dma_wait3A_227, %dma_wait3A_228] : memref<10112x128xf32, #tpu.memory_space<vmem_shared>> -> memref<10112x128xf32, #tpu.memory_space<vmem_shared>>
          tpu.wait_indirect_dma semaphore(%arg22 : memref<!tpu.dma_semaphore, #tpu.memory_space<semaphore_mem>>) src(%arg13 : memref<64x128xf32, #tpu.memory_space<vmem>>) dst(%dma_wait3A_229 : memref<10112x128xf32, #tpu.memory_space<vmem_shared>>)
          %dma_wait3A_230 = arith.constant 0 : i32
          %dma_wait3A_231 = arith.constant 0 : i32
          %dma_wait3A_232 = tpu.memref_slice %arg12[%dma_wait3A_230, %dma_wait3A_231] : memref<40x64xi32, #tpu.memory_space<vmem>> -> memref<1x64xi32, #tpu.memory_space<vmem>>
          %dma_wait3A_233 = tpu.memref_squeeze %dma_wait3A_232 : memref<1x64xi32, #tpu.memory_space<vmem>> -> memref<64xi32, #tpu.memory_space<vmem>>
          %dma_wait3A_234 = arith.constant 0 : i32
          %dma_wait3A_235 = arith.constant 0 : i32
          %dma_wait3A_236 = tpu.memref_slice %arg17[%dma_wait3A_234, %dma_wait3A_235] : memref<10112x128xf32, #tpu.memory_space<vmem_shared>> -> memref<10112x128xf32, #tpu.memory_space<vmem_shared>>
          tpu.wait_indirect_dma semaphore(%arg22 : memref<!tpu.dma_semaphore, #tpu.memory_space<semaphore_mem>>) src(%arg15 : memref<64x128xf32, #tpu.memory_space<vmem>>) dst(%dma_wait3A_236 : memref<10112x128xf32, #tpu.memory_space<vmem_shared>>)
        } else {
        }
        %dma_start3A = arith.constant 0 : i32
        %dma_start3A_136 = tpu.memref_slice %arg11[%mul3A_126, %dma_start3A] : memref<40x64xi32, #tpu.memory_space<vmem>> -> memref<1x64xi32, #tpu.memory_space<vmem>>
        %dma_start3A_137 = tpu.memref_squeeze %dma_start3A_136 : memref<1x64xi32, #tpu.memory_space<vmem>> -> memref<64xi32, #tpu.memory_space<vmem>>
        %dma_start3A_138 = arith.constant 0 : i32
        %dma_start3A_139 = arith.constant 0 : i32
        %dma_start3A_140 = tpu.memref_slice %arg5[%dma_start3A_138, %dma_start3A_139] : memref<10000x128xf32, #tpu.memory_space<hbm>> -> memref<10000x128xf32, #tpu.memory_space<hbm>>
        tpu.enqueue_indirect_dma source(%dma_start3A_140 : memref<10000x128xf32, #tpu.memory_space<hbm>>) target(%arg13 : memref<64x128xf32, #tpu.memory_space<vmem>>) offsets(%dma_start3A_137 : memref<64xi32, #tpu.memory_space<vmem>>) semaphore(%arg18 : memref<!tpu.dma_semaphore, #tpu.memory_space<semaphore_mem>>)
        %mul3A_141 = arith.constant 64 : i32
        %mul3A_142 = arith.muli %add3A_131, %mul3A_141 : i32
        %dma_start3A_143 = arith.constant 0 : i32
        %dma_start3A_144 = tpu.memref_slice %arg7[%mul3A_142, %dma_start3A_143] : memref<160000x128xf32, #tpu.memory_space<hbm>> -> memref<64x128xf32, #tpu.memory_space<hbm>>
        %dma_start3A_145 = arith.constant 0 : i32
        %dma_start3A_146 = tpu.memref_slice %arg7[%mul3A_142, %dma_start3A_145] : memref<160000x128xf32, #tpu.memory_space<hbm>> -> memref<64x128xf32, #tpu.memory_space<hbm>>
        tpu.enqueue_dma source(%dma_start3A_146 : memref<64x128xf32, #tpu.memory_space<hbm>>) target(%arg15 : memref<64x128xf32, #tpu.memory_space<vmem>>) target_semaphore(%arg20 : memref<!tpu.dma_semaphore, #tpu.memory_space<semaphore_mem>>)
        %ge3A_147 = arith.constant 1 : i32
        %ge3A_148 = arith.cmpi sge, %while3A_123, %ge3A_147 : i32
        %convert_element_type3A_149 = arith.extui %ge3A_148 : i1 to i32
        %cond3A_150 = arith.constant 0 : i32
        %cond3A_151 = arith.cmpi ne, %convert_element_type3A_149, %cond3A_150 : i32
        scf.if %cond3A_151 {
          %dma_wait3A_223 = arith.constant 0 : i32
          %dma_wait3A_224 = arith.constant 0 : i32
          %dma_wait3A_225 = tpu.memref_slice %arg12[%dma_wait3A_223, %dma_wait3A_224] : memref<40x64xi32, #tpu.memory_space<vmem>> -> memref<1x64xi32, #tpu.memory_space<vmem>>
          %dma_wait3A_226 = tpu.memref_squeeze %dma_wait3A_225 : memref<1x64xi32, #tpu.memory_space<vmem>> -> memref<64xi32, #tpu.memory_space<vmem>>
          %dma_wait3A_227 = arith.constant 0 : i32
          %dma_wait3A_228 = arith.constant 0 : i32
          %dma_wait3A_229 = tpu.memref_slice %arg17[%dma_wait3A_227, %dma_wait3A_228] : memref<10112x128xf32, #tpu.memory_space<vmem_shared>> -> memref<10112x128xf32, #tpu.memory_space<vmem_shared>>
          tpu.wait_indirect_dma semaphore(%arg23 : memref<!tpu.dma_semaphore, #tpu.memory_space<semaphore_mem>>) src(%arg14 : memref<64x128xf32, #tpu.memory_space<vmem>>) dst(%dma_wait3A_229 : memref<10112x128xf32, #tpu.memory_space<vmem_shared>>)
          %dma_wait3A_230 = arith.constant 0 : i32
          %dma_wait3A_231 = arith.constant 0 : i32
          %dma_wait3A_232 = tpu.memref_slice %arg12[%dma_wait3A_230, %dma_wait3A_231] : memref<40x64xi32, #tpu.memory_space<vmem>> -> memref<1x64xi32, #tpu.memory_space<vmem>>
          %dma_wait3A_233 = tpu.memref_squeeze %dma_wait3A_232 : memref<1x64xi32, #tpu.memory_space<vmem>> -> memref<64xi32, #tpu.memory_space<vmem>>
          %dma_wait3A_234 = arith.constant 0 : i32
          %dma_wait3A_235 = arith.constant 0 : i32
          %dma_wait3A_236 = tpu.memref_slice %arg17[%dma_wait3A_234, %dma_wait3A_235] : memref<10112x128xf32, #tpu.memory_space<vmem_shared>> -> memref<10112x128xf32, #tpu.memory_space<vmem_shared>>
          tpu.wait_indirect_dma semaphore(%arg23 : memref<!tpu.dma_semaphore, #tpu.memory_space<semaphore_mem>>) src(%arg16 : memref<64x128xf32, #tpu.memory_space<vmem>>) dst(%dma_wait3A_236 : memref<10112x128xf32, #tpu.memory_space<vmem_shared>>)
        } else {
        }
        %add3A_152 = arith.constant 1 : i32
        %add3A_153 = arith.addi %mul3A_126, %add3A_152 : i32
        %dma_start3A_154 = arith.constant 0 : i32
        %dma_start3A_155 = tpu.memref_slice %arg11[%add3A_153, %dma_start3A_154] : memref<40x64xi32, #tpu.memory_space<vmem>> -> memref<1x64xi32, #tpu.memory_space<vmem>>
        %dma_start3A_156 = tpu.memref_squeeze %dma_start3A_155 : memref<1x64xi32, #tpu.memory_space<vmem>> -> memref<64xi32, #tpu.memory_space<vmem>>
        %dma_start3A_157 = arith.constant 0 : i32
        %dma_start3A_158 = arith.constant 0 : i32
        %dma_start3A_159 = tpu.memref_slice %arg5[%dma_start3A_157, %dma_start3A_158] : memref<10000x128xf32, #tpu.memory_space<hbm>> -> memref<10000x128xf32, #tpu.memory_space<hbm>>
        tpu.enqueue_indirect_dma source(%dma_start3A_159 : memref<10000x128xf32, #tpu.memory_space<hbm>>) target(%arg14 : memref<64x128xf32, #tpu.memory_space<vmem>>) offsets(%dma_start3A_156 : memref<64xi32, #tpu.memory_space<vmem>>) semaphore(%arg19 : memref<!tpu.dma_semaphore, #tpu.memory_space<semaphore_mem>>)
        %add3A_160 = arith.constant 1 : i32
        %add3A_161 = arith.addi %add3A_131, %add3A_160 : i32
        %mul3A_162 = arith.constant 64 : i32
        %mul3A_163 = arith.muli %add3A_161, %mul3A_162 : i32
        %dma_start3A_164 = arith.constant 0 : i32
        %dma_start3A_165 = tpu.memref_slice %arg7[%mul3A_163, %dma_start3A_164] : memref<160000x128xf32, #tpu.memory_space<hbm>> -> memref<64x128xf32, #tpu.memory_space<hbm>>
        %dma_start3A_166 = arith.constant 0 : i32
        %dma_start3A_167 = tpu.memref_slice %arg7[%mul3A_163, %dma_start3A_166] : memref<160000x128xf32, #tpu.memory_space<hbm>> -> memref<64x128xf32, #tpu.memory_space<hbm>>
        tpu.enqueue_dma source(%dma_start3A_167 : memref<64x128xf32, #tpu.memory_space<hbm>>) target(%arg16 : memref<64x128xf32, #tpu.memory_space<vmem>>) target_semaphore(%arg21 : memref<!tpu.dma_semaphore, #tpu.memory_space<semaphore_mem>>)
        %dma_wait3A_168 = arith.constant 0 : i32
        %dma_wait3A_169 = tpu.memref_slice %arg11[%mul3A_126, %dma_wait3A_168] : memref<40x64xi32, #tpu.memory_space<vmem>> -> memref<1x64xi32, #tpu.memory_space<vmem>>
        %dma_wait3A_170 = tpu.memref_squeeze %dma_wait3A_169 : memref<1x64xi32, #tpu.memory_space<vmem>> -> memref<64xi32, #tpu.memory_space<vmem>>
        %dma_wait3A_171 = arith.constant 0 : i32
        %dma_wait3A_172 = arith.constant 0 : i32
        %dma_wait3A_173 = tpu.memref_slice %arg5[%dma_wait3A_171, %dma_wait3A_172] : memref<10000x128xf32, #tpu.memory_space<hbm>> -> memref<10000x128xf32, #tpu.memory_space<hbm>>
        tpu.wait_indirect_dma semaphore(%arg18 : memref<!tpu.dma_semaphore, #tpu.memory_space<semaphore_mem>>) src(%dma_wait3A_173 : memref<10000x128xf32, #tpu.memory_space<hbm>>) dst(%arg13 : memref<64x128xf32, #tpu.memory_space<vmem>>)
        %mul3A_174 = arith.constant 64 : i32
        %mul3A_175 = arith.muli %add3A_131, %mul3A_174 : i32
        %dma_wait3A_176 = arith.constant 0 : i32
        %dma_wait3A_177 = tpu.memref_slice %arg7[%mul3A_175, %dma_wait3A_176] : memref<160000x128xf32, #tpu.memory_space<hbm>> -> memref<64x128xf32, #tpu.memory_space<hbm>>
        %dma_wait3A_178 = arith.constant 0 : i32
        %dma_wait3A_179 = tpu.memref_slice %arg7[%mul3A_175, %dma_wait3A_178] : memref<160000x128xf32, #tpu.memory_space<hbm>> -> memref<64x128xf32, #tpu.memory_space<hbm>>
        tpu.wait_dma2 semaphore(%arg20 : memref<!tpu.dma_semaphore, #tpu.memory_space<semaphore_mem>>) src(%dma_wait3A_179 : memref<64x128xf32, #tpu.memory_space<hbm>>) dst(%arg15 : memref<64x128xf32, #tpu.memory_space<vmem>>)
        %dma_start3A_180 = arith.constant 0 : i32
        %dma_start3A_181 = tpu.memref_slice %arg12[%mul3A_126, %dma_start3A_180] : memref<40x64xi32, #tpu.memory_space<vmem>> -> memref<1x64xi32, #tpu.memory_space<vmem>>
        %dma_start3A_182 = tpu.memref_squeeze %dma_start3A_181 : memref<1x64xi32, #tpu.memory_space<vmem>> -> memref<64xi32, #tpu.memory_space<vmem>>
        %dma_start3A_183 = arith.constant 0 : i32
        %dma_start3A_184 = arith.constant 0 : i32
        %dma_start3A_185 = tpu.memref_slice %arg17[%dma_start3A_183, %dma_start3A_184] : memref<10112x128xf32, #tpu.memory_space<vmem_shared>> -> memref<10112x128xf32, #tpu.memory_space<vmem_shared>>
        tpu.enqueue_indirect_dma source(%arg13 : memref<64x128xf32, #tpu.memory_space<vmem>>) target(%dma_start3A_185 : memref<10112x128xf32, #tpu.memory_space<vmem_shared>>) offsets(%dma_start3A_182 : memref<64xi32, #tpu.memory_space<vmem>>) semaphore(%arg22 : memref<!tpu.dma_semaphore, #tpu.memory_space<semaphore_mem>>) {add = true}
        %dma_start3A_186 = arith.constant 0 : i32
        %dma_start3A_187 = tpu.memref_slice %arg12[%mul3A_126, %dma_start3A_186] : memref<40x64xi32, #tpu.memory_space<vmem>> -> memref<1x64xi32, #tpu.memory_space<vmem>>
        %dma_start3A_188 = tpu.memref_squeeze %dma_start3A_187 : memref<1x64xi32, #tpu.memory_space<vmem>> -> memref<64xi32, #tpu.memory_space<vmem>>
        %dma_start3A_189 = arith.constant 0 : i32
        %dma_start3A_190 = arith.constant 0 : i32
        %dma_start3A_191 = tpu.memref_slice %arg17[%dma_start3A_189, %dma_start3A_190] : memref<10112x128xf32, #tpu.memory_space<vmem_shared>> -> memref<10112x128xf32, #tpu.memory_space<vmem_shared>>
        tpu.enqueue_indirect_dma source(%arg15 : memref<64x128xf32, #tpu.memory_space<vmem>>) target(%dma_start3A_191 : memref<10112x128xf32, #tpu.memory_space<vmem_shared>>) offsets(%dma_start3A_188 : memref<64xi32, #tpu.memory_space<vmem>>) semaphore(%arg22 : memref<!tpu.dma_semaphore, #tpu.memory_space<semaphore_mem>>) {add = true}
        %add3A_192 = arith.constant 1 : i32
        %add3A_193 = arith.addi %mul3A_126, %add3A_192 : i32
        %dma_wait3A_194 = arith.constant 0 : i32
        %dma_wait3A_195 = tpu.memref_slice %arg11[%add3A_193, %dma_wait3A_194] : memref<40x64xi32, #tpu.memory_space<vmem>> -> memref<1x64xi32, #tpu.memory_space<vmem>>
        %dma_wait3A_196 = tpu.memref_squeeze %dma_wait3A_195 : memref<1x64xi32, #tpu.memory_space<vmem>> -> memref<64xi32, #tpu.memory_space<vmem>>
        %dma_wait3A_197 = arith.constant 0 : i32
        %dma_wait3A_198 = arith.constant 0 : i32
        %dma_wait3A_199 = tpu.memref_slice %arg5[%dma_wait3A_197, %dma_wait3A_198] : memref<10000x128xf32, #tpu.memory_space<hbm>> -> memref<10000x128xf32, #tpu.memory_space<hbm>>
        tpu.wait_indirect_dma semaphore(%arg19 : memref<!tpu.dma_semaphore, #tpu.memory_space<semaphore_mem>>) src(%dma_wait3A_199 : memref<10000x128xf32, #tpu.memory_space<hbm>>) dst(%arg14 : memref<64x128xf32, #tpu.memory_space<vmem>>)
        %mul3A_200 = arith.constant 64 : i32
        %mul3A_201 = arith.muli %add3A_131, %mul3A_200 : i32
        %dma_wait3A_202 = arith.constant 0 : i32
        %dma_wait3A_203 = tpu.memref_slice %arg7[%mul3A_201, %dma_wait3A_202] : memref<160000x128xf32, #tpu.memory_space<hbm>> -> memref<64x128xf32, #tpu.memory_space<hbm>>
        %dma_wait3A_204 = arith.constant 0 : i32
        %dma_wait3A_205 = tpu.memref_slice %arg7[%mul3A_201, %dma_wait3A_204] : memref<160000x128xf32, #tpu.memory_space<hbm>> -> memref<64x128xf32, #tpu.memory_space<hbm>>
        tpu.wait_dma2 semaphore(%arg21 : memref<!tpu.dma_semaphore, #tpu.memory_space<semaphore_mem>>) src(%dma_wait3A_205 : memref<64x128xf32, #tpu.memory_space<hbm>>) dst(%arg16 : memref<64x128xf32, #tpu.memory_space<vmem>>)
        %add3A_206 = arith.constant 1 : i32
        %add3A_207 = arith.addi %mul3A_126, %add3A_206 : i32
        %dma_start3A_208 = arith.constant 0 : i32
        %dma_start3A_209 = tpu.memref_slice %arg12[%add3A_207, %dma_start3A_208] : memref<40x64xi32, #tpu.memory_space<vmem>> -> memref<1x64xi32, #tpu.memory_space<vmem>>
        %dma_start3A_210 = tpu.memref_squeeze %dma_start3A_209 : memref<1x64xi32, #tpu.memory_space<vmem>> -> memref<64xi32, #tpu.memory_space<vmem>>
        %dma_start3A_211 = arith.constant 0 : i32
        %dma_start3A_212 = arith.constant 0 : i32
        %dma_start3A_213 = tpu.memref_slice %arg17[%dma_start3A_211, %dma_start3A_212] : memref<10112x128xf32, #tpu.memory_space<vmem_shared>> -> memref<10112x128xf32, #tpu.memory_space<vmem_shared>>
        tpu.enqueue_indirect_dma source(%arg14 : memref<64x128xf32, #tpu.memory_space<vmem>>) target(%dma_start3A_213 : memref<10112x128xf32, #tpu.memory_space<vmem_shared>>) offsets(%dma_start3A_210 : memref<64xi32, #tpu.memory_space<vmem>>) semaphore(%arg23 : memref<!tpu.dma_semaphore, #tpu.memory_space<semaphore_mem>>) {add = true}
        %add3A_214 = arith.constant 1 : i32
        %add3A_215 = arith.addi %mul3A_126, %add3A_214 : i32
        %dma_start3A_216 = arith.constant 0 : i32
        %dma_start3A_217 = tpu.memref_slice %arg12[%add3A_215, %dma_start3A_216] : memref<40x64xi32, #tpu.memory_space<vmem>> -> memref<1x64xi32, #tpu.memory_space<vmem>>
        %dma_start3A_218 = tpu.memref_squeeze %dma_start3A_217 : memref<1x64xi32, #tpu.memory_space<vmem>> -> memref<64xi32, #tpu.memory_space<vmem>>
        %dma_start3A_219 = arith.constant 0 : i32
        %dma_start3A_220 = arith.constant 0 : i32
        %dma_start3A_221 = tpu.memref_slice %arg17[%dma_start3A_219, %dma_start3A_220] : memref<10112x128xf32, #tpu.memory_space<vmem_shared>> -> memref<10112x128xf32, #tpu.memory_space<vmem_shared>>
        tpu.enqueue_indirect_dma source(%arg16 : memref<64x128xf32, #tpu.memory_space<vmem>>) target(%dma_start3A_221 : memref<10112x128xf32, #tpu.memory_space<vmem_shared>>) offsets(%dma_start3A_218 : memref<64xi32, #tpu.memory_space<vmem>>) semaphore(%arg23 : memref<!tpu.dma_semaphore, #tpu.memory_space<semaphore_mem>>) {add = true}
        %while3A_222 = arith.constant 0 : i32
        scf.yield %while3A_222 : i32
      }
      %dma_wait3A = arith.constant 0 : i32
      %dma_wait3A_96 = arith.constant 0 : i32
      %dma_wait3A_97 = tpu.memref_slice %arg12[%dma_wait3A, %dma_wait3A_96] : memref<40x64xi32, #tpu.memory_space<vmem>> -> memref<1x64xi32, #tpu.memory_space<vmem>>
      %dma_wait3A_98 = tpu.memref_squeeze %dma_wait3A_97 : memref<1x64xi32, #tpu.memory_space<vmem>> -> memref<64xi32, #tpu.memory_space<vmem>>
      %dma_wait3A_99 = arith.constant 0 : i32
      %dma_wait3A_100 = arith.constant 0 : i32
      %dma_wait3A_101 = tpu.memref_slice %arg17[%dma_wait3A_99, %dma_wait3A_100] : memref<10112x128xf32, #tpu.memory_space<vmem_shared>> -> memref<10112x128xf32, #tpu.memory_space<vmem_shared>>
      tpu.wait_indirect_dma semaphore(%arg22 : memref<!tpu.dma_semaphore, #tpu.memory_space<semaphore_mem>>) src(%arg13 : memref<64x128xf32, #tpu.memory_space<vmem>>) dst(%dma_wait3A_101 : memref<10112x128xf32, #tpu.memory_space<vmem_shared>>)
      %dma_wait3A_102 = arith.constant 0 : i32
      %dma_wait3A_103 = arith.constant 0 : i32
      %dma_wait3A_104 = tpu.memref_slice %arg12[%dma_wait3A_102, %dma_wait3A_103] : memref<40x64xi32, #tpu.memory_space<vmem>> -> memref<1x64xi32, #tpu.memory_space<vmem>>
      %dma_wait3A_105 = tpu.memref_squeeze %dma_wait3A_104 : memref<1x64xi32, #tpu.memory_space<vmem>> -> memref<64xi32, #tpu.memory_space<vmem>>
      %dma_wait3A_106 = arith.constant 0 : i32
      %dma_wait3A_107 = arith.constant 0 : i32
      %dma_wait3A_108 = tpu.memref_slice %arg17[%dma_wait3A_106, %dma_wait3A_107] : memref<10112x128xf32, #tpu.memory_space<vmem_shared>> -> memref<10112x128xf32, #tpu.memory_space<vmem_shared>>
      tpu.wait_indirect_dma semaphore(%arg22 : memref<!tpu.dma_semaphore, #tpu.memory_space<semaphore_mem>>) src(%arg15 : memref<64x128xf32, #tpu.memory_space<vmem>>) dst(%dma_wait3A_108 : memref<10112x128xf32, #tpu.memory_space<vmem_shared>>)
      %dma_wait3A_109 = arith.constant 0 : i32
      %dma_wait3A_110 = arith.constant 0 : i32
      %dma_wait3A_111 = tpu.memref_slice %arg12[%dma_wait3A_109, %dma_wait3A_110] : memref<40x64xi32, #tpu.memory_space<vmem>> -> memref<1x64xi32, #tpu.memory_space<vmem>>
      %dma_wait3A_112 = tpu.memref_squeeze %dma_wait3A_111 : memref<1x64xi32, #tpu.memory_space<vmem>> -> memref<64xi32, #tpu.memory_space<vmem>>
      %dma_wait3A_113 = arith.constant 0 : i32
      %dma_wait3A_114 = arith.constant 0 : i32
      %dma_wait3A_115 = tpu.memref_slice %arg17[%dma_wait3A_113, %dma_wait3A_114] : memref<10112x128xf32, #tpu.memory_space<vmem_shared>> -> memref<10112x128xf32, #tpu.memory_space<vmem_shared>>
      tpu.wait_indirect_dma semaphore(%arg23 : memref<!tpu.dma_semaphore, #tpu.memory_space<semaphore_mem>>) src(%arg14 : memref<64x128xf32, #tpu.memory_space<vmem>>) dst(%dma_wait3A_115 : memref<10112x128xf32, #tpu.memory_space<vmem_shared>>)
      %dma_wait3A_116 = arith.constant 0 : i32
      %dma_wait3A_117 = arith.constant 0 : i32
      %dma_wait3A_118 = tpu.memref_slice %arg12[%dma_wait3A_116, %dma_wait3A_117] : memref<40x64xi32, #tpu.memory_space<vmem>> -> memref<1x64xi32, #tpu.memory_space<vmem>>
      %dma_wait3A_119 = tpu.memref_squeeze %dma_wait3A_118 : memref<1x64xi32, #tpu.memory_space<vmem>> -> memref<64xi32, #tpu.memory_space<vmem>>
      %dma_wait3A_120 = arith.constant 0 : i32
      %dma_wait3A_121 = arith.constant 0 : i32
      %dma_wait3A_122 = tpu.memref_slice %arg17[%dma_wait3A_120, %dma_wait3A_121] : memref<10112x128xf32, #tpu.memory_space<vmem_shared>> -> memref<10112x128xf32, #tpu.memory_space<vmem_shared>>
      tpu.wait_indirect_dma semaphore(%arg23 : memref<!tpu.dma_semaphore, #tpu.memory_space<semaphore_mem>>) src(%arg16 : memref<64x128xf32, #tpu.memory_space<vmem>>) dst(%dma_wait3A_122 : memref<10112x128xf32, #tpu.memory_space<vmem_shared>>)
    } else {
    }
    %barrier3A_52 = arith.constant 0 : index
    tpu.barrier barrier_id(%barrier3A_52)
    %mul3A_53 = arith.constant 632 : i32
    %mul3A_54 = arith.muli %mul3A_53, %arg1 : i32
    %mul3A_55 = arith.constant 632 : i32
    %mul3A_56 = arith.muli %mul3A_55, %arg1 : i32
    "tpu.region"() ({
      %run_scoped3A = tpu.sem_alloc : memref<!tpu.dma_semaphore, #tpu.memory_space<semaphore_mem>>
      %dma_start3A = arith.constant 0 : i32
      %dma_start3A_58 = tpu.memref_slice %arg10[%arg0, %mul3A_56, %dma_start3A] : memref<2x10112x128xf32, #tpu.memory_space<hbm>> -> memref<1x632x128xf32, #tpu.memory_space<hbm>>
      %dma_start3A_59 = tpu.memref_squeeze %dma_start3A_58 : memref<1x632x128xf32, #tpu.memory_space<hbm>> -> memref<632x128xf32, #tpu.memory_space<hbm>>
      %dma_start3A_60 = arith.constant 0 : i32
      %dma_start3A_61 = tpu.memref_slice %arg17[%mul3A_54, %dma_start3A_60] : memref<10112x128xf32, #tpu.memory_space<vmem_shared>> -> memref<632x128xf32, #tpu.memory_space<vmem_shared>>
      tpu.enqueue_dma source(%dma_start3A_61 : memref<632x128xf32, #tpu.memory_space<vmem_shared>>) target(%dma_start3A_59 : memref<632x128xf32, #tpu.memory_space<hbm>>) target_semaphore(%run_scoped3A : memref<!tpu.dma_semaphore, #tpu.memory_space<semaphore_mem>>)
      %dma_wait3A = arith.constant 0 : i32
      %dma_wait3A_62 = tpu.memref_slice %arg10[%arg0, %mul3A_56, %dma_wait3A] : memref<2x10112x128xf32, #tpu.memory_space<hbm>> -> memref<1x632x128xf32, #tpu.memory_space<hbm>>
      %dma_wait3A_63 = tpu.memref_squeeze %dma_wait3A_62 : memref<1x632x128xf32, #tpu.memory_space<hbm>> -> memref<632x128xf32, #tpu.memory_space<hbm>>
      %dma_wait3A_64 = arith.constant 0 : i32
      %dma_wait3A_65 = tpu.memref_slice %arg17[%mul3A_54, %dma_wait3A_64] : memref<10112x128xf32, #tpu.memory_space<vmem_shared>> -> memref<632x128xf32, #tpu.memory_space<vmem_shared>>
      tpu.wait_dma2 semaphore(%run_scoped3A : memref<!tpu.dma_semaphore, #tpu.memory_space<semaphore_mem>>) src(%dma_wait3A_65 : memref<632x128xf32, #tpu.memory_space<vmem_shared>>) dst(%dma_wait3A_63 : memref<632x128xf32, #tpu.memory_space<hbm>>)
      tpu.yield
    }) : () -> ()
    %barrier3A_57 = arith.constant 0 : index
    tpu.barrier barrier_id(%barrier3A_57)
    return
  }
}

module attributes {stable_mosaic.version = 14 : i64} {
  func.func @_node_kernel(%arg0: i32, %arg1: memref<2000x128xf32, #tpu.memory_space<vmem>>, %arg2: memref<2000x128xf32, #tpu.memory_space<vmem>>, %arg3: memref<2000x128xf32, #tpu.memory_space<vmem>>) attributes {dimension_semantics = [#tpu.dimension_semantics<arbitrary>], iteration_bounds = array<i64: 5>, scalar_prefetch = 0 : i64, scratch_operands = 0 : i64, tpu.core_type = #tpu.core_type<tc>, window_params = [{transform_indices = @transform_0, window_bounds = array<i64: 2000, 128>}, {transform_indices = @transform_1, window_bounds = array<i64: 2000, 128>}, {transform_indices = @transform_2, window_bounds = array<i64: 2000, 128>}]} {
    %get3A = arith.constant 0 : index
    %get3A_0 = arith.constant 0 : index
    %get3A_1 = vector.load %arg1[%get3A, %get3A_0] : memref<2000x128xf32, #tpu.memory_space<vmem>>, vector<2000x128xf32>
    %abs3A = math.absf %get3A_1 : vector<2000x128xf32>
    %log3A = math.log %abs3A : vector<2000x128xf32>
    %log3A_2 = arith.constant 2.000000e+00 : f32
    %log3A_3 = math.log %log3A_2 : f32
    %div3A = vector.broadcast %log3A_3 : f32 to vector<2000x128xf32>
    %div3A_4 = arith.divf %log3A, %div3A : vector<2000x128xf32>
    %swap3A = arith.constant 0 : index
    %swap3A_5 = arith.constant 0 : index
    %swap3A_6 = vector.load %arg2[%swap3A, %swap3A_5] : memref<2000x128xf32, #tpu.memory_space<vmem>>, vector<2000x128xf32>
    tpu.vector_store %arg2[%swap3A, %swap3A_5], %div3A_4 {strides = array<i32>} : memref<2000x128xf32, #tpu.memory_space<vmem>>, vector<2000x128xf32>,
    %lt3A = arith.constant 0.000000e+00 : f32
    %lt3A_7 = vector.broadcast %lt3A : f32 to vector<2000x128xf32>
    %lt3A_8 = arith.cmpf olt, %get3A_1, %lt3A_7 : vector<2000x128xf32>
    %jit3A = arith.constant 1.000000e+00 : f32
    %jit3A_9 = arith.constant 0.000000e+00 : f32
    %broadcast_in_dim3A = vector.broadcast %jit3A : f32 to vector<2000x128xf32>
    %broadcast_in_dim3A_10 = vector.broadcast %jit3A_9 : f32 to vector<2000x128xf32>
    %select_n3A = arith.select %lt3A_8, %broadcast_in_dim3A, %broadcast_in_dim3A_10 : vector<2000x128xi1>, vector<2000x128xf32>
    %swap3A_11 = arith.constant 0 : index
    %swap3A_12 = arith.constant 0 : index
    %swap3A_13 = vector.load %arg3[%swap3A_11, %swap3A_12] : memref<2000x128xf32, #tpu.memory_space<vmem>>, vector<2000x128xf32>
    tpu.vector_store %arg3[%swap3A_11, %swap3A_12], %select_n3A {strides = array<i32>} : memref<2000x128xf32, #tpu.memory_space<vmem>>, vector<2000x128xf32>,
    return
  }
  func.func @transform_0(%arg0: i32) -> (i32, i32) {
    %c0_i32 = arith.constant 0 : i32
    %c0_i32_0 = arith.constant 0 : i32
    return %arg0, %c0_i32 : i32, i32
  }
  func.func @transform_1(%arg0: i32) -> (i32, i32) {
    %c0_i32 = arith.constant 0 : i32
    %c0_i32_0 = arith.constant 0 : i32
    return %arg0, %c0_i32 : i32, i32
  }
  func.func @transform_2(%arg0: i32) -> (i32, i32) {
    %c0_i32 = arith.constant 0 : i32
    %c0_i32_0 = arith.constant 0 : i32
    return %arg0, %c0_i32 : i32, i32
  }
}

module attributes {stable_mosaic.version = 14 : i64} {
  func.func @_edge_kernel(%arg0: i32, %arg1: memref<1x25x128xf32, #tpu.memory_space<vmem>>, %arg2: memref<3200x128xf32, #tpu.memory_space<vmem>>, %arg3: memref<128x128xf32, #tpu.memory_space<vmem>>, %arg4: memref<1x128xf32, #tpu.memory_space<vmem>>, %arg5: memref<128x128xf32, #tpu.memory_space<vmem>>, %arg6: memref<1x128xf32, #tpu.memory_space<vmem>>, %arg7: memref<3200x128xf32, #tpu.memory_space<vmem>>, %arg8: memref<3200x128xf32, #tpu.memory_space<vmem>>) attributes {dimension_semantics = [#tpu.dimension_semantics<arbitrary>], iteration_bounds = array<i64: 50>, scalar_prefetch = 0 : i64, scratch_operands = 0 : i64, tpu.core_type = #tpu.core_type<tc>, window_params = [{transform_indices = @transform_0, window_bounds = array<i64: 1, 25, 128>}, {transform_indices = @transform_1, window_bounds = array<i64: 3200, 128>}, {pipeline_mode = #tpu.pipeline_mode<synchronous>, transform_indices = @transform_2, window_bounds = array<i64: 128, 128>}, {pipeline_mode = #tpu.pipeline_mode<synchronous>, transform_indices = @transform_3, window_bounds = array<i64: 1, 128>}, {pipeline_mode = #tpu.pipeline_mode<synchronous>, transform_indices = @transform_4, window_bounds = array<i64: 128, 128>}, {pipeline_mode = #tpu.pipeline_mode<synchronous>, transform_indices = @transform_5, window_bounds = array<i64: 1, 128>}, {transform_indices = @transform_6, window_bounds = array<i64: 3200, 128>}, {transform_indices = @transform_7, window_bounds = array<i64: 3200, 128>}]} {
    %get3A = arith.constant 0 : index
    %get3A_0 = arith.constant 0 : index
    %get3A_1 = arith.constant 0 : index
    %get3A_2 = vector.load %arg1[%get3A, %get3A_0, %get3A_1] : memref<1x25x128xf32, #tpu.memory_space<vmem>>, vector<1x25x128xf32>
    %get3A_3 = vector.shape_cast %get3A_2 : vector<1x25x128xf32> to vector<25x128xf32>
    %mul3A = arith.constant 0.628318548 : f32
    %mul3A_4 = vector.broadcast %mul3A : f32 to vector<25x128xf32>
    %mul3A_5 = arith.mulf %mul3A_4, %get3A_3 : vector<25x128xf32>
    %cos3A = math.cos %mul3A_5 : vector<25x128xf32>
    %add3A = arith.constant 1.000000e+00 : f32
    %add3A_6 = vector.broadcast %add3A : f32 to vector<25x128xf32>
    %add3A_7 = arith.addf %cos3A, %add3A_6 : vector<25x128xf32>
    %mul3A_8 = arith.constant 5.000000e-01 : f32
    %mul3A_9 = vector.broadcast %mul3A_8 : f32 to vector<25x128xf32>
    %mul3A_10 = arith.mulf %mul3A_9, %add3A_7 : vector<25x128xf32>
    %broadcast_in_dim3A = arith.constant 1.000000e+00 : f32
    %broadcast_in_dim3A_11 = vector.broadcast %broadcast_in_dim3A : f32 to vector<1x128xf32>
    %slice3A = vector.extract_strided_slice %get3A_3 {offsets = [0, 0], sizes = [1, 128], strides = [1, 1]} : vector<25x128xf32> to vector<1x128xf32>
    %dot_general3A = arith.constant dense<0.000000e+00> : vector<128x128xf32>
    %dot_general3A_12 = tpu.matmul %slice3A, %broadcast_in_dim3A_11, %dot_general3A {dimension_numbers = #tpu.dot_dimension_numbers<[0], [0], [1], [1], [0, 1, 1, 1], [], []>, transpose_lhs_hint = false} : vector<1x128xf32>, vector<1x128xf32>, vector<128x128xf32> -> vector<128x128xf32>
    %slice3A_13 = vector.extract_strided_slice %get3A_3 {offsets = [1, 0], sizes = [1, 128], strides = [1, 1]} : vector<25x128xf32> to vector<1x128xf32>
    %dot_general3A_14 = arith.constant dense<0.000000e+00> : vector<128x128xf32>
    %dot_general3A_15 = tpu.matmul %slice3A_13, %broadcast_in_dim3A_11, %dot_general3A_14 {dimension_numbers = #tpu.dot_dimension_numbers<[0], [0], [1], [1], [0, 1, 1, 1], [], []>, transpose_lhs_hint = false} : vector<1x128xf32>, vector<1x128xf32>, vector<128x128xf32> -> vector<128x128xf32>
    %slice3A_16 = vector.extract_strided_slice %get3A_3 {offsets = [2, 0], sizes = [1, 128], strides = [1, 1]} : vector<25x128xf32> to vector<1x128xf32>
    %dot_general3A_17 = arith.constant dense<0.000000e+00> : vector<128x128xf32>
    %dot_general3A_18 = tpu.matmul %slice3A_16, %broadcast_in_dim3A_11, %dot_general3A_17 {dimension_numbers = #tpu.dot_dimension_numbers<[0], [0], [1], [1], [0, 1, 1, 1], [], []>, transpose_lhs_hint = false} : vector<1x128xf32>, vector<1x128xf32>, vector<128x128xf32> -> vector<128x128xf32>
    %slice3A_19 = vector.extract_strided_slice %get3A_3 {offsets = [3, 0], sizes = [1, 128], strides = [1, 1]} : vector<25x128xf32> to vector<1x128xf32>
    %dot_general3A_20 = arith.constant dense<0.000000e+00> : vector<128x128xf32>
    %dot_general3A_21 = tpu.matmul %slice3A_19, %broadcast_in_dim3A_11, %dot_general3A_20 {dimension_numbers = #tpu.dot_dimension_numbers<[0], [0], [1], [1], [0, 1, 1, 1], [], []>, transpose_lhs_hint = false} : vector<1x128xf32>, vector<1x128xf32>, vector<128x128xf32> -> vector<128x128xf32>
    %slice3A_22 = vector.extract_strided_slice %get3A_3 {offsets = [4, 0], sizes = [1, 128], strides = [1, 1]} : vector<25x128xf32> to vector<1x128xf32>
    %dot_general3A_23 = arith.constant dense<0.000000e+00> : vector<128x128xf32>
    %dot_general3A_24 = tpu.matmul %slice3A_22, %broadcast_in_dim3A_11, %dot_general3A_23 {dimension_numbers = #tpu.dot_dimension_numbers<[0], [0], [1], [1], [0, 1, 1, 1], [], []>, transpose_lhs_hint = false} : vector<1x128xf32>, vector<1x128xf32>, vector<128x128xf32> -> vector<128x128xf32>
    %slice3A_25 = vector.extract_strided_slice %get3A_3 {offsets = [5, 0], sizes = [1, 128], strides = [1, 1]} : vector<25x128xf32> to vector<1x128xf32>
    %dot_general3A_26 = arith.constant dense<0.000000e+00> : vector<128x128xf32>
    %dot_general3A_27 = tpu.matmul %slice3A_25, %broadcast_in_dim3A_11, %dot_general3A_26 {dimension_numbers = #tpu.dot_dimension_numbers<[0], [0], [1], [1], [0, 1, 1, 1], [], []>, transpose_lhs_hint = false} : vector<1x128xf32>, vector<1x128xf32>, vector<128x128xf32> -> vector<128x128xf32>
    %slice3A_28 = vector.extract_strided_slice %get3A_3 {offsets = [6, 0], sizes = [1, 128], strides = [1, 1]} : vector<25x128xf32> to vector<1x128xf32>
    %dot_general3A_29 = arith.constant dense<0.000000e+00> : vector<128x128xf32>
    %dot_general3A_30 = tpu.matmul %slice3A_28, %broadcast_in_dim3A_11, %dot_general3A_29 {dimension_numbers = #tpu.dot_dimension_numbers<[0], [0], [1], [1], [0, 1, 1, 1], [], []>, transpose_lhs_hint = false} : vector<1x128xf32>, vector<1x128xf32>, vector<128x128xf32> -> vector<128x128xf32>
    %slice3A_31 = vector.extract_strided_slice %get3A_3 {offsets = [7, 0], sizes = [1, 128], strides = [1, 1]} : vector<25x128xf32> to vector<1x128xf32>
    %dot_general3A_32 = arith.constant dense<0.000000e+00> : vector<128x128xf32>
    %dot_general3A_33 = tpu.matmul %slice3A_31, %broadcast_in_dim3A_11, %dot_general3A_32 {dimension_numbers = #tpu.dot_dimension_numbers<[0], [0], [1], [1], [0, 1, 1, 1], [], []>, transpose_lhs_hint = false} : vector<1x128xf32>, vector<1x128xf32>, vector<128x128xf32> -> vector<128x128xf32>
    %slice3A_34 = vector.extract_strided_slice %get3A_3 {offsets = [8, 0], sizes = [1, 128], strides = [1, 1]} : vector<25x128xf32> to vector<1x128xf32>
    %dot_general3A_35 = arith.constant dense<0.000000e+00> : vector<128x128xf32>
    %dot_general3A_36 = tpu.matmul %slice3A_34, %broadcast_in_dim3A_11, %dot_general3A_35 {dimension_numbers = #tpu.dot_dimension_numbers<[0], [0], [1], [1], [0, 1, 1, 1], [], []>, transpose_lhs_hint = false} : vector<1x128xf32>, vector<1x128xf32>, vector<128x128xf32> -> vector<128x128xf32>
    %slice3A_37 = vector.extract_strided_slice %get3A_3 {offsets = [9, 0], sizes = [1, 128], strides = [1, 1]} : vector<25x128xf32> to vector<1x128xf32>
    %dot_general3A_38 = arith.constant dense<0.000000e+00> : vector<128x128xf32>
    %dot_general3A_39 = tpu.matmul %slice3A_37, %broadcast_in_dim3A_11, %dot_general3A_38 {dimension_numbers = #tpu.dot_dimension_numbers<[0], [0], [1], [1], [0, 1, 1, 1], [], []>, transpose_lhs_hint = false} : vector<1x128xf32>, vector<1x128xf32>, vector<128x128xf32> -> vector<128x128xf32>
    %slice3A_40 = vector.extract_strided_slice %get3A_3 {offsets = [10, 0], sizes = [1, 128], strides = [1, 1]} : vector<25x128xf32> to vector<1x128xf32>
    %dot_general3A_41 = arith.constant dense<0.000000e+00> : vector<128x128xf32>
    %dot_general3A_42 = tpu.matmul %slice3A_40, %broadcast_in_dim3A_11, %dot_general3A_41 {dimension_numbers = #tpu.dot_dimension_numbers<[0], [0], [1], [1], [0, 1, 1, 1], [], []>, transpose_lhs_hint = false} : vector<1x128xf32>, vector<1x128xf32>, vector<128x128xf32> -> vector<128x128xf32>
    %slice3A_43 = vector.extract_strided_slice %get3A_3 {offsets = [11, 0], sizes = [1, 128], strides = [1, 1]} : vector<25x128xf32> to vector<1x128xf32>
    %dot_general3A_44 = arith.constant dense<0.000000e+00> : vector<128x128xf32>
    %dot_general3A_45 = tpu.matmul %slice3A_43, %broadcast_in_dim3A_11, %dot_general3A_44 {dimension_numbers = #tpu.dot_dimension_numbers<[0], [0], [1], [1], [0, 1, 1, 1], [], []>, transpose_lhs_hint = false} : vector<1x128xf32>, vector<1x128xf32>, vector<128x128xf32> -> vector<128x128xf32>
    %slice3A_46 = vector.extract_strided_slice %get3A_3 {offsets = [12, 0], sizes = [1, 128], strides = [1, 1]} : vector<25x128xf32> to vector<1x128xf32>
    %dot_general3A_47 = arith.constant dense<0.000000e+00> : vector<128x128xf32>
    %dot_general3A_48 = tpu.matmul %slice3A_46, %broadcast_in_dim3A_11, %dot_general3A_47 {dimension_numbers = #tpu.dot_dimension_numbers<[0], [0], [1], [1], [0, 1, 1, 1], [], []>, transpose_lhs_hint = false} : vector<1x128xf32>, vector<1x128xf32>, vector<128x128xf32> -> vector<128x128xf32>
    %slice3A_49 = vector.extract_strided_slice %get3A_3 {offsets = [13, 0], sizes = [1, 128], strides = [1, 1]} : vector<25x128xf32> to vector<1x128xf32>
    %dot_general3A_50 = arith.constant dense<0.000000e+00> : vector<128x128xf32>
    %dot_general3A_51 = tpu.matmul %slice3A_49, %broadcast_in_dim3A_11, %dot_general3A_50 {dimension_numbers = #tpu.dot_dimension_numbers<[0], [0], [1], [1], [0, 1, 1, 1], [], []>, transpose_lhs_hint = false} : vector<1x128xf32>, vector<1x128xf32>, vector<128x128xf32> -> vector<128x128xf32>
    %slice3A_52 = vector.extract_strided_slice %get3A_3 {offsets = [14, 0], sizes = [1, 128], strides = [1, 1]} : vector<25x128xf32> to vector<1x128xf32>
    %dot_general3A_53 = arith.constant dense<0.000000e+00> : vector<128x128xf32>
    %dot_general3A_54 = tpu.matmul %slice3A_52, %broadcast_in_dim3A_11, %dot_general3A_53 {dimension_numbers = #tpu.dot_dimension_numbers<[0], [0], [1], [1], [0, 1, 1, 1], [], []>, transpose_lhs_hint = false} : vector<1x128xf32>, vector<1x128xf32>, vector<128x128xf32> -> vector<128x128xf32>
    %slice3A_55 = vector.extract_strided_slice %get3A_3 {offsets = [15, 0], sizes = [1, 128], strides = [1, 1]} : vector<25x128xf32> to vector<1x128xf32>
    %dot_general3A_56 = arith.constant dense<0.000000e+00> : vector<128x128xf32>
    %dot_general3A_57 = tpu.matmul %slice3A_55, %broadcast_in_dim3A_11, %dot_general3A_56 {dimension_numbers = #tpu.dot_dimension_numbers<[0], [0], [1], [1], [0, 1, 1, 1], [], []>, transpose_lhs_hint = false} : vector<1x128xf32>, vector<1x128xf32>, vector<128x128xf32> -> vector<128x128xf32>
    %slice3A_58 = vector.extract_strided_slice %get3A_3 {offsets = [16, 0], sizes = [1, 128], strides = [1, 1]} : vector<25x128xf32> to vector<1x128xf32>
    %dot_general3A_59 = arith.constant dense<0.000000e+00> : vector<128x128xf32>
    %dot_general3A_60 = tpu.matmul %slice3A_58, %broadcast_in_dim3A_11, %dot_general3A_59 {dimension_numbers = #tpu.dot_dimension_numbers<[0], [0], [1], [1], [0, 1, 1, 1], [], []>, transpose_lhs_hint = false} : vector<1x128xf32>, vector<1x128xf32>, vector<128x128xf32> -> vector<128x128xf32>
    %slice3A_61 = vector.extract_strided_slice %get3A_3 {offsets = [17, 0], sizes = [1, 128], strides = [1, 1]} : vector<25x128xf32> to vector<1x128xf32>
    %dot_general3A_62 = arith.constant dense<0.000000e+00> : vector<128x128xf32>
    %dot_general3A_63 = tpu.matmul %slice3A_61, %broadcast_in_dim3A_11, %dot_general3A_62 {dimension_numbers = #tpu.dot_dimension_numbers<[0], [0], [1], [1], [0, 1, 1, 1], [], []>, transpose_lhs_hint = false} : vector<1x128xf32>, vector<1x128xf32>, vector<128x128xf32> -> vector<128x128xf32>
    %slice3A_64 = vector.extract_strided_slice %get3A_3 {offsets = [18, 0], sizes = [1, 128], strides = [1, 1]} : vector<25x128xf32> to vector<1x128xf32>
    %dot_general3A_65 = arith.constant dense<0.000000e+00> : vector<128x128xf32>
    %dot_general3A_66 = tpu.matmul %slice3A_64, %broadcast_in_dim3A_11, %dot_general3A_65 {dimension_numbers = #tpu.dot_dimension_numbers<[0], [0], [1], [1], [0, 1, 1, 1], [], []>, transpose_lhs_hint = false} : vector<1x128xf32>, vector<1x128xf32>, vector<128x128xf32> -> vector<128x128xf32>
    %slice3A_67 = vector.extract_strided_slice %get3A_3 {offsets = [19, 0], sizes = [1, 128], strides = [1, 1]} : vector<25x128xf32> to vector<1x128xf32>
    %dot_general3A_68 = arith.constant dense<0.000000e+00> : vector<128x128xf32>
    %dot_general3A_69 = tpu.matmul %slice3A_67, %broadcast_in_dim3A_11, %dot_general3A_68 {dimension_numbers = #tpu.dot_dimension_numbers<[0], [0], [1], [1], [0, 1, 1, 1], [], []>, transpose_lhs_hint = false} : vector<1x128xf32>, vector<1x128xf32>, vector<128x128xf32> -> vector<128x128xf32>
    %slice3A_70 = vector.extract_strided_slice %get3A_3 {offsets = [20, 0], sizes = [1, 128], strides = [1, 1]} : vector<25x128xf32> to vector<1x128xf32>
    %dot_general3A_71 = arith.constant dense<0.000000e+00> : vector<128x128xf32>
    %dot_general3A_72 = tpu.matmul %slice3A_70, %broadcast_in_dim3A_11, %dot_general3A_71 {dimension_numbers = #tpu.dot_dimension_numbers<[0], [0], [1], [1], [0, 1, 1, 1], [], []>, transpose_lhs_hint = false} : vector<1x128xf32>, vector<1x128xf32>, vector<128x128xf32> -> vector<128x128xf32>
    %slice3A_73 = vector.extract_strided_slice %get3A_3 {offsets = [21, 0], sizes = [1, 128], strides = [1, 1]} : vector<25x128xf32> to vector<1x128xf32>
    %dot_general3A_74 = arith.constant dense<0.000000e+00> : vector<128x128xf32>
    %dot_general3A_75 = tpu.matmul %slice3A_73, %broadcast_in_dim3A_11, %dot_general3A_74 {dimension_numbers = #tpu.dot_dimension_numbers<[0], [0], [1], [1], [0, 1, 1, 1], [], []>, transpose_lhs_hint = false} : vector<1x128xf32>, vector<1x128xf32>, vector<128x128xf32> -> vector<128x128xf32>
    %slice3A_76 = vector.extract_strided_slice %get3A_3 {offsets = [22, 0], sizes = [1, 128], strides = [1, 1]} : vector<25x128xf32> to vector<1x128xf32>
    %dot_general3A_77 = arith.constant dense<0.000000e+00> : vector<128x128xf32>
    %dot_general3A_78 = tpu.matmul %slice3A_76, %broadcast_in_dim3A_11, %dot_general3A_77 {dimension_numbers = #tpu.dot_dimension_numbers<[0], [0], [1], [1], [0, 1, 1, 1], [], []>, transpose_lhs_hint = false} : vector<1x128xf32>, vector<1x128xf32>, vector<128x128xf32> -> vector<128x128xf32>
    %slice3A_79 = vector.extract_strided_slice %get3A_3 {offsets = [23, 0], sizes = [1, 128], strides = [1, 1]} : vector<25x128xf32> to vector<1x128xf32>
    %dot_general3A_80 = arith.constant dense<0.000000e+00> : vector<128x128xf32>
    %dot_general3A_81 = tpu.matmul %slice3A_79, %broadcast_in_dim3A_11, %dot_general3A_80 {dimension_numbers = #tpu.dot_dimension_numbers<[0], [0], [1], [1], [0, 1, 1, 1], [], []>, transpose_lhs_hint = false} : vector<1x128xf32>, vector<1x128xf32>, vector<128x128xf32> -> vector<128x128xf32>
    %slice3A_82 = vector.extract_strided_slice %get3A_3 {offsets = [24, 0], sizes = [1, 128], strides = [1, 1]} : vector<25x128xf32> to vector<1x128xf32>
    %dot_general3A_83 = arith.constant dense<0.000000e+00> : vector<128x128xf32>
    %dot_general3A_84 = tpu.matmul %slice3A_82, %broadcast_in_dim3A_11, %dot_general3A_83 {dimension_numbers = #tpu.dot_dimension_numbers<[0], [0], [1], [1], [0, 1, 1, 1], [], []>, transpose_lhs_hint = false} : vector<1x128xf32>, vector<1x128xf32>, vector<128x128xf32> -> vector<128x128xf32>
    %concatenate3A = tpu.concatenate %dot_general3A_12, %dot_general3A_15, %dot_general3A_18, %dot_general3A_21, %dot_general3A_24, %dot_general3A_27, %dot_general3A_30, %dot_general3A_33, %dot_general3A_36, %dot_general3A_39, %dot_general3A_42, %dot_general3A_45, %dot_general3A_48, %dot_general3A_51, %dot_general3A_54, %dot_general3A_57, %dot_general3A_60, %dot_general3A_63, %dot_general3A_66, %dot_general3A_69, %dot_general3A_72, %dot_general3A_75, %dot_general3A_78, %dot_general3A_81, %dot_general3A_84 in 0 : vector<128x128xf32>, vector<128x128xf32>, vector<128x128xf32>, vector<128x128xf32>, vector<128x128xf32>, vector<128x128xf32>, vector<128x128xf32>, vector<128x128xf32>, vector<128x128xf32>, vector<128x128xf32>, vector<128x128xf32>, vector<128x128xf32>, vector<128x128xf32>, vector<128x128xf32>, vector<128x128xf32>, vector<128x128xf32>, vector<128x128xf32>, vector<128x128xf32>, vector<128x128xf32>, vector<128x128xf32>, vector<128x128xf32>, vector<128x128xf32>, vector<128x128xf32>, vector<128x128xf32>, vector<128x128xf32> -> vector<3200x128xf32>
    %broadcast_in_dim3A_85 = arith.constant 1.000000e+00 : f32
    %broadcast_in_dim3A_86 = vector.broadcast %broadcast_in_dim3A_85 : f32 to vector<1x128xf32>
    %slice3A_87 = vector.extract_strided_slice %mul3A_10 {offsets = [0, 0], sizes = [1, 128], strides = [1, 1]} : vector<25x128xf32> to vector<1x128xf32>
    %dot_general3A_88 = arith.constant dense<0.000000e+00> : vector<128x128xf32>
    %dot_general3A_89 = tpu.matmul %slice3A_87, %broadcast_in_dim3A_86, %dot_general3A_88 {dimension_numbers = #tpu.dot_dimension_numbers<[0], [0], [1], [1], [0, 1, 1, 1], [], []>, transpose_lhs_hint = false} : vector<1x128xf32>, vector<1x128xf32>, vector<128x128xf32> -> vector<128x128xf32>
    %slice3A_90 = vector.extract_strided_slice %mul3A_10 {offsets = [1, 0], sizes = [1, 128], strides = [1, 1]} : vector<25x128xf32> to vector<1x128xf32>
    %dot_general3A_91 = arith.constant dense<0.000000e+00> : vector<128x128xf32>
    %dot_general3A_92 = tpu.matmul %slice3A_90, %broadcast_in_dim3A_86, %dot_general3A_91 {dimension_numbers = #tpu.dot_dimension_numbers<[0], [0], [1], [1], [0, 1, 1, 1], [], []>, transpose_lhs_hint = false} : vector<1x128xf32>, vector<1x128xf32>, vector<128x128xf32> -> vector<128x128xf32>
    %slice3A_93 = vector.extract_strided_slice %mul3A_10 {offsets = [2, 0], sizes = [1, 128], strides = [1, 1]} : vector<25x128xf32> to vector<1x128xf32>
    %dot_general3A_94 = arith.constant dense<0.000000e+00> : vector<128x128xf32>
    %dot_general3A_95 = tpu.matmul %slice3A_93, %broadcast_in_dim3A_86, %dot_general3A_94 {dimension_numbers = #tpu.dot_dimension_numbers<[0], [0], [1], [1], [0, 1, 1, 1], [], []>, transpose_lhs_hint = false} : vector<1x128xf32>, vector<1x128xf32>, vector<128x128xf32> -> vector<128x128xf32>
    %slice3A_96 = vector.extract_strided_slice %mul3A_10 {offsets = [3, 0], sizes = [1, 128], strides = [1, 1]} : vector<25x128xf32> to vector<1x128xf32>
    %dot_general3A_97 = arith.constant dense<0.000000e+00> : vector<128x128xf32>
    %dot_general3A_98 = tpu.matmul %slice3A_96, %broadcast_in_dim3A_86, %dot_general3A_97 {dimension_numbers = #tpu.dot_dimension_numbers<[0], [0], [1], [1], [0, 1, 1, 1], [], []>, transpose_lhs_hint = false} : vector<1x128xf32>, vector<1x128xf32>, vector<128x128xf32> -> vector<128x128xf32>
    %slice3A_99 = vector.extract_strided_slice %mul3A_10 {offsets = [4, 0], sizes = [1, 128], strides = [1, 1]} : vector<25x128xf32> to vector<1x128xf32>
    %dot_general3A_100 = arith.constant dense<0.000000e+00> : vector<128x128xf32>
    %dot_general3A_101 = tpu.matmul %slice3A_99, %broadcast_in_dim3A_86, %dot_general3A_100 {dimension_numbers = #tpu.dot_dimension_numbers<[0], [0], [1], [1], [0, 1, 1, 1], [], []>, transpose_lhs_hint = false} : vector<1x128xf32>, vector<1x128xf32>, vector<128x128xf32> -> vector<128x128xf32>
    %slice3A_102 = vector.extract_strided_slice %mul3A_10 {offsets = [5, 0], sizes = [1, 128], strides = [1, 1]} : vector<25x128xf32> to vector<1x128xf32>
    %dot_general3A_103 = arith.constant dense<0.000000e+00> : vector<128x128xf32>
    %dot_general3A_104 = tpu.matmul %slice3A_102, %broadcast_in_dim3A_86, %dot_general3A_103 {dimension_numbers = #tpu.dot_dimension_numbers<[0], [0], [1], [1], [0, 1, 1, 1], [], []>, transpose_lhs_hint = false} : vector<1x128xf32>, vector<1x128xf32>, vector<128x128xf32> -> vector<128x128xf32>
    %slice3A_105 = vector.extract_strided_slice %mul3A_10 {offsets = [6, 0], sizes = [1, 128], strides = [1, 1]} : vector<25x128xf32> to vector<1x128xf32>
    %dot_general3A_106 = arith.constant dense<0.000000e+00> : vector<128x128xf32>
    %dot_general3A_107 = tpu.matmul %slice3A_105, %broadcast_in_dim3A_86, %dot_general3A_106 {dimension_numbers = #tpu.dot_dimension_numbers<[0], [0], [1], [1], [0, 1, 1, 1], [], []>, transpose_lhs_hint = false} : vector<1x128xf32>, vector<1x128xf32>, vector<128x128xf32> -> vector<128x128xf32>
    %slice3A_108 = vector.extract_strided_slice %mul3A_10 {offsets = [7, 0], sizes = [1, 128], strides = [1, 1]} : vector<25x128xf32> to vector<1x128xf32>
    %dot_general3A_109 = arith.constant dense<0.000000e+00> : vector<128x128xf32>
    %dot_general3A_110 = tpu.matmul %slice3A_108, %broadcast_in_dim3A_86, %dot_general3A_109 {dimension_numbers = #tpu.dot_dimension_numbers<[0], [0], [1], [1], [0, 1, 1, 1], [], []>, transpose_lhs_hint = false} : vector<1x128xf32>, vector<1x128xf32>, vector<128x128xf32> -> vector<128x128xf32>
    %slice3A_111 = vector.extract_strided_slice %mul3A_10 {offsets = [8, 0], sizes = [1, 128], strides = [1, 1]} : vector<25x128xf32> to vector<1x128xf32>
    %dot_general3A_112 = arith.constant dense<0.000000e+00> : vector<128x128xf32>
    %dot_general3A_113 = tpu.matmul %slice3A_111, %broadcast_in_dim3A_86, %dot_general3A_112 {dimension_numbers = #tpu.dot_dimension_numbers<[0], [0], [1], [1], [0, 1, 1, 1], [], []>, transpose_lhs_hint = false} : vector<1x128xf32>, vector<1x128xf32>, vector<128x128xf32> -> vector<128x128xf32>
    %slice3A_114 = vector.extract_strided_slice %mul3A_10 {offsets = [9, 0], sizes = [1, 128], strides = [1, 1]} : vector<25x128xf32> to vector<1x128xf32>
    %dot_general3A_115 = arith.constant dense<0.000000e+00> : vector<128x128xf32>
    %dot_general3A_116 = tpu.matmul %slice3A_114, %broadcast_in_dim3A_86, %dot_general3A_115 {dimension_numbers = #tpu.dot_dimension_numbers<[0], [0], [1], [1], [0, 1, 1, 1], [], []>, transpose_lhs_hint = false} : vector<1x128xf32>, vector<1x128xf32>, vector<128x128xf32> -> vector<128x128xf32>
    %slice3A_117 = vector.extract_strided_slice %mul3A_10 {offsets = [10, 0], sizes = [1, 128], strides = [1, 1]} : vector<25x128xf32> to vector<1x128xf32>
    %dot_general3A_118 = arith.constant dense<0.000000e+00> : vector<128x128xf32>
    %dot_general3A_119 = tpu.matmul %slice3A_117, %broadcast_in_dim3A_86, %dot_general3A_118 {dimension_numbers = #tpu.dot_dimension_numbers<[0], [0], [1], [1], [0, 1, 1, 1], [], []>, transpose_lhs_hint = false} : vector<1x128xf32>, vector<1x128xf32>, vector<128x128xf32> -> vector<128x128xf32>
    %slice3A_120 = vector.extract_strided_slice %mul3A_10 {offsets = [11, 0], sizes = [1, 128], strides = [1, 1]} : vector<25x128xf32> to vector<1x128xf32>
    %dot_general3A_121 = arith.constant dense<0.000000e+00> : vector<128x128xf32>
    %dot_general3A_122 = tpu.matmul %slice3A_120, %broadcast_in_dim3A_86, %dot_general3A_121 {dimension_numbers = #tpu.dot_dimension_numbers<[0], [0], [1], [1], [0, 1, 1, 1], [], []>, transpose_lhs_hint = false} : vector<1x128xf32>, vector<1x128xf32>, vector<128x128xf32> -> vector<128x128xf32>
    %slice3A_123 = vector.extract_strided_slice %mul3A_10 {offsets = [12, 0], sizes = [1, 128], strides = [1, 1]} : vector<25x128xf32> to vector<1x128xf32>
    %dot_general3A_124 = arith.constant dense<0.000000e+00> : vector<128x128xf32>
    %dot_general3A_125 = tpu.matmul %slice3A_123, %broadcast_in_dim3A_86, %dot_general3A_124 {dimension_numbers = #tpu.dot_dimension_numbers<[0], [0], [1], [1], [0, 1, 1, 1], [], []>, transpose_lhs_hint = false} : vector<1x128xf32>, vector<1x128xf32>, vector<128x128xf32> -> vector<128x128xf32>
    %slice3A_126 = vector.extract_strided_slice %mul3A_10 {offsets = [13, 0], sizes = [1, 128], strides = [1, 1]} : vector<25x128xf32> to vector<1x128xf32>
    %dot_general3A_127 = arith.constant dense<0.000000e+00> : vector<128x128xf32>
    %dot_general3A_128 = tpu.matmul %slice3A_126, %broadcast_in_dim3A_86, %dot_general3A_127 {dimension_numbers = #tpu.dot_dimension_numbers<[0], [0], [1], [1], [0, 1, 1, 1], [], []>, transpose_lhs_hint = false} : vector<1x128xf32>, vector<1x128xf32>, vector<128x128xf32> -> vector<128x128xf32>
    %slice3A_129 = vector.extract_strided_slice %mul3A_10 {offsets = [14, 0], sizes = [1, 128], strides = [1, 1]} : vector<25x128xf32> to vector<1x128xf32>
    %dot_general3A_130 = arith.constant dense<0.000000e+00> : vector<128x128xf32>
    %dot_general3A_131 = tpu.matmul %slice3A_129, %broadcast_in_dim3A_86, %dot_general3A_130 {dimension_numbers = #tpu.dot_dimension_numbers<[0], [0], [1], [1], [0, 1, 1, 1], [], []>, transpose_lhs_hint = false} : vector<1x128xf32>, vector<1x128xf32>, vector<128x128xf32> -> vector<128x128xf32>
    %slice3A_132 = vector.extract_strided_slice %mul3A_10 {offsets = [15, 0], sizes = [1, 128], strides = [1, 1]} : vector<25x128xf32> to vector<1x128xf32>
    %dot_general3A_133 = arith.constant dense<0.000000e+00> : vector<128x128xf32>
    %dot_general3A_134 = tpu.matmul %slice3A_132, %broadcast_in_dim3A_86, %dot_general3A_133 {dimension_numbers = #tpu.dot_dimension_numbers<[0], [0], [1], [1], [0, 1, 1, 1], [], []>, transpose_lhs_hint = false} : vector<1x128xf32>, vector<1x128xf32>, vector<128x128xf32> -> vector<128x128xf32>
    %slice3A_135 = vector.extract_strided_slice %mul3A_10 {offsets = [16, 0], sizes = [1, 128], strides = [1, 1]} : vector<25x128xf32> to vector<1x128xf32>
    %dot_general3A_136 = arith.constant dense<0.000000e+00> : vector<128x128xf32>
    %dot_general3A_137 = tpu.matmul %slice3A_135, %broadcast_in_dim3A_86, %dot_general3A_136 {dimension_numbers = #tpu.dot_dimension_numbers<[0], [0], [1], [1], [0, 1, 1, 1], [], []>, transpose_lhs_hint = false} : vector<1x128xf32>, vector<1x128xf32>, vector<128x128xf32> -> vector<128x128xf32>
    %slice3A_138 = vector.extract_strided_slice %mul3A_10 {offsets = [17, 0], sizes = [1, 128], strides = [1, 1]} : vector<25x128xf32> to vector<1x128xf32>
    %dot_general3A_139 = arith.constant dense<0.000000e+00> : vector<128x128xf32>
    %dot_general3A_140 = tpu.matmul %slice3A_138, %broadcast_in_dim3A_86, %dot_general3A_139 {dimension_numbers = #tpu.dot_dimension_numbers<[0], [0], [1], [1], [0, 1, 1, 1], [], []>, transpose_lhs_hint = false} : vector<1x128xf32>, vector<1x128xf32>, vector<128x128xf32> -> vector<128x128xf32>
    %slice3A_141 = vector.extract_strided_slice %mul3A_10 {offsets = [18, 0], sizes = [1, 128], strides = [1, 1]} : vector<25x128xf32> to vector<1x128xf32>
    %dot_general3A_142 = arith.constant dense<0.000000e+00> : vector<128x128xf32>
    %dot_general3A_143 = tpu.matmul %slice3A_141, %broadcast_in_dim3A_86, %dot_general3A_142 {dimension_numbers = #tpu.dot_dimension_numbers<[0], [0], [1], [1], [0, 1, 1, 1], [], []>, transpose_lhs_hint = false} : vector<1x128xf32>, vector<1x128xf32>, vector<128x128xf32> -> vector<128x128xf32>
    %slice3A_144 = vector.extract_strided_slice %mul3A_10 {offsets = [19, 0], sizes = [1, 128], strides = [1, 1]} : vector<25x128xf32> to vector<1x128xf32>
    %dot_general3A_145 = arith.constant dense<0.000000e+00> : vector<128x128xf32>
    %dot_general3A_146 = tpu.matmul %slice3A_144, %broadcast_in_dim3A_86, %dot_general3A_145 {dimension_numbers = #tpu.dot_dimension_numbers<[0], [0], [1], [1], [0, 1, 1, 1], [], []>, transpose_lhs_hint = false} : vector<1x128xf32>, vector<1x128xf32>, vector<128x128xf32> -> vector<128x128xf32>
    %slice3A_147 = vector.extract_strided_slice %mul3A_10 {offsets = [20, 0], sizes = [1, 128], strides = [1, 1]} : vector<25x128xf32> to vector<1x128xf32>
    %dot_general3A_148 = arith.constant dense<0.000000e+00> : vector<128x128xf32>
    %dot_general3A_149 = tpu.matmul %slice3A_147, %broadcast_in_dim3A_86, %dot_general3A_148 {dimension_numbers = #tpu.dot_dimension_numbers<[0], [0], [1], [1], [0, 1, 1, 1], [], []>, transpose_lhs_hint = false} : vector<1x128xf32>, vector<1x128xf32>, vector<128x128xf32> -> vector<128x128xf32>
    %slice3A_150 = vector.extract_strided_slice %mul3A_10 {offsets = [21, 0], sizes = [1, 128], strides = [1, 1]} : vector<25x128xf32> to vector<1x128xf32>
    %dot_general3A_151 = arith.constant dense<0.000000e+00> : vector<128x128xf32>
    %dot_general3A_152 = tpu.matmul %slice3A_150, %broadcast_in_dim3A_86, %dot_general3A_151 {dimension_numbers = #tpu.dot_dimension_numbers<[0], [0], [1], [1], [0, 1, 1, 1], [], []>, transpose_lhs_hint = false} : vector<1x128xf32>, vector<1x128xf32>, vector<128x128xf32> -> vector<128x128xf32>
    %slice3A_153 = vector.extract_strided_slice %mul3A_10 {offsets = [22, 0], sizes = [1, 128], strides = [1, 1]} : vector<25x128xf32> to vector<1x128xf32>
    %dot_general3A_154 = arith.constant dense<0.000000e+00> : vector<128x128xf32>
    %dot_general3A_155 = tpu.matmul %slice3A_153, %broadcast_in_dim3A_86, %dot_general3A_154 {dimension_numbers = #tpu.dot_dimension_numbers<[0], [0], [1], [1], [0, 1, 1, 1], [], []>, transpose_lhs_hint = false} : vector<1x128xf32>, vector<1x128xf32>, vector<128x128xf32> -> vector<128x128xf32>
    %slice3A_156 = vector.extract_strided_slice %mul3A_10 {offsets = [23, 0], sizes = [1, 128], strides = [1, 1]} : vector<25x128xf32> to vector<1x128xf32>
    %dot_general3A_157 = arith.constant dense<0.000000e+00> : vector<128x128xf32>
    %dot_general3A_158 = tpu.matmul %slice3A_156, %broadcast_in_dim3A_86, %dot_general3A_157 {dimension_numbers = #tpu.dot_dimension_numbers<[0], [0], [1], [1], [0, 1, 1, 1], [], []>, transpose_lhs_hint = false} : vector<1x128xf32>, vector<1x128xf32>, vector<128x128xf32> -> vector<128x128xf32>
    %slice3A_159 = vector.extract_strided_slice %mul3A_10 {offsets = [24, 0], sizes = [1, 128], strides = [1, 1]} : vector<25x128xf32> to vector<1x128xf32>
    %dot_general3A_160 = arith.constant dense<0.000000e+00> : vector<128x128xf32>
    %dot_general3A_161 = tpu.matmul %slice3A_159, %broadcast_in_dim3A_86, %dot_general3A_160 {dimension_numbers = #tpu.dot_dimension_numbers<[0], [0], [1], [1], [0, 1, 1, 1], [], []>, transpose_lhs_hint = false} : vector<1x128xf32>, vector<1x128xf32>, vector<128x128xf32> -> vector<128x128xf32>
    %concatenate3A_162 = tpu.concatenate %dot_general3A_89, %dot_general3A_92, %dot_general3A_95, %dot_general3A_98, %dot_general3A_101, %dot_general3A_104, %dot_general3A_107, %dot_general3A_110, %dot_general3A_113, %dot_general3A_116, %dot_general3A_119, %dot_general3A_122, %dot_general3A_125, %dot_general3A_128, %dot_general3A_131, %dot_general3A_134, %dot_general3A_137, %dot_general3A_140, %dot_general3A_143, %dot_general3A_146, %dot_general3A_149, %dot_general3A_152, %dot_general3A_155, %dot_general3A_158, %dot_general3A_161 in 0 : vector<128x128xf32>, vector<128x128xf32>, vector<128x128xf32>, vector<128x128xf32>, vector<128x128xf32>, vector<128x128xf32>, vector<128x128xf32>, vector<128x128xf32>, vector<128x128xf32>, vector<128x128xf32>, vector<128x128xf32>, vector<128x128xf32>, vector<128x128xf32>, vector<128x128xf32>, vector<128x128xf32>, vector<128x128xf32>, vector<128x128xf32>, vector<128x128xf32>, vector<128x128xf32>, vector<128x128xf32>, vector<128x128xf32>, vector<128x128xf32>, vector<128x128xf32>, vector<128x128xf32>, vector<128x128xf32> -> vector<3200x128xf32>
    %iota3A = tpu.iota {dimensions = array<i32: 1>} : vector<1x128xi32>
    %convert_element_type3A = arith.sitofp %iota3A : vector<1x128xi32> to vector<1x128xf32>
    %mul3A_163 = arith.constant 0.0393700786 : f32
    %mul3A_164 = vector.broadcast %mul3A_163 : f32 to vector<1x128xf32>
    %mul3A_165 = arith.mulf %convert_element_type3A, %mul3A_164 : vector<1x128xf32>
    %sub3A = vector.broadcast %mul3A_165 : vector<1x128xf32> to vector<3200x128xf32>
    %sub3A_166 = arith.subf %concatenate3A, %sub3A : vector<3200x128xf32>
    %mul3A_167 = arith.constant -930.769104 : f32
    %mul3A_168 = vector.broadcast %mul3A_167 : f32 to vector<3200x128xf32>
    %mul3A_169 = arith.mulf %mul3A_168, %sub3A_166 : vector<3200x128xf32>
    %mul3A_170 = arith.mulf %mul3A_169, %sub3A_166 : vector<3200x128xf32>
    %exp23A = math.exp2 %mul3A_170 : vector<3200x128xf32>
    %get3A_171 = arith.constant 0 : index
    %get3A_172 = arith.constant 0 : index
    %get3A_173 = vector.load %arg3[%get3A_171, %get3A_172] : memref<128x128xf32, #tpu.memory_space<vmem>>, vector<128x128xf32>
    %dot_general3A_174 = arith.constant dense<0.000000e+00> : vector<3200x128xf32>
    %dot_general3A_175 = tpu.matmul %exp23A, %get3A_173, %dot_general3A_174 {dimension_numbers = #tpu.dot_dimension_numbers<[1], [0], [0], [1], [0, 0, 1, 1], [], []>, transpose_lhs_hint = false} : vector<3200x128xf32>, vector<128x128xf32>, vector<3200x128xf32> -> vector<3200x128xf32>
    %get3A_176 = arith.constant 0 : index
    %get3A_177 = arith.constant 0 : index
    %get3A_178 = vector.load %arg4[%get3A_176, %get3A_177] : memref<1x128xf32, #tpu.memory_space<vmem>>, vector<1x128xf32>
    %add3A_179 = vector.broadcast %get3A_178 : vector<1x128xf32> to vector<3200x128xf32>
    %add3A_180 = arith.addf %dot_general3A_175, %add3A_179 : vector<3200x128xf32>
    %custom_jvp_call3A = arith.constant 0.000000e+00 : f32
    %max3A = vector.broadcast %custom_jvp_call3A : f32 to vector<3200x128xf32>
    %max3A_181 = arith.maximumf %add3A_180, %max3A : vector<3200x128xf32>
    %sub3A_182 = vector.broadcast %custom_jvp_call3A : f32 to vector<3200x128xf32>
    %sub3A_183 = arith.subf %add3A_180, %sub3A_182 : vector<3200x128xf32>
    %ne3A = arith.cmpf one, %sub3A_183, %sub3A_183 : vector<3200x128xf32>
    %add3A_184 = vector.broadcast %custom_jvp_call3A : f32 to vector<3200x128xf32>
    %add3A_185 = arith.addf %add3A_180, %add3A_184 : vector<3200x128xf32>
    %abs3A = math.absf %sub3A_183 : vector<3200x128xf32>
    %neg3A = arith.constant 0.000000e+00 : f32
    %neg3A_186 = vector.broadcast %neg3A : f32 to vector<3200x128xf32>
    %neg3A_187 = arith.subf %neg3A_186, %abs3A : vector<3200x128xf32>
    %exp3A = math.exp %neg3A_187 : vector<3200x128xf32>
    %log1p3A = math.log1p %exp3A : vector<3200x128xf32>
    %add3A_188 = arith.addf %max3A_181, %log1p3A : vector<3200x128xf32>
    %select_n3A = arith.select %ne3A, %add3A_185, %add3A_188 : vector<3200x128xi1>, vector<3200x128xf32>
    %log3A = arith.constant 2.000000e+00 : f32
    %log3A_189 = math.log %log3A : f32
    %sub3A_190 = vector.broadcast %log3A_189 : f32 to vector<3200x128xf32>
    %sub3A_191 = arith.subf %select_n3A, %sub3A_190 : vector<3200x128xf32>
    %get3A_192 = arith.constant 0 : index
    %get3A_193 = arith.constant 0 : index
    %get3A_194 = vector.load %arg5[%get3A_192, %get3A_193] : memref<128x128xf32, #tpu.memory_space<vmem>>, vector<128x128xf32>
    %dot_general3A_195 = arith.constant dense<0.000000e+00> : vector<3200x128xf32>
    %dot_general3A_196 = tpu.matmul %sub3A_191, %get3A_194, %dot_general3A_195 {dimension_numbers = #tpu.dot_dimension_numbers<[1], [0], [0], [1], [0, 0, 1, 1], [], []>, transpose_lhs_hint = false} : vector<3200x128xf32>, vector<128x128xf32>, vector<3200x128xf32> -> vector<3200x128xf32>
    %get3A_197 = arith.constant 0 : index
    %get3A_198 = arith.constant 0 : index
    %get3A_199 = vector.load %arg6[%get3A_197, %get3A_198] : memref<1x128xf32, #tpu.memory_space<vmem>>, vector<1x128xf32>
    %add3A_200 = vector.broadcast %get3A_199 : vector<1x128xf32> to vector<3200x128xf32>
    %add3A_201 = arith.addf %dot_general3A_196, %add3A_200 : vector<3200x128xf32>
    %custom_jvp_call3A_202 = arith.constant 0.000000e+00 : f32
    %max3A_203 = vector.broadcast %custom_jvp_call3A_202 : f32 to vector<3200x128xf32>
    %max3A_204 = arith.maximumf %add3A_201, %max3A_203 : vector<3200x128xf32>
    %sub3A_205 = vector.broadcast %custom_jvp_call3A_202 : f32 to vector<3200x128xf32>
    %sub3A_206 = arith.subf %add3A_201, %sub3A_205 : vector<3200x128xf32>
    %ne3A_207 = arith.cmpf one, %sub3A_206, %sub3A_206 : vector<3200x128xf32>
    %add3A_208 = vector.broadcast %custom_jvp_call3A_202 : f32 to vector<3200x128xf32>
    %add3A_209 = arith.addf %add3A_201, %add3A_208 : vector<3200x128xf32>
    %abs3A_210 = math.absf %sub3A_206 : vector<3200x128xf32>
    %neg3A_211 = arith.constant 0.000000e+00 : f32
    %neg3A_212 = vector.broadcast %neg3A_211 : f32 to vector<3200x128xf32>
    %neg3A_213 = arith.subf %neg3A_212, %abs3A_210 : vector<3200x128xf32>
    %exp3A_214 = math.exp %neg3A_213 : vector<3200x128xf32>
    %log1p3A_215 = math.log1p %exp3A_214 : vector<3200x128xf32>
    %add3A_216 = arith.addf %max3A_204, %log1p3A_215 : vector<3200x128xf32>
    %select_n3A_217 = arith.select %ne3A_207, %add3A_209, %add3A_216 : vector<3200x128xi1>, vector<3200x128xf32>
    %log3A_218 = arith.constant 2.000000e+00 : f32
    %log3A_219 = math.log %log3A_218 : f32
    %sub3A_220 = vector.broadcast %log3A_219 : f32 to vector<3200x128xf32>
    %sub3A_221 = arith.subf %select_n3A_217, %sub3A_220 : vector<3200x128xf32>
    %get3A_222 = arith.constant 0 : index
    %get3A_223 = arith.constant 0 : index
    %get3A_224 = vector.load %arg2[%get3A_222, %get3A_223] : memref<3200x128xf32, #tpu.memory_space<vmem>>, vector<3200x128xf32>
    %mul3A_225 = arith.mulf %get3A_224, %sub3A_221 : vector<3200x128xf32>
    %mul3A_226 = arith.mulf %mul3A_225, %concatenate3A_162 : vector<3200x128xf32>
    %abs3A_227 = math.absf %mul3A_226 : vector<3200x128xf32>
    %log3A_228 = math.log %abs3A_227 : vector<3200x128xf32>
    %log3A_229 = arith.constant 2.000000e+00 : f32
    %log3A_230 = math.log %log3A_229 : f32
    %div3A = vector.broadcast %log3A_230 : f32 to vector<3200x128xf32>
    %div3A_231 = arith.divf %log3A_228, %div3A : vector<3200x128xf32>
    %swap3A = arith.constant 0 : index
    %swap3A_232 = arith.constant 0 : index
    %swap3A_233 = vector.load %arg7[%swap3A, %swap3A_232] : memref<3200x128xf32, #tpu.memory_space<vmem>>, vector<3200x128xf32>
    tpu.vector_store %arg7[%swap3A, %swap3A_232], %div3A_231 {strides = array<i32>} : memref<3200x128xf32, #tpu.memory_space<vmem>>, vector<3200x128xf32>,
    %lt3A = arith.constant 0.000000e+00 : f32
    %lt3A_234 = vector.broadcast %lt3A : f32 to vector<3200x128xf32>
    %lt3A_235 = arith.cmpf olt, %mul3A_226, %lt3A_234 : vector<3200x128xf32>
    %jit3A = arith.constant 1.000000e+00 : f32
    %jit3A_236 = arith.constant 0.000000e+00 : f32
    %broadcast_in_dim3A_237 = vector.broadcast %jit3A : f32 to vector<3200x128xf32>
    %broadcast_in_dim3A_238 = vector.broadcast %jit3A_236 : f32 to vector<3200x128xf32>
    %select_n3A_239 = arith.select %lt3A_235, %broadcast_in_dim3A_237, %broadcast_in_dim3A_238 : vector<3200x128xi1>, vector<3200x128xf32>
    %swap3A_240 = arith.constant 0 : index
    %swap3A_241 = arith.constant 0 : index
    %swap3A_242 = vector.load %arg8[%swap3A_240, %swap3A_241] : memref<3200x128xf32, #tpu.memory_space<vmem>>, vector<3200x128xf32>
    tpu.vector_store %arg8[%swap3A_240, %swap3A_241], %select_n3A_239 {strides = array<i32>} : memref<3200x128xf32, #tpu.memory_space<vmem>>, vector<3200x128xf32>,
    return
  }
  func.func @transform_0(%arg0: i32) -> (i32, i32, i32) {
    %c0_i32 = arith.constant 0 : i32
    %c0_i32_0 = arith.constant 0 : i32
    %c0_i32_1 = arith.constant 0 : i32
    return %arg0, %c0_i32, %c0_i32_0 : i32, i32, i32
  }
  func.func @transform_1(%arg0: i32) -> (i32, i32) {
    %c0_i32 = arith.constant 0 : i32
    %c0_i32_0 = arith.constant 0 : i32
    return %arg0, %c0_i32 : i32, i32
  }
  func.func @transform_2(%arg0: i32) -> (i32, i32) {
    %c0_i32 = arith.constant 0 : i32
    %c0_i32_0 = arith.constant 0 : i32
    %c0_i32_1 = arith.constant 0 : i32
    return %c0_i32, %c0_i32_0 : i32, i32
  }
  func.func @transform_3(%arg0: i32) -> (i32, i32) {
    %c0_i32 = arith.constant 0 : i32
    %c0_i32_0 = arith.constant 0 : i32
    %c0_i32_1 = arith.constant 0 : i32
    return %c0_i32, %c0_i32_0 : i32, i32
  }
  func.func @transform_4(%arg0: i32) -> (i32, i32) {
    %c0_i32 = arith.constant 0 : i32
    %c0_i32_0 = arith.constant 0 : i32
    %c0_i32_1 = arith.constant 0 : i32
    return %c0_i32, %c0_i32_0 : i32, i32
  }
  func.func @transform_5(%arg0: i32) -> (i32, i32) {
    %c0_i32 = arith.constant 0 : i32
    %c0_i32_0 = arith.constant 0 : i32
    %c0_i32_1 = arith.constant 0 : i32
    return %c0_i32, %c0_i32_0 : i32, i32
  }
  func.func @transform_6(%arg0: i32) -> (i32, i32) {
    %c0_i32 = arith.constant 0 : i32
    %c0_i32_0 = arith.constant 0 : i32
    return %arg0, %c0_i32 : i32, i32
  }
  func.func @transform_7(%arg0: i32) -> (i32, i32) {
    %c0_i32 = arith.constant 0 : i32
    %c0_i32_0 = arith.constant 0 : i32
    return %arg0, %c0_i32 : i32, i32
  }
}

module attributes {stable_mosaic.version = 14 : i64} {
  func.func @_final_kernel(%arg0: i32, %arg1: memref<2x2000x128xf32, #tpu.memory_space<vmem>>, %arg2: memref<2x2000x128xf32, #tpu.memory_space<vmem>>, %arg3: memref<128x128xf32, #tpu.memory_space<vmem>>, %arg4: memref<1x128xf32, #tpu.memory_space<vmem>>, %arg5: memref<2000x128xf32, #tpu.memory_space<vmem>>) attributes {dimension_semantics = [#tpu.dimension_semantics<arbitrary>], iteration_bounds = array<i64: 5>, scalar_prefetch = 0 : i64, scratch_operands = 0 : i64, tpu.core_type = #tpu.core_type<tc>, window_params = [{transform_indices = @transform_0, window_bounds = array<i64: 2, 2000, 128>}, {transform_indices = @transform_1, window_bounds = array<i64: 2, 2000, 128>}, {pipeline_mode = #tpu.pipeline_mode<synchronous>, transform_indices = @transform_2, window_bounds = array<i64: 128, 128>}, {pipeline_mode = #tpu.pipeline_mode<synchronous>, transform_indices = @transform_3, window_bounds = array<i64: 1, 128>}, {transform_indices = @transform_4, window_bounds = array<i64: 2000, 128>}]} {
    %get3A = arith.constant 0 : index
    %get3A_0 = arith.constant 0 : index
    %get3A_1 = arith.constant 0 : index
    %get3A_2 = vector.load %arg1[%get3A, %get3A_0, %get3A_1] : memref<2x2000x128xf32, #tpu.memory_space<vmem>>, vector<1x2000x128xf32>
    %get3A_3 = vector.shape_cast %get3A_2 : vector<1x2000x128xf32> to vector<2000x128xf32>
    %get3A_4 = arith.constant 1 : index
    %get3A_5 = arith.constant 0 : index
    %get3A_6 = arith.constant 0 : index
    %get3A_7 = vector.load %arg1[%get3A_4, %get3A_5, %get3A_6] : memref<2x2000x128xf32, #tpu.memory_space<vmem>>, vector<1x2000x128xf32>
    %get3A_8 = vector.shape_cast %get3A_7 : vector<1x2000x128xf32> to vector<2000x128xf32>
    %add3A = arith.addf %get3A_3, %get3A_8 : vector<2000x128xf32>
    %get3A_9 = arith.constant 0 : index
    %get3A_10 = arith.constant 0 : index
    %get3A_11 = arith.constant 0 : index
    %get3A_12 = vector.load %arg2[%get3A_9, %get3A_10, %get3A_11] : memref<2x2000x128xf32, #tpu.memory_space<vmem>>, vector<1x2000x128xf32>
    %get3A_13 = vector.shape_cast %get3A_12 : vector<1x2000x128xf32> to vector<2000x128xf32>
    %get3A_14 = arith.constant 1 : index
    %get3A_15 = arith.constant 0 : index
    %get3A_16 = arith.constant 0 : index
    %get3A_17 = vector.load %arg2[%get3A_14, %get3A_15, %get3A_16] : memref<2x2000x128xf32, #tpu.memory_space<vmem>>, vector<1x2000x128xf32>
    %get3A_18 = vector.shape_cast %get3A_17 : vector<1x2000x128xf32> to vector<2000x128xf32>
    %add3A_19 = arith.addf %get3A_13, %get3A_18 : vector<2000x128xf32>
    %mul3A = arith.constant 5.000000e-01 : f32
    %mul3A_20 = vector.broadcast %mul3A : f32 to vector<2000x128xf32>
    %mul3A_21 = arith.mulf %add3A_19, %mul3A_20 : vector<2000x128xf32>
    %floor3A = math.floor %mul3A_21 : vector<2000x128xf32>
    %mul3A_22 = arith.constant 2.000000e+00 : f32
    %mul3A_23 = vector.broadcast %mul3A_22 : f32 to vector<2000x128xf32>
    %mul3A_24 = arith.mulf %mul3A_23, %floor3A : vector<2000x128xf32>
    %sub3A = arith.subf %add3A_19, %mul3A_24 : vector<2000x128xf32>
    %mul3A_25 = arith.constant 2.000000e+00 : f32
    %mul3A_26 = vector.broadcast %mul3A_25 : f32 to vector<2000x128xf32>
    %mul3A_27 = arith.mulf %mul3A_26, %sub3A : vector<2000x128xf32>
    %sub3A_28 = arith.constant 1.000000e+00 : f32
    %sub3A_29 = vector.broadcast %sub3A_28 : f32 to vector<2000x128xf32>
    %sub3A_30 = arith.subf %sub3A_29, %mul3A_27 : vector<2000x128xf32>
    %exp23A = math.exp2 %add3A : vector<2000x128xf32>
    %mul3A_31 = arith.mulf %sub3A_30, %exp23A : vector<2000x128xf32>
    %get3A_32 = arith.constant 0 : index
    %get3A_33 = arith.constant 0 : index
    %get3A_34 = vector.load %arg3[%get3A_32, %get3A_33] : memref<128x128xf32, #tpu.memory_space<vmem>>, vector<128x128xf32>
    %dot_general3A = arith.constant dense<0.000000e+00> : vector<2000x128xf32>
    %dot_general3A_35 = tpu.matmul %mul3A_31, %get3A_34, %dot_general3A {dimension_numbers = #tpu.dot_dimension_numbers<[1], [0], [0], [1], [0, 0, 1, 1], [], []>, transpose_lhs_hint = false} : vector<2000x128xf32>, vector<128x128xf32>, vector<2000x128xf32> -> vector<2000x128xf32>
    %get3A_36 = arith.constant 0 : index
    %get3A_37 = arith.constant 0 : index
    %get3A_38 = vector.load %arg4[%get3A_36, %get3A_37] : memref<1x128xf32, #tpu.memory_space<vmem>>, vector<1x128xf32>
    %add3A_39 = vector.broadcast %get3A_38 : vector<1x128xf32> to vector<2000x128xf32>
    %add3A_40 = arith.addf %dot_general3A_35, %add3A_39 : vector<2000x128xf32>
    %custom_jvp_call3A = arith.constant 0.000000e+00 : f32
    %max3A = vector.broadcast %custom_jvp_call3A : f32 to vector<2000x128xf32>
    %max3A_41 = arith.maximumf %add3A_40, %max3A : vector<2000x128xf32>
    %sub3A_42 = vector.broadcast %custom_jvp_call3A : f32 to vector<2000x128xf32>
    %sub3A_43 = arith.subf %add3A_40, %sub3A_42 : vector<2000x128xf32>
    %ne3A = arith.cmpf one, %sub3A_43, %sub3A_43 : vector<2000x128xf32>
    %add3A_44 = vector.broadcast %custom_jvp_call3A : f32 to vector<2000x128xf32>
    %add3A_45 = arith.addf %add3A_40, %add3A_44 : vector<2000x128xf32>
    %abs3A = math.absf %sub3A_43 : vector<2000x128xf32>
    %neg3A = arith.constant 0.000000e+00 : f32
    %neg3A_46 = vector.broadcast %neg3A : f32 to vector<2000x128xf32>
    %neg3A_47 = arith.subf %neg3A_46, %abs3A : vector<2000x128xf32>
    %exp3A = math.exp %neg3A_47 : vector<2000x128xf32>
    %log1p3A = math.log1p %exp3A : vector<2000x128xf32>
    %add3A_48 = arith.addf %max3A_41, %log1p3A : vector<2000x128xf32>
    %select_n3A = arith.select %ne3A, %add3A_45, %add3A_48 : vector<2000x128xi1>, vector<2000x128xf32>
    %log3A = arith.constant 2.000000e+00 : f32
    %log3A_49 = math.log %log3A : f32
    %sub3A_50 = vector.broadcast %log3A_49 : f32 to vector<2000x128xf32>
    %sub3A_51 = arith.subf %select_n3A, %sub3A_50 : vector<2000x128xf32>
    %swap3A = arith.constant 0 : index
    %swap3A_52 = arith.constant 0 : index
    %swap3A_53 = vector.load %arg5[%swap3A, %swap3A_52] : memref<2000x128xf32, #tpu.memory_space<vmem>>, vector<2000x128xf32>
    tpu.vector_store %arg5[%swap3A, %swap3A_52], %sub3A_51 {strides = array<i32>} : memref<2000x128xf32, #tpu.memory_space<vmem>>, vector<2000x128xf32>,
    return
  }
  func.func @transform_0(%arg0: i32) -> (i32, i32, i32) {
    %c0_i32 = arith.constant 0 : i32
    %c0_i32_0 = arith.constant 0 : i32
    %c0_i32_1 = arith.constant 0 : i32
    return %c0_i32, %arg0, %c0_i32_0 : i32, i32, i32
  }
  func.func @transform_1(%arg0: i32) -> (i32, i32, i32) {
    %c0_i32 = arith.constant 0 : i32
    %c0_i32_0 = arith.constant 0 : i32
    %c0_i32_1 = arith.constant 0 : i32
    return %c0_i32, %arg0, %c0_i32_0 : i32, i32, i32
  }
  func.func @transform_2(%arg0: i32) -> (i32, i32) {
    %c0_i32 = arith.constant 0 : i32
    %c0_i32_0 = arith.constant 0 : i32
    %c0_i32_1 = arith.constant 0 : i32
    return %c0_i32, %c0_i32_0 : i32, i32
  }
  func.func @transform_3(%arg0: i32) -> (i32, i32) {
    %c0_i32 = arith.constant 0 : i32
    %c0_i32_0 = arith.constant 0 : i32
    %c0_i32_1 = arith.constant 0 : i32
    return %c0_i32, %c0_i32_0 : i32, i32
  }
  func.func @transform_4(%arg0: i32) -> (i32, i32) {
    %c0_i32 = arith.constant 0 : i32
    %c0_i32_0 = arith.constant 0 : i32
    return %arg0, %c0_i32 : i32, i32
  }
}

</mosaic_0001>

<sc_bundles>
// kernel: kernel.6.cloned.1.call-start
scs
__scs_entry_jumppad:
0x0: {  	(pc) =	sbr.rel $0x88, $3  }
0x1: {  	(tag) =	ssettag $0x0;
	lr =	simm.s32 $0x1  }
0x2: {  	[smem:$0x3F97] =	sst lr;
	_ =	strace $0xD0000000  }
0x3: {  	_ = 	snop  }
0x4: {  	_ = 	snop  }
0x5: {  	_ = 	snop  }
0x6: {  	_ = 	snop  }
0x7: {  	_ = 	snop  }
__scs_overlays_trampoline_lowered:
0x8: {  	[smem:$0x3FA6] =	sst s0  }
0x9: {  	[smem:$0x3FA7] =	sst s1  }
0xa: {  	[smem:$0x3FA8] =	sst s2  }
0xb: {  	[smem:$0x3FA9] =	sst s3  }
0xc: {  	[smem:$0x3FAA] =	sst s4  }
0xd: {  	[smem:$0x3FAB] =	sst s5  }
0xe: {  	[smem:$0x3FAC] =	sst s6  }
0xf: {  	[smem:$0x3FAD] =	sst s7  }
0x10: {  	[smem:$0x3FAE] =	sst s8  }
0x11: {  	[smem:$0x3FAF] =	sst s9;
	s0 =	simm.s32 @!p0 $0x0  }
0x12: {  	s1 =	sld [smem:$0x3F95];
	s0 =	simm.s32 @p0 $0x1  }
0x13: {  	[smem:$0x3FB0] =	sst s0;
	s0 =	simm.s32 @!p1 $0x0  }
0x14: {  	s2 =	sld [smem:$0x3F94];
	s0 =	simm.s32 @p1 $0x1  }
0x15: {  	[smem:$0x3FB1] =	sst s0;
	s0 =	simm.s32 @!p2 $0x0  }
0x16: {  	s3 =	sld [smem:$0x3FDB];
	s0 =	simm.s32 @p2 $0x1  }
0x17: {  	s4 =	simm.s32 $0x1BF5;
	[smem:$0x3FB3] =	sst s0  }
0x18: {  	s0 =	sld [smem:$0x3F96];
	_ =	swait.ge [sflag:s4], $0x0  }
0x19: {  	s7 =	sld [smem:$0x3F97]  }
0x1a: {  	s8 =	sadd.s32 $0xFFFFE003, lr  }
0x1b: {  	s9 =	sadd.s32 $0xFFFFFEF7, lr;
	s5 =	simm.s32 $0xFFFFFFFF;
	p2 =	slt.u32 s8, $0xFFFFF086  }
0x1c: {  	p1 =	slt.u32 s9, $0xF7A;
	s5 =	simm.s32 @!p2 $0x0  }
0x1d: {  	s5 =	simm.s32 @p1 $0x1;
	p0 =	seq.s32 s7, s2  }
0x1e: {  	s7 =	smul.u32 @!p0 $0xF7A, s2;
	p2 =	seq.s32 @!p0 s5, $0x0  }
0x1f: {  	s9 =	smul.u32 $0xF7A, s1;
	s8 =	simm.s32 @!p0 $0x1BF5;
	p2 =	por !p2, p0  }
0x20: {  	[sflag:s8] =	ssyncset.s32 @!p0 $0xFFFFF086;
	s6 =	sadd.s32 @!p0 s3, s7;
	s7 =	simm.s32 @!p0 $0x108  }
0x21: {  	s3 =	sadd.s32 s3, s9;
	s6 =	sadd.s32 @!p0 $0x88, s6;
	s7 =	simm.s32 @p2 $0x1082  }
0x22: {  	[simem:s7], [sflag:s8] =	dma.local @!p0 [hbm:s6], $0xF7A  }
0x23: {  	s9 =	sor.u32 $0xD0000000, s2;
	s6 =	simm.s32 $0x108;
	_ =	swait.ge @!p0 [sflag:s8], $0x0  }
0x24: {  	s3 =	sadd.s32 $0x88, s3;
	s6 =	simm.s32 @!p1 $0x1082;
	[sflag:s4] =	ssyncset.s32 $0xFFFFF086  }
0x25: {  	[simem:s6], [sflag:s4] =	dma.local [hbm:s3], $0xF7A  }
0x26: {  	[smem:$0x3F97] =	sst s1;
	(tag) =	ssettag s2;
	_ =	strace s9  }
0x27: {  	s1 =	sld [smem:$0x3FA7]  }
0x28: {  	s2 =	sld [smem:$0x3FA8]  }
0x29: {  	s4 =	sld [smem:$0x3FAA]  }
0x2a: {  	p0 =	seq.s32 s5, $0x0;
	s5 =	sld [smem:$0x3FAB]  }
0x2b: {  	s6 =	sld [smem:$0x3FAC]  }
0x2c: {  	s7 =	sld [smem:$0x3FAD]  }
0x2d: {  	s3 =	simm.s32 $0x108;
	s8 =	sld [smem:$0x3FAE]  }
0x2e: {  	s3 =	simm.s32 @!p0 $0x1082;
	s9 =	sld [smem:$0x3FAF]  }
0x2f: {  	lr =	sadd.s32 s0, s3;
	s0 =	sld [smem:$0x3FA6]  }
0x30: {  	s3 =	sld [smem:$0x3FA9]  }
0x31: {  	[smem:$0x3FB2] =	sst s10  }
0x32: {  	s10 =	sld [smem:$0x3FB0];
	_ =	sdelay $0x3  }
0x33: {  	p0 =	seq.s32 s10, $0x1;
	s10 =	sld [smem:$0x3FB2];
	_ =	sdelay $0x3  }
0x34: {  	[smem:$0x3FB2] =	sst s10  }
0x35: {  	s10 =	sld [smem:$0x3FB1];
	_ =	sdelay $0x3  }
0x36: {  	p1 =	seq.s32 s10, $0x1;
	s10 =	sld [smem:$0x3FB2];
	_ =	sdelay $0x3  }
0x37: {  	[smem:$0x3FB2] =	sst s10  }
0x38: {  	s10 =	sld [smem:$0x3FB3]  }
0x39: {  	_ = 	snop;
	(pc) =	sbr.ind lr, $3  }
0x3a: {  	_ = 	snop  }
0x3b: {  	_ = 	snop  }
0x3c: {  	p2 =	seq.s32 s10, $0x1;
	s10 =	sld [smem:$0x3FB2]  }
0x3d: {  	_ =	shalt  }
0x3e: {  	_ =	shalt  }
0x3f: {  	_ =	shalt  }
0x40: {  	_ =	shalt  }
0x41: {  	_ =	shalt  }
0x42: {  	_ =	shalt  }
0x43: {  	_ =	shalt  }
0x44: {  	_ =	shalt  }
0x45: {  	_ =	shalt  }
0x46: {  	_ =	shalt  }
0x47: {  	_ =	shalt  }
0x48: {  	_ =	shalt  }
0x49: {  	_ =	shalt  }
0x4a: {  	_ =	shalt  }
0x4b: {  	_ =	shalt  }
0x4c: {  	_ =	shalt  }
0x4d: {  	_ =	shalt  }
0x4e: {  	_ =	shalt  }
0x4f: {  	_ =	shalt  }
0x50: {  	_ =	shalt  }
0x51: {  	_ =	shalt  }
0x52: {  	_ =	shalt  }
0x53: {  	_ =	shalt  }
0x54: {  	_ =	shalt  }
0x55: {  	_ =	shalt  }
0x56: {  	_ =	shalt  }
0x57: {  	_ =	shalt  }
0x58: {  	_ =	shalt  }
0x59: {  	_ =	shalt  }
0x5a: {  	_ =	shalt  }
0x5b: {  	_ =	shalt  }
0x5c: {  	_ =	shalt  }
0x5d: {  	_ =	shalt  }
0x5e: {  	_ =	shalt  }
0x5f: {  	_ =	shalt  }
0x60: {  	_ =	shalt  }
0x61: {  	_ =	shalt  }
0x62: {  	_ =	shalt  }
0x63: {  	_ =	shalt  }
0x64: {  	_ =	shalt  }
0x65: {  	_ =	shalt  }
0x66: {  	_ =	shalt  }
0x67: {  	_ =	shalt  }
0x68: {  	_ =	shalt  }
0x69: {  	_ =	shalt  }
0x6a: {  	_ =	shalt  }
0x6b: {  	_ =	shalt  }
0x6c: {  	_ =	shalt  }
0x6d: {  	_ =	shalt  }
0x6e: {  	_ =	shalt  }
0x6f: {  	_ =	shalt  }
0x70: {  	_ =	shalt  }
0x71: {  	_ =	shalt  }
0x72: {  	_ =	shalt  }
0x73: {  	_ =	shalt  }
0x74: {  	_ =	shalt  }
0x75: {  	_ =	shalt  }
0x76: {  	_ =	shalt  }
0x77: {  	_ =	shalt  }
0x78: {  	_ =	shalt  }
0x79: {  	_ =	shalt  }
0x7a: {  	_ =	shalt  }
0x7b: {  	_ =	shalt  }
0x7c: {  	_ =	shalt  }
0x7d: {  	_ =	shalt  }
0x7e: {  	_ =	shalt  }
0x7f: {  	_ =	shalt  }
0x80: {  	_ =	shalt  }
0x81: {  	_ =	shalt  }
0x82: {  	_ =	shalt  }
0x83: {  	_ =	shalt  }
0x84: {  	_ =	shalt  }
0x85: {  	_ =	shalt  }
0x86: {  	_ =	shalt  }
0x87: {  	_ =	shalt  }
.Lfunc_end0:
.L_simem_size_0:
called_computation_lowered:
.L_overlay_start_0:
0x88: {  	s2 =	sld [smem:$0x3FD9]  }
0x89: {  	s3 =	sld [smem:$0x3FFE];
	_ =	sdelay $0x1  }
0x8a: {  	s1 =	srdreg.scid  }
0x8b: {  	s0 =	sand.u32 $0x1, s1  }
0x8c: {  	s17 =	sshll.u32 s0, $0xA;
	s2 =	sadd.s32 s3, s2  }
0x8d: {  	s2 =	sadd.s32 s2, s17  }
0x8e: {  	[smem:$0x3FBE] =	sst s2  }
0x8f: {  	_ = 	snop  }
0x90: {  	s2 =	sld [smem:$0x3FD0];
	(tm) =	ssettm $0x1  }
0x91: {  	s18 =	sld [smem:$0x3FFB];
	_ =	sdelay $0x3  }
0x92: {  	_ =	strace s18  }
0x93: {  	s3 =	sld [smem:$0x3FFC];
	_ =	sdelay $0x3  }
0x94: {  	_ =	strace s3  }
0x95: {  	s3 =	sld [smem:$0x3FFD];
	_ =	sdelay $0x3  }
0x96: {  	_ =	strace s3  }
0x97: {  	_ =	strace $0x8FFFFFFF  }
0x98: {  	s19 =	sld [smem:$0x3FDB];
	_ =	sdelay $0x1  }
0x99: {  	s4 =	simm.s32 $_scs_section_size  }
0x9a: {  	s5 =	simm.s32 $_size__tile_overlayer_lowered;
	s6 =	simm.s32 $_tile_overlayer_lowered  }
0x9b: {  	s22 =	simm.s32 $0x1BFF;
	s21 =	sshll.u32 s6, $0x1;
	s3 =	sadd.s32 s4, s19  }
0x9c: {  	s7 =	simm.s32 $0x0;
	s20 =	sshll.u32 s5, $0x1;
	s5 =	sadd.s32 s21, s3  }
0x9d: {  	[timem:s7], [sflag:s22] =	dma.local [hbm:s5], s20  }
0x9e: {  	_ =	swait.ge [sflag:s22], s20  }
0x9f: {  	s4 =	ssub.s32 $0x0, s20;
	[sflag:s22] =	ssyncset.done $0x0  }
0xa0: {  	[sflag:s22] =	ssyncadd.s32 s4;
	_ =	sdelay $0x1  }
0xa1: {  	s23 =	simm.s32 $0x1B8B  }
0xa2: {  	_ =	swait.ge [sflag:s23], $0x1  }
0xa3: {  	[sflag:s23] =	ssyncset.done $0x0  }
0xa4: {  	s25 =	simm.s32 $0x1B8E;
	s24 =	sld [smem:$0x3FFE];
	[sflag:s23] =	ssyncadd.s32 $0xFFFFFFFF  }
0xa5: {  	s26 =	simm.s32 $execute0_lowered;
	[smem:$0x3FD2] =	sst s25  }
0xa6: {  	s5 =	sshll.u32 s26, $0x1;
	_ =	strace $0x80000046;
	[dreg:$0x1] =	wrdreg $0xFFFFFFFF  }
0xa7: {  	s28 =	simm.s32 $_size_execute0_lowered;
	s3 =	sadd.s32 s3, s5;
	[dreg:$0x0] =	wrdreg $0x0  }
0xa8: {  	s5 =	sshll.u32 s28, $0x1;
	[dreg:$0x2] =	wrdreg s3  }
0xa9: {  	[dreg:$0x3] =	wrdreg s5  }
0xaa: {  	[dreg:$0x4] =	wrdreg $0xC0  }
0xab: {  	_ =	task [dreg:s7], $0x5FFFF  }
0xac: {  	[dreg:$0x1] =	wrdreg $0xFFFFFFFF  }
0xad: {  	[dreg:$0x0] =	wrdreg $0x60  }
0xae: {  	[dreg:$0x2] =	wrdreg s24  }
0xaf: {  	[dreg:$0x3] =	wrdreg s2  }
0xb0: {  	[dreg:$0x4] =	wrdreg $0xA8000  }
0xb1: {  	[dreg:$0x5] =	wrdreg $0x9  }
0xb2: {  	_ =	task.clear_ibuf [dreg:s7], $0x6FFFF;
	_ =	strace $0x90000046  }
0xb3: {  	s29 =	simm.s32 $0x9;
	_ =	strace $0x80000048  }
0xb4: {  	_ =	swait.ge [sflag:s29], $0x1  }
0xb5: {  	[sflag:s29] =	ssyncadd.s32 $0xFFFFFFFF  }
0xb6: {  	_ =	strace $0x90000048  }
0xb7: {  	_ =	sfence  }
0xb8: {  	s30 =	sld [smem:$0x0];
	_ =	sdelay $0x2  }
0xb9: {  	s31 =	sshll.u32 s1, $0xD;
	s1 =	sshrl.u32 s1, $0x2  }
0xba: {  	s3 =	sand.u32 $0x4000, s31;
	s1 =	sadd.s32 s1, s30  }
0xbb: {  	s0 =	sor.u32 s3, s0;
	s1 =	sshll.u32 s1, $0x11  }
0xbc: {  	s0 =	sor.u32 s1, s0  }
0xbd: {  	s0 =	sadd.s32 $0x8F2B, s0  }
0xbe: {  	[sflag:s0] =	ssyncadd.remote.s32 $0x1  }
0xbf: {  	_ =	sfence.sel $0xFFFF  }
0xc0: {  	[dreg:$0x0] =	wrdreg $0xFFFFFFFF;
	(pc) =	sbr.abs _section_cstart, $3  }
0xc1: {  	[dreg:$0x1] =	wrdreg $0xFFFFFFFF  }
0xc2: {  	_ =	task.clear_ibuf [dreg:s7], $0x2FFFF;
	_ =	strace $0x9FFFFFFF  }
0xc3: {  	(tm) =	ssettm $0x7FFFFFFF  }
tec
execute0_lowered:
.L_overlay_start_1:
0x0: {  	(tag) =	ssettag $0x1  }
0x1: {  	s0 =	rddreg [dreg:$0x0]  }
0x2: {  	s1 =	rddreg [dreg:$0x1]  }
0x3: {  	s2 =	rddreg [dreg:$0x2];
	s3 =	simm.s32 $0x0  }
0x4: {  	s4 =	srdreg.scid;
	s19 =	stileid.u32;
	s31 =	simm.s32 $0x7  }
0x5: {  	s30 =	simm.s32 $0x1;
	[smem:$0x7FF] =	sst s3;
	s7 =	sadd.s32 $0xCA00, s0  }
0x6: {  	s8 =	sadd.s32 $0x2A00, s0;
	s4 =	sand.u32 $0x1, s4;
	s6 =	smul.u32 $0x13C00, s19  }
0x7: {  	s9 =	sadd.s32 $0x3DC00, s0;
	s11 =	sshll.u32 s19, $0x1;
	s5 =	smul.u32 $0x13C000, s4  }
0x8: {  	s10 =	ssub.s32 $0x2, s4;
	s11 =	sor.u32 s4, s11;
	s4 =	smul.u32 $0x14000, s4  }
0x9: {  	s12 =	sadd.s32 $0x2AEC00, s0;
	s17 =	sadd.s32 $0x3E000, s0;
	s20 =	smul.u32 $0x500, s11  }
0xa: {  	s25 =	sadd.s32 $0x2AF000, s0;
	_ =	strace $0x80000047;
	s15 =	smul.u32 $0x50, s11  }
0xb: {  	s13 =	sshrl.u32 s10, $0x1;
	p0 =	seq.s32 s11, $0x1F;
	s11 =	smul.u32 $0x14000, s11  }
0xc: {  	s14 =	sadd.s32 s6, s5;
	s10 =	ssub.s32 s10, s13;
	s13 =	simm.s32 $0x14  }
0xd: {  	s13 =	simm.s32 @!p0 $0x50;
	s21 =	sadd.s32 s7, s20;
	s6 =	sadd.s32 s8, s20  }
0xe: {  	s15 =	sadd.s32 $0x28, s15;
	s26 =	sadd.s32 s9, s11;
	[dreg:$0x4] =	wrdreg s21  }
0xf: {  	s28 =	sadd.s32 s11, s17;
	s20 =	sadd.s32 s12, s11;
	[dreg:$0x7] =	wrdreg s26  }
0x10: {  	s16 =	smax.u32 s13, $0x28;
	s18 =	sshll.u32 s15, $0x4;
	[dreg:$0x8] =	wrdreg s28  }
0x11: {  	s24 =	sshll.u32 s15, $0xA;
	[dreg:$0xb] =	wrdreg s20;
	s21 =	sadd.s32 s11, s25  }
0x12: {  	s26 =	smul.u32 $0x4F000, s19;
	s22 =	sadd.s32 s7, s18;
	[dreg:$0xc] =	wrdreg s21  }
0x13: {  	s11 =	simm.s32 $0x2800;
	s23 =	sadd.s32 s8, s18;
	[dreg:$0x5] =	wrdreg s22  }
0x14: {  	s16 =	sadd.s32 $0xFFFFFFD8, s16;
	s15 =	sadd.s32 s9, s24;
	[dreg:$0x6] =	wrdreg s23  }
0x15: {  	s17 =	sadd.s32 s24, s17;
	s18 =	smul.u32 $0x28000, s19;
	[dreg:$0x9] =	wrdreg s15  }
0x16: {  	[dreg:$0xa] =	wrdreg s17;
	s22 =	sadd.s32 s24, s25;
	s23 =	sadd.s32 s12, s24  }
0x17: {  	s28 =	sshrl.u32 s16, $0x1;
	s17 =	sadd.s32 $0x16A00, s0;
	s15 =	smin.u32 s13, $0x28  }
0x18: {  	s16 =	sshll.u32 s19, $0x6;
	s13 =	simm.s32 $0x5;
	[dreg:$0xd] =	wrdreg s22  }
0x19: {  	[dreg:$0xe] =	wrdreg s23;
	s24 =	sadd.s32 s18, s9;
	s25 =	sadd.s32 s18, s12  }
0x1a: {  	s5 =	smax.u32 s28, $0x1;
	s12 =	sshrl.u32 s14, $0x3;
	s18 =	sadd.s32 $0x51FC00, s0  }
0x1b: {  	s14 =	sshrl.u32 s26, $0x2;
	s20 =	sor.u32 $0x1C07, s16;
	s22 =	smax.u32 s10, $0x1  }
0x1c: {  	s26 =	sadd.s32 $0xFFFFFFFF, s28;
	s16 =	simm.s32 $0x4800;
	s9 =	simm.s32 $0x4  }
0x1d: {  	s10 =	simm.s32 $0x1480;
	s7 =	sadd.s32 s4, s24;
	s4 =	sadd.s32 s4, s25  }
0x1e: {  	p1 =	seq.s32 s5, $0x1;
	s8 =	sadd.s32 s12, s0;
	[dreg:$0x12] =	wrdreg s22  }
0x1f: {  	s0 =	sadd.s32 s14, s2;
	[dreg:$0x14] =	wrdreg s26;
	s12 =	simm.s32 $0x6800  }
0x20: {  	s26 =	simm.s32 $0x8800;
	[dreg:$0xf] =	wrdreg s0;
	s0 =	sshll.u32 s15, $0x9  }
0x21: {  	s14 =	simm.s32 $0x6;
	s19 =	sadd.s32 $0x522400, s8;
	s21 =	sadd.s32 $0x571400, s8  }
.Ltmp0:
0x22: {  	s25 =	sadd.s32 $0x800, s7;
	s23 =	sadd.s32 $0xA800, s7;
	(pc) =	sbr.rel .LBB2_1-.Ltmp0, $4  }
0x23: {  	s29 =	sadd.s32 $0x800, s4;
	s28 =	sadd.s32 $0xA800, s4;
	[dreg:$0x10] =	wrdreg s19  }
0x24: {  	s4 =	simm.s32 $0x40;
	s7 =	simm.s32 $0x3;
	[dreg:$0x11] =	wrdreg s21  }
0x25: {  	s8 =	simm.s32 $0x2;
	s24 =	sadd.s32 $0xFFFFFC00, s0;
	[dreg:$0x13] =	wrdreg s23  }
0x26: {  	[dreg:$0x15] =	wrdreg s28;
	s0 =	simm.s32 $0x1400;
	s19 =	simm.s32 $0x0  }
.LBB2_15:
0x27: {  	[spmem:s2] =	stream.indirect.scatter.add.f32 [tilespmem:s26], [sflag:$0x6], $0x80, s15, s4, $0xb8;
	[tilespmem:$0x1E400] =	vst v63  }
.LBB2_16:
0x28: {  	_ =	swait.ge [sflag:s13], $0x2000  }
0x29: {  	[sflag:s13] =	ssyncset.done $0x0  }
0x2a: {  	[sflag:s13] =	ssyncadd.s32 $0xFFFFE000  }
0x2b: {  	_ =	swait.ge [sflag:s13], $0x2000  }
0x2c: {  	[sflag:s13] =	ssyncset.done $0x0  }
0x2d: {  	[sflag:s13] =	ssyncadd.s32 $0xFFFFE000  }
0x2e: {  	_ =	swait.ge [sflag:s14], $0x2000  }
0x2f: {  	[sflag:s14] =	ssyncset.done $0x0  }
0x30: {  	[sflag:s14] =	ssyncadd.s32 $0xFFFFE000  }
0x31: {  	_ =	swait.ge [sflag:s14], $0x2000  }
0x32: {  	[sflag:s14] =	ssyncset.done $0x0  }
0x33: {  	[sflag:s14] =	ssyncadd.s32 $0xFFFFE000  }
.LBB2_17:
0x34: {  	[bflag:$0x0] =	sbarrier.arrive $0xFFFF  }
0x35: {  	s5 =	rddreg [dreg:$0x11]  }
0x36: {  	[hbm:s5], [sflag:s20] =	dma.local [spmem:s21], $0x2780  }
0x37: {  	_ =	swait.ge [sflag:s31], $0x2780  }
0x38: {  	s19 =	sadd.s32 $0x1, s19;
	s28 =	rddreg [dreg:$0x12]  }
0x39: {  	p2 =	sne.s32 s19, s28  }
.Ltmp1:
0x3a: {  	_ = 	snop;
	(pc) =	sbr.rel @!p2 .LBB2_18-.Ltmp1, $3  }
0x3b: {  	[sflag:s31] =	ssyncset.done $0x0  }
0x3c: {  	[sflag:s31] =	ssyncadd.s32 $0xFFFFD880  }
0x3d: {  	[bflag:$0x0] =	sbarrier.arrive $0xFFFF;
	_ =	sdelay $0x1  }
.LBB2_1:
0x3e: {  	s5 =	rddreg [dreg:$0xf]  }
0x3f: {  	s21 =	sshrl.u32 s5, $0x3  }
0x40: {  	[spmem:s21], [sflag:s20] =	dma.local [hbm:s18], $0x2780  }
0x41: {  	_ =	swait.ge [sflag:s31], $0x2780  }
0x42: {  	[sflag:s31] =	ssyncset.done $0x0  }
0x43: {  	[sflag:s31] =	ssyncadd.s32 $0xFFFFD880  }
0x44: {  	[bflag:$0x0] =	sbarrier.arrive $0xFFFF  }
0x45: {  	s22 =	rddreg [dreg:$0x4]  }
0x46: {  	[tilespmem:s3], [sflag:$0x7] =	stream.linear.gather [hbm4b:s22+s3], $0x1400, $0x38;
	[tilespmem:$0x1E400] =	vst v63  }
0x47: {  	_ =	swait.ge [sflag:s31], $0x1400  }
0x48: {  	[sflag:s31] =	ssyncset.done $0x0  }
0x49: {  	[sflag:s31] =	ssyncadd.s32 $0xFFFFEC00  }
0x4a: {  	[tilespmem:s0], [sflag:$0x7] =	stream.linear.gather [hbm4b:s6+s3], $0x1400, $0x38;
	[tilespmem:$0x1E400] =	vst v63  }
0x4b: {  	_ =	swait.ge [sflag:s31], $0x1400  }
0x4c: {  	[sflag:s31] =	ssyncset.done $0x0  }
0x4d: {  	[sflag:s31] =	ssyncadd.s32 $0xFFFFEC00  }
0x4e: {  	[tilespmem:s11], [sflag:$0x1] =	stream.indirect.gather [hbm4b:s1+s4], $0x80, s3, s4, $0xb8;
	[tilespmem:$0x1E400] =	vst v63  }
0x4f: {  	s23 =	rddreg [dreg:$0x7]  }
0x50: {  	[tilespmem:s12], [sflag:$0x3] =	stream.linear.gather [hbm4b:s23+s3], $0x2000, $0x38;
	[tilespmem:$0x1E400] =	vst v63  }
0x51: {  	s28 =	simm.s32 $0x80  }
0x52: {  	[tilespmem:s16], [sflag:$0x2] =	stream.indirect.gather [hbm4b:s1+s4], $0x80, s28, s4, $0xb8;
	[tilespmem:$0x1E400] =	vst v63  }
0x53: {  	s15 =	rddreg [dreg:$0x8]  }
0x54: {  	[tilespmem:s26], [sflag:$0x4] =	stream.linear.gather [hbm4b:s15+s3], $0x2000, $0x38;
	[tilespmem:$0x1E400] =	vst v63  }
0x55: {  	_ =	swait.ge [sflag:s30], $0x2000  }
0x56: {  	[sflag:s30] =	ssyncset.done $0x0  }
0x57: {  	[sflag:s30] =	ssyncadd.s32 $0xFFFFE000  }
0x58: {  	_ =	swait.ge [sflag:s7], $0x2000  }
0x59: {  	[sflag:s7] =	ssyncset.done $0x0  }
0x5a: {  	[sflag:s7] =	ssyncadd.s32 $0xFFFFE000  }
0x5b: {  	[spmem:s2] =	stream.indirect.scatter.add.f32 [tilespmem:s11], [sflag:$0x5], $0x80, s0, s4, $0xb8;
	[tilespmem:$0x1E400] =	vst v63  }
0x5c: {  	_ = 	snop  }
0x5d: {  	[spmem:s2] =	stream.indirect.scatter.add.f32 [tilespmem:s12], [sflag:$0x5], $0x80, s0, s4, $0xb8;
	[tilespmem:$0x1E400] =	vst v63  }
0x5e: {  	_ =	swait.ge [sflag:s8], $0x2000  }
0x5f: {  	[sflag:s8] =	ssyncset.done $0x0  }
0x60: {  	[sflag:s8] =	ssyncadd.s32 $0xFFFFE000  }
0x61: {  	_ =	swait.ge [sflag:s9], $0x2000  }
0x62: {  	[sflag:s9] =	ssyncset.done $0x0  }
0x63: {  	[sflag:s9] =	ssyncadd.s32 $0xFFFFE000  }
0x64: {  	[spmem:s2] =	stream.indirect.scatter.add.f32 [tilespmem:s16], [sflag:$0x6], $0x80, s10, s4, $0xb8;
	[tilespmem:$0x1E400] =	vst v63  }
0x65: {  	_ = 	snop  }
0x66: {  	[spmem:s2] =	stream.indirect.scatter.add.f32 [tilespmem:s26], [sflag:$0x6], $0x80, s10, s4, $0xb8;
	[tilespmem:$0x1E400] =	vst v63  }
0x67: {  	_ =	swait.ge [sflag:s13], $0x2000  }
0x68: {  	[sflag:s13] =	ssyncset.done $0x0  }
0x69: {  	[sflag:s13] =	ssyncadd.s32 $0xFFFFE000  }
0x6a: {  	_ =	swait.ge [sflag:s13], $0x2000  }
0x6b: {  	[sflag:s13] =	ssyncset.done $0x0  }
0x6c: {  	s15 =	simm.s32 $0x100;
	[sflag:s13] =	ssyncadd.s32 $0xFFFFE000  }
0x6d: {  	[tilespmem:s11], [sflag:$0x1] =	stream.indirect.gather [hbm4b:s1+s4], $0x80, s15, s4, $0xb8;
	[tilespmem:$0x1E400] =	vst v63  }
0x6e: {  	_ = 	snop  }
0x6f: {  	[tilespmem:s12], [sflag:$0x3] =	stream.linear.gather [hbm4b:s25+s3], $0x2000, $0x38;
	[tilespmem:$0x1E400] =	vst v63  }
0x70: {  	_ =	swait.ge [sflag:s14], $0x2000  }
0x71: {  	[sflag:s14] =	ssyncset.done $0x0  }
0x72: {  	[sflag:s14] =	ssyncadd.s32 $0xFFFFE000  }
0x73: {  	_ =	swait.ge [sflag:s14], $0x2000  }
0x74: {  	[sflag:s14] =	ssyncset.done $0x0  }
0x75: {  	s22 =	simm.s32 $0x180;
	[sflag:s14] =	ssyncadd.s32 $0xFFFFE000  }
0x76: {  	[tilespmem:s16], [sflag:$0x2] =	stream.indirect.gather [hbm4b:s1+s4], $0x80, s22, s4, $0xb8;
	[tilespmem:$0x1E400] =	vst v63  }
0x77: {  	s23 =	sadd.s32 $0x400, s25  }
0x78: {  	[tilespmem:s26], [sflag:$0x4] =	stream.linear.gather [hbm4b:s23+s3], $0x2000, $0x38;
	[tilespmem:$0x1E400] =	vst v63  }
0x79: {  	_ =	swait.ge [sflag:s30], $0x2000  }
0x7a: {  	[sflag:s30] =	ssyncset.done $0x0  }
0x7b: {  	[sflag:s30] =	ssyncadd.s32 $0xFFFFE000  }
0x7c: {  	_ =	swait.ge [sflag:s7], $0x2000  }
0x7d: {  	[sflag:s7] =	ssyncset.done $0x0  }
0x7e: {  	s28 =	simm.s32 $0x1500;
	[sflag:s7] =	ssyncadd.s32 $0xFFFFE000  }
0x7f: {  	[spmem:s2] =	stream.indirect.scatter.add.f32 [tilespmem:s11], [sflag:$0x5], $0x80, s28, s4, $0xb8;
	[tilespmem:$0x1E400] =	vst v63  }
0x80: {  	_ = 	snop  }
0x81: {  	[spmem:s2] =	stream.indirect.scatter.add.f32 [tilespmem:s12], [sflag:$0x5], $0x80, s28, s4, $0xb8;
	[tilespmem:$0x1E400] =	vst v63  }
0x82: {  	_ =	swait.ge [sflag:s8], $0x2000  }
0x83: {  	p2 =	sne.s32 s24, $0x400;
	[sflag:s8] =	ssyncset.done $0x0  }
.Ltmp2:
0x84: {  	[sflag:s8] =	ssyncadd.s32 $0xFFFFE000;
	(pc) =	sbr.rel @!p2 .LBB2_3-.Ltmp2, $4  }
0x85: {  	_ =	swait.ge [sflag:s9], $0x2000  }
0x86: {  	s15 =	simm.s32 $0x1580;
	[sflag:s9] =	ssyncset.done $0x0  }
0x87: {  	s22 =	simm.s32 $0x400;
	s23 =	sadd.s32 $0x800, s25;
	[sflag:s9] =	ssyncadd.s32 $0xFFFFE000  }
0x88: {  	[spmem:s2] =	stream.indirect.scatter.add.f32 [tilespmem:s16], [sflag:$0x6], $0x80, s15, s4, $0xb8;
	[tilespmem:$0x1E400] =	vst v63  }
.LBB2_2:
0x89: {  	[spmem:s2] =	stream.indirect.scatter.add.f32 [tilespmem:s26], [sflag:$0x6], $0x80, s15, s4, $0xb8;
	[tilespmem:$0x1E400] =	vst v63  }
0x8a: {  	s15 =	smov.u32 s22;
	s22 =	sadd.s32 $0x400, s22;
	_ =	swait.ge [sflag:s13], $0x2000  }
0x8b: {  	p2 =	sne.s32 s24, s22;
	[sflag:s13] =	ssyncset.done $0x0  }
0x8c: {  	[sflag:s13] =	ssyncadd.s32 $0xFFFFE000  }
0x8d: {  	_ =	swait.ge [sflag:s13], $0x2000  }
0x8e: {  	s15 =	sshra.s32 s15, $0x2;
	[sflag:s13] =	ssyncset.done $0x0  }
0x8f: {  	s28 =	sadd.s32 $0x100, s15;
	[sflag:s13] =	ssyncadd.s32 $0xFFFFE000  }
0x90: {  	[tilespmem:s11], [sflag:$0x1] =	stream.indirect.gather [hbm4b:s1+s4], $0x80, s28, s4, $0xb8;
	[tilespmem:$0x1E400] =	vst v63  }
0x91: {  	_ = 	snop  }
0x92: {  	[tilespmem:s12], [sflag:$0x3] =	stream.linear.gather [hbm4b:s23+s3], $0x2000, $0x38;
	[tilespmem:$0x1E400] =	vst v63  }
0x93: {  	_ =	swait.ge [sflag:s14], $0x2000  }
0x94: {  	[sflag:s14] =	ssyncset.done $0x0  }
0x95: {  	[sflag:s14] =	ssyncadd.s32 $0xFFFFE000  }
0x96: {  	_ =	swait.ge [sflag:s14], $0x2000  }
0x97: {  	[sflag:s14] =	ssyncset.done $0x0  }
0x98: {  	s28 =	sadd.s32 $0x180, s15;
	[sflag:s14] =	ssyncadd.s32 $0xFFFFE000  }
0x99: {  	[tilespmem:s16], [sflag:$0x2] =	stream.indirect.gather [hbm4b:s1+s4], $0x80, s28, s4, $0xb8;
	[tilespmem:$0x1E400] =	vst v63  }
0x9a: {  	s28 =	sadd.s32 $0x400, s23  }
0x9b: {  	[tilespmem:s26], [sflag:$0x4] =	stream.linear.gather [hbm4b:s28+s3], $0x2000, $0x38;
	[tilespmem:$0x1E400] =	vst v63  }
0x9c: {  	_ =	swait.ge [sflag:s30], $0x2000  }
0x9d: {  	[sflag:s30] =	ssyncset.done $0x0  }
0x9e: {  	[sflag:s30] =	ssyncadd.s32 $0xFFFFE000  }
0x9f: {  	_ =	swait.ge [sflag:s7], $0x2000  }
0xa0: {  	[sflag:s7] =	ssyncset.done $0x0  }
0xa1: {  	s28 =	sadd.s32 $0x1500, s15;
	[sflag:s7] =	ssyncadd.s32 $0xFFFFE000  }
0xa2: {  	[spmem:s2] =	stream.indirect.scatter.add.f32 [tilespmem:s11], [sflag:$0x5], $0x80, s28, s4, $0xb8;
	[tilespmem:$0x1E400] =	vst v63  }
0xa3: {  	_ = 	snop  }
0xa4: {  	[spmem:s2] =	stream.indirect.scatter.add.f32 [tilespmem:s12], [sflag:$0x5], $0x80, s28, s4, $0xb8;
	[tilespmem:$0x1E400] =	vst v63  }
0xa5: {  	_ =	swait.ge [sflag:s8], $0x2000  }
0xa6: {  	[sflag:s8] =	ssyncset.done $0x0  }
0xa7: {  	[sflag:s8] =	ssyncadd.s32 $0xFFFFE000  }
.Ltmp3:
0xa8: {  	_ =	swait.ge [sflag:s9], $0x2000;
	(pc) =	sbr.rel @p2 .LBB2_2-.Ltmp3, $4  }
0xa9: {  	[sflag:s9] =	ssyncset.done $0x0  }
0xaa: {  	s15 =	sadd.s32 $0x1580, s15;
	[sflag:s9] =	ssyncadd.s32 $0xFFFFE000  }
0xab: {  	[spmem:s2] =	stream.indirect.scatter.add.f32 [tilespmem:s16], [sflag:$0x6], $0x80, s15, s4, $0xb8;
	[tilespmem:$0x1E400] =	vst v63  }
0xac: {  	s23 =	sadd.s32 $0x800, s23  }
.LBB2_3:
0xad: {  	[spmem:s2] =	stream.indirect.scatter.add.f32 [tilespmem:s26], [sflag:$0x6], $0x80, s15, s4, $0xb8;
	[tilespmem:$0x1E400] =	vst v63  }
0xae: {  	_ =	swait.ge [sflag:s13], $0x2000  }
0xaf: {  	[sflag:s13] =	ssyncset.done $0x0  }
0xb0: {  	[sflag:s13] =	ssyncadd.s32 $0xFFFFE000  }
0xb1: {  	_ =	swait.ge [sflag:s13], $0x2000  }
0xb2: {  	[sflag:s13] =	ssyncset.done $0x0  }
0xb3: {  	[sflag:s13] =	ssyncadd.s32 $0xFFFFE000  }
0xb4: {  	_ =	swait.ge [sflag:s14], $0x2000  }
.Ltmp4:
0xb5: {  	[sflag:s14] =	ssyncset.done $0x0;
	(pc) =	sbr.rel @p0 .LBB2_9-.Ltmp4, $4  }
0xb6: {  	[sflag:s14] =	ssyncadd.s32 $0xFFFFE000  }
0xb7: {  	_ =	swait.ge [sflag:s14], $0x2000  }
0xb8: {  	[sflag:s14] =	ssyncset.done $0x0  }
0xb9: {  	[sflag:s14] =	ssyncadd.s32 $0xFFFFE000  }
0xba: {  	s28 =	simm.s32 $0x0;
	s5 =	rddreg [dreg:$0x5]  }
0xbb: {  	[tilespmem:s28], [sflag:$0x7] =	stream.linear.gather [hbm4b:s5+s28], $0x1400, $0x38;
	[tilespmem:$0x1E400] =	vst v63  }
0xbc: {  	_ =	swait.ge [sflag:s31], $0x1400  }
0xbd: {  	[sflag:s31] =	ssyncset.done $0x0  }
0xbe: {  	s23 =	rddreg [dreg:$0x6];
	[sflag:s31] =	ssyncadd.s32 $0xFFFFEC00  }
0xbf: {  	[tilespmem:s0], [sflag:$0x7] =	stream.linear.gather [hbm4b:s23+s28], $0x1400, $0x38;
	[tilespmem:$0x1E400] =	vst v63  }
0xc0: {  	_ =	swait.ge [sflag:s31], $0x1400  }
0xc1: {  	[sflag:s31] =	ssyncset.done $0x0  }
0xc2: {  	[sflag:s31] =	ssyncadd.s32 $0xFFFFEC00  }
0xc3: {  	[tilespmem:s11], [sflag:$0x1] =	stream.indirect.gather [hbm4b:s1+s4], $0x80, s28, s4, $0xb8;
	[tilespmem:$0x1E400] =	vst v63  }
0xc4: {  	s15 =	rddreg [dreg:$0x9]  }
0xc5: {  	[tilespmem:s12], [sflag:$0x3] =	stream.linear.gather [hbm4b:s15+s28], $0x2000, $0x38;
	[tilespmem:$0x1E400] =	vst v63  }
0xc6: {  	s22 =	simm.s32 $0x80  }
0xc7: {  	[tilespmem:s16], [sflag:$0x2] =	stream.indirect.gather [hbm4b:s1+s4], $0x80, s22, s4, $0xb8;
	[tilespmem:$0x1E400] =	vst v63  }
0xc8: {  	s23 =	rddreg [dreg:$0xa]  }
0xc9: {  	[tilespmem:s26], [sflag:$0x4] =	stream.linear.gather [hbm4b:s23+s28], $0x2000, $0x38;
	[tilespmem:$0x1E400] =	vst v63  }
0xca: {  	_ =	swait.ge [sflag:s30], $0x2000  }
0xcb: {  	[sflag:s30] =	ssyncset.done $0x0  }
0xcc: {  	[sflag:s30] =	ssyncadd.s32 $0xFFFFE000  }
0xcd: {  	_ =	swait.ge [sflag:s7], $0x2000  }
0xce: {  	[sflag:s7] =	ssyncset.done $0x0  }
0xcf: {  	[sflag:s7] =	ssyncadd.s32 $0xFFFFE000  }
0xd0: {  	[spmem:s2] =	stream.indirect.scatter.add.f32 [tilespmem:s11], [sflag:$0x5], $0x80, s0, s4, $0xb8;
	[tilespmem:$0x1E400] =	vst v63  }
0xd1: {  	_ = 	snop  }
0xd2: {  	[spmem:s2] =	stream.indirect.scatter.add.f32 [tilespmem:s12], [sflag:$0x5], $0x80, s0, s4, $0xb8;
	[tilespmem:$0x1E400] =	vst v63  }
0xd3: {  	_ =	swait.ge [sflag:s8], $0x2000  }
0xd4: {  	[sflag:s8] =	ssyncset.done $0x0  }
0xd5: {  	[sflag:s8] =	ssyncadd.s32 $0xFFFFE000  }
0xd6: {  	_ =	swait.ge [sflag:s9], $0x2000  }
.Ltmp5:
0xd7: {  	[sflag:s9] =	ssyncset.done $0x0;
	(pc) =	sbr.rel @p1 .LBB2_8-.Ltmp5, $4  }
0xd8: {  	[sflag:s9] =	ssyncadd.s32 $0xFFFFE000  }
0xd9: {  	[spmem:s2] =	stream.indirect.scatter.add.f32 [tilespmem:s16], [sflag:$0x6], $0x80, s10, s4, $0xb8;
	[tilespmem:$0x1E400] =	vst v63  }
0xda: {  	_ = 	snop  }
0xdb: {  	[spmem:s2] =	stream.indirect.scatter.add.f32 [tilespmem:s26], [sflag:$0x6], $0x80, s10, s4, $0xb8;
	[tilespmem:$0x1E400] =	vst v63  }
0xdc: {  	_ =	swait.ge [sflag:s13], $0x2000  }
0xdd: {  	[sflag:s13] =	ssyncset.done $0x0  }
0xde: {  	[sflag:s13] =	ssyncadd.s32 $0xFFFFE000  }
0xdf: {  	_ =	swait.ge [sflag:s13], $0x2000  }
0xe0: {  	s15 =	sshra.s32 s28, $0x2;
	[sflag:s13] =	ssyncset.done $0x0  }
0xe1: {  	s22 =	sadd.s32 $0x100, s15;
	[sflag:s13] =	ssyncadd.s32 $0xFFFFE000  }
0xe2: {  	[tilespmem:s11], [sflag:$0x1] =	stream.indirect.gather [hbm4b:s1+s4], $0x80, s22, s4, $0xb8;
	[tilespmem:$0x1E400] =	vst v63  }
0xe3: {  	s5 =	rddreg [dreg:$0x13]  }
0xe4: {  	[tilespmem:s12], [sflag:$0x3] =	stream.linear.gather [hbm4b:s5+s3], $0x2000, $0x38;
	[tilespmem:$0x1E400] =	vst v63  }
0xe5: {  	_ =	swait.ge [sflag:s14], $0x2000  }
0xe6: {  	[sflag:s14] =	ssyncset.done $0x0  }
0xe7: {  	[sflag:s14] =	ssyncadd.s32 $0xFFFFE000  }
0xe8: {  	_ =	swait.ge [sflag:s14], $0x2000  }
0xe9: {  	[sflag:s14] =	ssyncset.done $0x0  }
0xea: {  	s23 =	sadd.s32 $0x180, s15;
	[sflag:s14] =	ssyncadd.s32 $0xFFFFE000  }
0xeb: {  	[tilespmem:s16], [sflag:$0x2] =	stream.indirect.gather [hbm4b:s1+s4], $0x80, s23, s4, $0xb8;
	[tilespmem:$0x1E400] =	vst v63  }
0xec: {  	s23 =	sadd.s32 $0x400, s5  }
0xed: {  	[tilespmem:s26], [sflag:$0x4] =	stream.linear.gather [hbm4b:s23+s3], $0x2000, $0x38;
	[tilespmem:$0x1E400] =	vst v63  }
0xee: {  	_ =	swait.ge [sflag:s30], $0x2000  }
0xef: {  	[sflag:s30] =	ssyncset.done $0x0  }
0xf0: {  	[sflag:s30] =	ssyncadd.s32 $0xFFFFE000  }
0xf1: {  	_ =	swait.ge [sflag:s7], $0x2000  }
0xf2: {  	[sflag:s7] =	ssyncset.done $0x0  }
0xf3: {  	s23 =	sadd.s32 $0x1500, s15;
	[sflag:s7] =	ssyncadd.s32 $0xFFFFE000  }
0xf4: {  	[spmem:s2] =	stream.indirect.scatter.add.f32 [tilespmem:s11], [sflag:$0x5], $0x80, s23, s4, $0xb8;
	[tilespmem:$0x1E400] =	vst v63  }
0xf5: {  	_ = 	snop  }
0xf6: {  	[spmem:s2] =	stream.indirect.scatter.add.f32 [tilespmem:s12], [sflag:$0x5], $0x80, s23, s4, $0xb8;
	[tilespmem:$0x1E400] =	vst v63  }
0xf7: {  	_ =	swait.ge [sflag:s8], $0x2000  }
0xf8: {  	[sflag:s8] =	ssyncset.done $0x0  }
0xf9: {  	[sflag:s8] =	ssyncadd.s32 $0xFFFFE000  }
0xfa: {  	_ =	swait.ge [sflag:s9], $0x2000  }
0xfb: {  	s23 =	rddreg [dreg:$0x14]  }
0xfc: {  	p2 =	sne.s32 s23, $0x1  }
.Ltmp6:
0xfd: {  	_ = 	snop;
	(pc) =	sbr.rel @!p2 .LBB2_7-.Ltmp6, $4  }
0xfe: {  	_ = 	snop  }
0xff: {  	s28 =	sadd.s32 $0x400, s28;
	s15 =	sadd.s32 $0x1580, s15;
	[sflag:s9] =	ssyncset.done $0x0  }
0x100: {  	[sflag:s9] =	ssyncadd.s32 $0xFFFFE000;
	s22 =	sadd.s32 $0xFFFFFFFF, s23;
	s23 =	sadd.s32 $0x800, s5  }
0x101: {  	[spmem:s2] =	stream.indirect.scatter.add.f32 [tilespmem:s16], [sflag:$0x6], $0x80, s15, s4, $0xb8;
	[tilespmem:$0x1E400] =	vst v63  }
.LBB2_6:
0x102: {  	[spmem:s2] =	stream.indirect.scatter.add.f32 [tilespmem:s26], [sflag:$0x6], $0x80, s15, s4, $0xb8;
	[tilespmem:$0x1E400] =	vst v63  }
0x103: {  	p2 =	sne.s32 s22, $0x1;
	s22 =	sadd.s32 $0xFFFFFFFF, s22;
	_ =	swait.ge [sflag:s13], $0x2000  }
0x104: {  	[sflag:s13] =	ssyncset.done $0x0  }
0x105: {  	[sflag:s13] =	ssyncadd.s32 $0xFFFFE000  }
0x106: {  	_ =	swait.ge [sflag:s13], $0x2000  }
0x107: {  	s15 =	sshra.s32 s28, $0x2;
	[sflag:s13] =	ssyncset.done $0x0  }
0x108: {  	s5 =	sadd.s32 $0x100, s15;
	[sflag:s13] =	ssyncadd.s32 $0xFFFFE000  }
0x109: {  	[tilespmem:s11], [sflag:$0x1] =	stream.indirect.gather [hbm4b:s1+s4], $0x80, s5, s4, $0xb8;
	[tilespmem:$0x1E400] =	vst v63  }
0x10a: {  	_ = 	snop  }
0x10b: {  	[tilespmem:s12], [sflag:$0x3] =	stream.linear.gather [hbm4b:s23+s3], $0x2000, $0x38;
	[tilespmem:$0x1E400] =	vst v63  }
0x10c: {  	_ =	swait.ge [sflag:s14], $0x2000  }
0x10d: {  	[sflag:s14] =	ssyncset.done $0x0  }
0x10e: {  	[sflag:s14] =	ssyncadd.s32 $0xFFFFE000  }
0x10f: {  	_ =	swait.ge [sflag:s14], $0x2000  }
0x110: {  	[sflag:s14] =	ssyncset.done $0x0  }
0x111: {  	s5 =	sadd.s32 $0x180, s15;
	[sflag:s14] =	ssyncadd.s32 $0xFFFFE000  }
0x112: {  	[tilespmem:s16], [sflag:$0x2] =	stream.indirect.gather [hbm4b:s1+s4], $0x80, s5, s4, $0xb8;
	[tilespmem:$0x1E400] =	vst v63  }
0x113: {  	s5 =	sadd.s32 $0x400, s23  }
0x114: {  	[tilespmem:s26], [sflag:$0x4] =	stream.linear.gather [hbm4b:s5+s3], $0x2000, $0x38;
	[tilespmem:$0x1E400] =	vst v63  }
0x115: {  	_ =	swait.ge [sflag:s30], $0x2000  }
0x116: {  	[sflag:s30] =	ssyncset.done $0x0  }
0x117: {  	[sflag:s30] =	ssyncadd.s32 $0xFFFFE000  }
0x118: {  	_ =	swait.ge [sflag:s7], $0x2000  }
0x119: {  	[sflag:s7] =	ssyncset.done $0x0  }
0x11a: {  	s5 =	sadd.s32 $0x1500, s15;
	[sflag:s7] =	ssyncadd.s32 $0xFFFFE000  }
0x11b: {  	[spmem:s2] =	stream.indirect.scatter.add.f32 [tilespmem:s11], [sflag:$0x5], $0x80, s5, s4, $0xb8;
	[tilespmem:$0x1E400] =	vst v63  }
0x11c: {  	_ = 	snop  }
0x11d: {  	[spmem:s2] =	stream.indirect.scatter.add.f32 [tilespmem:s12], [sflag:$0x5], $0x80, s5, s4, $0xb8;
	[tilespmem:$0x1E400] =	vst v63  }
0x11e: {  	_ =	swait.ge [sflag:s8], $0x2000  }
0x11f: {  	[sflag:s8] =	ssyncset.done $0x0  }
0x120: {  	[sflag:s8] =	ssyncadd.s32 $0xFFFFE000  }
.Ltmp7:
0x121: {  	_ =	swait.ge [sflag:s9], $0x2000;
	(pc) =	sbr.rel @p2 .LBB2_6-.Ltmp7, $4  }
0x122: {  	[sflag:s9] =	ssyncset.done $0x0  }
0x123: {  	s15 =	sadd.s32 $0x1580, s15;
	[sflag:s9] =	ssyncadd.s32 $0xFFFFE000  }
0x124: {  	[spmem:s2] =	stream.indirect.scatter.add.f32 [tilespmem:s16], [sflag:$0x6], $0x80, s15, s4, $0xb8;
	[tilespmem:$0x1E400] =	vst v63  }
0x125: {  	s28 =	sadd.s32 $0x400, s28;
	s23 =	sadd.s32 $0x800, s23  }
.LBB2_7:
0x126: {  	[spmem:s2] =	stream.indirect.scatter.add.f32 [tilespmem:s26], [sflag:$0x6], $0x80, s15, s4, $0xb8;
	[tilespmem:$0x1E400] =	vst v63  }
.LBB2_8:
0x127: {  	_ =	swait.ge [sflag:s13], $0x2000  }
0x128: {  	[sflag:s13] =	ssyncset.done $0x0  }
0x129: {  	[sflag:s13] =	ssyncadd.s32 $0xFFFFE000  }
0x12a: {  	_ =	swait.ge [sflag:s13], $0x2000  }
0x12b: {  	[sflag:s13] =	ssyncset.done $0x0  }
0x12c: {  	[sflag:s13] =	ssyncadd.s32 $0xFFFFE000  }
0x12d: {  	_ =	swait.ge [sflag:s14], $0x2000  }
0x12e: {  	[sflag:s14] =	ssyncset.done $0x0  }
0x12f: {  	[sflag:s14] =	ssyncadd.s32 $0xFFFFE000  }
0x130: {  	_ =	swait.ge [sflag:s14], $0x2000  }
0x131: {  	[sflag:s14] =	ssyncset.done $0x0  }
0x132: {  	[sflag:s14] =	ssyncadd.s32 $0xFFFFE000  }
.LBB2_9:
0x133: {  	[bflag:$0x0] =	sbarrier.arrive $0xFFFF  }
0x134: {  	s5 =	rddreg [dreg:$0x10]  }
0x135: {  	[hbm:s5], [sflag:s20] =	dma.local [spmem:s21], $0x2780  }
0x136: {  	_ =	swait.ge [sflag:s31], $0x2780  }
0x137: {  	[sflag:s31] =	ssyncset.done $0x0  }
0x138: {  	[sflag:s31] =	ssyncadd.s32 $0xFFFFD880  }
0x139: {  	[bflag:$0x0] =	sbarrier.arrive $0xFFFF  }
0x13a: {  	[spmem:s21], [sflag:s20] =	dma.local [hbm:s18], $0x2780  }
0x13b: {  	_ =	swait.ge [sflag:s31], $0x2780  }
0x13c: {  	[sflag:s31] =	ssyncset.done $0x0  }
0x13d: {  	[sflag:s31] =	ssyncadd.s32 $0xFFFFD880  }
0x13e: {  	[bflag:$0x0] =	sbarrier.arrive $0xFFFF  }
0x13f: {  	s5 =	simm.s32 $0x0;
	s15 =	rddreg [dreg:$0x4]  }
0x140: {  	[tilespmem:s5], [sflag:$0x7] =	stream.linear.gather [hbm4b:s15+s5], $0x1400, $0x38;
	[tilespmem:$0x1E400] =	vst v63  }
0x141: {  	_ =	swait.ge [sflag:s31], $0x1400  }
0x142: {  	[sflag:s31] =	ssyncset.done $0x0  }
0x143: {  	[sflag:s31] =	ssyncadd.s32 $0xFFFFEC00  }
0x144: {  	[tilespmem:s0], [sflag:$0x7] =	stream.linear.gather [hbm4b:s6+s5], $0x1400, $0x38;
	[tilespmem:$0x1E400] =	vst v63  }
0x145: {  	_ =	swait.ge [sflag:s31], $0x1400  }
0x146: {  	[sflag:s31] =	ssyncset.done $0x0  }
0x147: {  	[sflag:s31] =	ssyncadd.s32 $0xFFFFEC00  }
0x148: {  	[tilespmem:s11], [sflag:$0x1] =	stream.indirect.gather [hbm4b:s17+s4], $0x80, s5, s4, $0xb8;
	[tilespmem:$0x1E400] =	vst v63  }
0x149: {  	s22 =	rddreg [dreg:$0xb]  }
0x14a: {  	[tilespmem:s12], [sflag:$0x3] =	stream.linear.gather [hbm4b:s22+s5], $0x2000, $0x38;
	[tilespmem:$0x1E400] =	vst v63  }
0x14b: {  	s23 =	simm.s32 $0x80  }
0x14c: {  	[tilespmem:s16], [sflag:$0x2] =	stream.indirect.gather [hbm4b:s17+s4], $0x80, s23, s4, $0xb8;
	[tilespmem:$0x1E400] =	vst v63  }
0x14d: {  	s28 =	rddreg [dreg:$0xc]  }
0x14e: {  	[tilespmem:s26], [sflag:$0x4] =	stream.linear.gather [hbm4b:s28+s5], $0x2000, $0x38;
	[tilespmem:$0x1E400] =	vst v63  }
0x14f: {  	_ =	swait.ge [sflag:s30], $0x2000  }
0x150: {  	[sflag:s30] =	ssyncset.done $0x0  }
0x151: {  	[sflag:s30] =	ssyncadd.s32 $0xFFFFE000  }
0x152: {  	_ =	swait.ge [sflag:s7], $0x2000  }
0x153: {  	[sflag:s7] =	ssyncset.done $0x0  }
0x154: {  	[sflag:s7] =	ssyncadd.s32 $0xFFFFE000  }
0x155: {  	[spmem:s2] =	stream.indirect.scatter.add.f32 [tilespmem:s11], [sflag:$0x5], $0x80, s0, s4, $0xb8;
	[tilespmem:$0x1E400] =	vst v63  }
0x156: {  	_ = 	snop  }
0x157: {  	[spmem:s2] =	stream.indirect.scatter.add.f32 [tilespmem:s12], [sflag:$0x5], $0x80, s0, s4, $0xb8;
	[tilespmem:$0x1E400] =	vst v63  }
0x158: {  	_ =	swait.ge [sflag:s8], $0x2000  }
0x159: {  	[sflag:s8] =	ssyncset.done $0x0  }
0x15a: {  	[sflag:s8] =	ssyncadd.s32 $0xFFFFE000  }
0x15b: {  	_ =	swait.ge [sflag:s9], $0x2000  }
0x15c: {  	[sflag:s9] =	ssyncset.done $0x0  }
0x15d: {  	[sflag:s9] =	ssyncadd.s32 $0xFFFFE000  }
0x15e: {  	[spmem:s2] =	stream.indirect.scatter.add.f32 [tilespmem:s16], [sflag:$0x6], $0x80, s10, s4, $0xb8;
	[tilespmem:$0x1E400] =	vst v63  }
0x15f: {  	_ = 	snop  }
0x160: {  	[spmem:s2] =	stream.indirect.scatter.add.f32 [tilespmem:s26], [sflag:$0x6], $0x80, s10, s4, $0xb8;
	[tilespmem:$0x1E400] =	vst v63  }
0x161: {  	_ =	swait.ge [sflag:s13], $0x2000  }
0x162: {  	[sflag:s13] =	ssyncset.done $0x0  }
0x163: {  	[sflag:s13] =	ssyncadd.s32 $0xFFFFE000  }
0x164: {  	_ =	swait.ge [sflag:s13], $0x2000  }
0x165: {  	[sflag:s13] =	ssyncset.done $0x0  }
0x166: {  	s15 =	simm.s32 $0x100;
	[sflag:s13] =	ssyncadd.s32 $0xFFFFE000  }
0x167: {  	[tilespmem:s11], [sflag:$0x1] =	stream.indirect.gather [hbm4b:s17+s4], $0x80, s15, s4, $0xb8;
	[tilespmem:$0x1E400] =	vst v63  }
0x168: {  	_ = 	snop  }
0x169: {  	[tilespmem:s12], [sflag:$0x3] =	stream.linear.gather [hbm4b:s29+s3], $0x2000, $0x38;
	[tilespmem:$0x1E400] =	vst v63  }
0x16a: {  	_ =	swait.ge [sflag:s14], $0x2000  }
0x16b: {  	[sflag:s14] =	ssyncset.done $0x0  }
0x16c: {  	[sflag:s14] =	ssyncadd.s32 $0xFFFFE000  }
0x16d: {  	_ =	swait.ge [sflag:s14], $0x2000  }
0x16e: {  	[sflag:s14] =	ssyncset.done $0x0  }
0x16f: {  	s22 =	simm.s32 $0x180;
	[sflag:s14] =	ssyncadd.s32 $0xFFFFE000  }
0x170: {  	[tilespmem:s16], [sflag:$0x2] =	stream.indirect.gather [hbm4b:s17+s4], $0x80, s22, s4, $0xb8;
	[tilespmem:$0x1E400] =	vst v63  }
0x171: {  	s23 =	sadd.s32 $0x400, s29  }
0x172: {  	[tilespmem:s26], [sflag:$0x4] =	stream.linear.gather [hbm4b:s23+s3], $0x2000, $0x38;
	[tilespmem:$0x1E400] =	vst v63  }
0x173: {  	_ =	swait.ge [sflag:s30], $0x2000  }
0x174: {  	[sflag:s30] =	ssyncset.done $0x0  }
0x175: {  	[sflag:s30] =	ssyncadd.s32 $0xFFFFE000  }
0x176: {  	_ =	swait.ge [sflag:s7], $0x2000  }
0x177: {  	[sflag:s7] =	ssyncset.done $0x0  }
0x178: {  	s28 =	simm.s32 $0x1500;
	[sflag:s7] =	ssyncadd.s32 $0xFFFFE000  }
0x179: {  	[spmem:s2] =	stream.indirect.scatter.add.f32 [tilespmem:s11], [sflag:$0x5], $0x80, s28, s4, $0xb8;
	[tilespmem:$0x1E400] =	vst v63  }
0x17a: {  	_ = 	snop  }
0x17b: {  	[spmem:s2] =	stream.indirect.scatter.add.f32 [tilespmem:s12], [sflag:$0x5], $0x80, s28, s4, $0xb8;
	[tilespmem:$0x1E400] =	vst v63  }
0x17c: {  	_ =	swait.ge [sflag:s8], $0x2000  }
0x17d: {  	p2 =	sne.s32 s24, $0x400;
	[sflag:s8] =	ssyncset.done $0x0  }
.Ltmp8:
0x17e: {  	[sflag:s8] =	ssyncadd.s32 $0xFFFFE000;
	(pc) =	sbr.rel @!p2 .LBB2_11-.Ltmp8, $4  }
0x17f: {  	_ =	swait.ge [sflag:s9], $0x2000  }
0x180: {  	s15 =	simm.s32 $0x1580;
	[sflag:s9] =	ssyncset.done $0x0  }
0x181: {  	s22 =	simm.s32 $0x400;
	s23 =	sadd.s32 $0x800, s29;
	[sflag:s9] =	ssyncadd.s32 $0xFFFFE000  }
0x182: {  	[spmem:s2] =	stream.indirect.scatter.add.f32 [tilespmem:s16], [sflag:$0x6], $0x80, s15, s4, $0xb8;
	[tilespmem:$0x1E400] =	vst v63  }
.LBB2_10:
0x183: {  	[spmem:s2] =	stream.indirect.scatter.add.f32 [tilespmem:s26], [sflag:$0x6], $0x80, s15, s4, $0xb8;
	[tilespmem:$0x1E400] =	vst v63  }
0x184: {  	s5 =	smov.u32 s22;
	s22 =	sadd.s32 $0x400, s22;
	_ =	swait.ge [sflag:s13], $0x2000  }
0x185: {  	p2 =	sne.s32 s24, s22;
	[sflag:s13] =	ssyncset.done $0x0  }
0x186: {  	[sflag:s13] =	ssyncadd.s32 $0xFFFFE000  }
0x187: {  	_ =	swait.ge [sflag:s13], $0x2000  }
0x188: {  	s5 =	sshra.s32 s5, $0x2;
	[sflag:s13] =	ssyncset.done $0x0  }
0x189: {  	s15 =	sadd.s32 $0x100, s5;
	[sflag:s13] =	ssyncadd.s32 $0xFFFFE000  }
0x18a: {  	[tilespmem:s11], [sflag:$0x1] =	stream.indirect.gather [hbm4b:s17+s4], $0x80, s15, s4, $0xb8;
	[tilespmem:$0x1E400] =	vst v63  }
0x18b: {  	_ = 	snop  }
0x18c: {  	[tilespmem:s12], [sflag:$0x3] =	stream.linear.gather [hbm4b:s23+s3], $0x2000, $0x38;
	[tilespmem:$0x1E400] =	vst v63  }
0x18d: {  	_ =	swait.ge [sflag:s14], $0x2000  }
0x18e: {  	[sflag:s14] =	ssyncset.done $0x0  }
0x18f: {  	[sflag:s14] =	ssyncadd.s32 $0xFFFFE000  }
0x190: {  	_ =	swait.ge [sflag:s14], $0x2000  }
0x191: {  	[sflag:s14] =	ssyncset.done $0x0  }
0x192: {  	s15 =	sadd.s32 $0x180, s5;
	[sflag:s14] =	ssyncadd.s32 $0xFFFFE000  }
0x193: {  	[tilespmem:s16], [sflag:$0x2] =	stream.indirect.gather [hbm4b:s17+s4], $0x80, s15, s4, $0xb8;
	[tilespmem:$0x1E400] =	vst v63  }
0x194: {  	s15 =	sadd.s32 $0x400, s23  }
0x195: {  	[tilespmem:s26], [sflag:$0x4] =	stream.linear.gather [hbm4b:s15+s3], $0x2000, $0x38;
	[tilespmem:$0x1E400] =	vst v63  }
0x196: {  	_ =	swait.ge [sflag:s30], $0x2000  }
0x197: {  	[sflag:s30] =	ssyncset.done $0x0  }
0x198: {  	[sflag:s30] =	ssyncadd.s32 $0xFFFFE000  }
0x199: {  	_ =	swait.ge [sflag:s7], $0x2000  }
0x19a: {  	[sflag:s7] =	ssyncset.done $0x0  }
0x19b: {  	s15 =	sadd.s32 $0x1500, s5;
	[sflag:s7] =	ssyncadd.s32 $0xFFFFE000  }
0x19c: {  	[spmem:s2] =	stream.indirect.scatter.add.f32 [tilespmem:s11], [sflag:$0x5], $0x80, s15, s4, $0xb8;
	[tilespmem:$0x1E400] =	vst v63  }
0x19d: {  	_ = 	snop  }
0x19e: {  	[spmem:s2] =	stream.indirect.scatter.add.f32 [tilespmem:s12], [sflag:$0x5], $0x80, s15, s4, $0xb8;
	[tilespmem:$0x1E400] =	vst v63  }
0x19f: {  	_ =	swait.ge [sflag:s8], $0x2000  }
0x1a0: {  	[sflag:s8] =	ssyncset.done $0x0  }
0x1a1: {  	[sflag:s8] =	ssyncadd.s32 $0xFFFFE000  }
.Ltmp9:
0x1a2: {  	_ =	swait.ge [sflag:s9], $0x2000;
	(pc) =	sbr.rel @p2 .LBB2_10-.Ltmp9, $4  }
0x1a3: {  	[sflag:s9] =	ssyncset.done $0x0  }
0x1a4: {  	s15 =	sadd.s32 $0x1580, s5;
	[sflag:s9] =	ssyncadd.s32 $0xFFFFE000  }
0x1a5: {  	[spmem:s2] =	stream.indirect.scatter.add.f32 [tilespmem:s16], [sflag:$0x6], $0x80, s15, s4, $0xb8;
	[tilespmem:$0x1E400] =	vst v63  }
0x1a6: {  	s23 =	sadd.s32 $0x800, s23  }
.LBB2_11:
0x1a7: {  	[spmem:s2] =	stream.indirect.scatter.add.f32 [tilespmem:s26], [sflag:$0x6], $0x80, s15, s4, $0xb8;
	[tilespmem:$0x1E400] =	vst v63  }
0x1a8: {  	_ =	swait.ge [sflag:s13], $0x2000  }
0x1a9: {  	[sflag:s13] =	ssyncset.done $0x0  }
0x1aa: {  	[sflag:s13] =	ssyncadd.s32 $0xFFFFE000  }
0x1ab: {  	_ =	swait.ge [sflag:s13], $0x2000  }
0x1ac: {  	[sflag:s13] =	ssyncset.done $0x0  }
0x1ad: {  	[sflag:s13] =	ssyncadd.s32 $0xFFFFE000  }
0x1ae: {  	_ =	swait.ge [sflag:s14], $0x2000  }
.Ltmp10:
0x1af: {  	[sflag:s14] =	ssyncset.done $0x0;
	(pc) =	sbr.rel @p0 .LBB2_17-.Ltmp10, $4  }
0x1b0: {  	[sflag:s14] =	ssyncadd.s32 $0xFFFFE000  }
0x1b1: {  	_ =	swait.ge [sflag:s14], $0x2000  }
0x1b2: {  	[sflag:s14] =	ssyncset.done $0x0  }
0x1b3: {  	[sflag:s14] =	ssyncadd.s32 $0xFFFFE000  }
0x1b4: {  	s28 =	simm.s32 $0x0;
	s5 =	rddreg [dreg:$0x5]  }
0x1b5: {  	[tilespmem:s28], [sflag:$0x7] =	stream.linear.gather [hbm4b:s5+s28], $0x1400, $0x38;
	[tilespmem:$0x1E400] =	vst v63  }
0x1b6: {  	_ =	swait.ge [sflag:s31], $0x1400  }
0x1b7: {  	[sflag:s31] =	ssyncset.done $0x0  }
0x1b8: {  	s23 =	rddreg [dreg:$0x6];
	[sflag:s31] =	ssyncadd.s32 $0xFFFFEC00  }
0x1b9: {  	[tilespmem:s0], [sflag:$0x7] =	stream.linear.gather [hbm4b:s23+s28], $0x1400, $0x38;
	[tilespmem:$0x1E400] =	vst v63  }
0x1ba: {  	_ =	swait.ge [sflag:s31], $0x1400  }
0x1bb: {  	[sflag:s31] =	ssyncset.done $0x0  }
0x1bc: {  	[sflag:s31] =	ssyncadd.s32 $0xFFFFEC00  }
0x1bd: {  	[tilespmem:s11], [sflag:$0x1] =	stream.indirect.gather [hbm4b:s17+s4], $0x80, s28, s4, $0xb8;
	[tilespmem:$0x1E400] =	vst v63  }
0x1be: {  	s15 =	rddreg [dreg:$0xe]  }
0x1bf: {  	[tilespmem:s12], [sflag:$0x3] =	stream.linear.gather [hbm4b:s15+s28], $0x2000, $0x38;
	[tilespmem:$0x1E400] =	vst v63  }
0x1c0: {  	s22 =	simm.s32 $0x80  }
0x1c1: {  	[tilespmem:s16], [sflag:$0x2] =	stream.indirect.gather [hbm4b:s17+s4], $0x80, s22, s4, $0xb8;
	[tilespmem:$0x1E400] =	vst v63  }
0x1c2: {  	s23 =	rddreg [dreg:$0xd]  }
0x1c3: {  	[tilespmem:s26], [sflag:$0x4] =	stream.linear.gather [hbm4b:s23+s28], $0x2000, $0x38;
	[tilespmem:$0x1E400] =	vst v63  }
0x1c4: {  	_ =	swait.ge [sflag:s30], $0x2000  }
0x1c5: {  	[sflag:s30] =	ssyncset.done $0x0  }
0x1c6: {  	[sflag:s30] =	ssyncadd.s32 $0xFFFFE000  }
0x1c7: {  	_ =	swait.ge [sflag:s7], $0x2000  }
0x1c8: {  	[sflag:s7] =	ssyncset.done $0x0  }
0x1c9: {  	[sflag:s7] =	ssyncadd.s32 $0xFFFFE000  }
0x1ca: {  	[spmem:s2] =	stream.indirect.scatter.add.f32 [tilespmem:s11], [sflag:$0x5], $0x80, s0, s4, $0xb8;
	[tilespmem:$0x1E400] =	vst v63  }
0x1cb: {  	_ = 	snop  }
0x1cc: {  	[spmem:s2] =	stream.indirect.scatter.add.f32 [tilespmem:s12], [sflag:$0x5], $0x80, s0, s4, $0xb8;
	[tilespmem:$0x1E400] =	vst v63  }
0x1cd: {  	_ =	swait.ge [sflag:s8], $0x2000  }
0x1ce: {  	[sflag:s8] =	ssyncset.done $0x0  }
0x1cf: {  	[sflag:s8] =	ssyncadd.s32 $0xFFFFE000  }
0x1d0: {  	_ =	swait.ge [sflag:s9], $0x2000  }
.Ltmp11:
0x1d1: {  	[sflag:s9] =	ssyncset.done $0x0;
	(pc) =	sbr.rel @p1 .LBB2_16-.Ltmp11, $4  }
0x1d2: {  	[sflag:s9] =	ssyncadd.s32 $0xFFFFE000  }
0x1d3: {  	[spmem:s2] =	stream.indirect.scatter.add.f32 [tilespmem:s16], [sflag:$0x6], $0x80, s10, s4, $0xb8;
	[tilespmem:$0x1E400] =	vst v63  }
0x1d4: {  	_ = 	snop  }
0x1d5: {  	[spmem:s2] =	stream.indirect.scatter.add.f32 [tilespmem:s26], [sflag:$0x6], $0x80, s10, s4, $0xb8;
	[tilespmem:$0x1E400] =	vst v63  }
0x1d6: {  	_ =	swait.ge [sflag:s13], $0x2000  }
0x1d7: {  	[sflag:s13] =	ssyncset.done $0x0  }
0x1d8: {  	[sflag:s13] =	ssyncadd.s32 $0xFFFFE000  }
0x1d9: {  	_ =	swait.ge [sflag:s13], $0x2000  }
0x1da: {  	s5 =	sshra.s32 s28, $0x2;
	[sflag:s13] =	ssyncset.done $0x0  }
0x1db: {  	s15 =	sadd.s32 $0x100, s5;
	[sflag:s13] =	ssyncadd.s32 $0xFFFFE000  }
0x1dc: {  	[tilespmem:s11], [sflag:$0x1] =	stream.indirect.gather [hbm4b:s17+s4], $0x80, s15, s4, $0xb8;
	[tilespmem:$0x1E400] =	vst v63  }
0x1dd: {  	s23 =	rddreg [dreg:$0x15]  }
0x1de: {  	[tilespmem:s12], [sflag:$0x3] =	stream.linear.gather [hbm4b:s23+s3], $0x2000, $0x38;
	[tilespmem:$0x1E400] =	vst v63  }
0x1df: {  	_ =	swait.ge [sflag:s14], $0x2000  }
0x1e0: {  	[sflag:s14] =	ssyncset.done $0x0  }
0x1e1: {  	[sflag:s14] =	ssyncadd.s32 $0xFFFFE000  }
0x1e2: {  	_ =	swait.ge [sflag:s14], $0x2000  }
0x1e3: {  	[sflag:s14] =	ssyncset.done $0x0  }
0x1e4: {  	s22 =	sadd.s32 $0x180, s5;
	[sflag:s14] =	ssyncadd.s32 $0xFFFFE000  }
0x1e5: {  	[tilespmem:s16], [sflag:$0x2] =	stream.indirect.gather [hbm4b:s17+s4], $0x80, s22, s4, $0xb8;
	[tilespmem:$0x1E400] =	vst v63  }
0x1e6: {  	s22 =	sadd.s32 $0x400, s23  }
0x1e7: {  	[tilespmem:s26], [sflag:$0x4] =	stream.linear.gather [hbm4b:s22+s3], $0x2000, $0x38;
	[tilespmem:$0x1E400] =	vst v63  }
0x1e8: {  	_ =	swait.ge [sflag:s30], $0x2000  }
0x1e9: {  	[sflag:s30] =	ssyncset.done $0x0  }
0x1ea: {  	[sflag:s30] =	ssyncadd.s32 $0xFFFFE000  }
0x1eb: {  	_ =	swait.ge [sflag:s7], $0x2000  }
0x1ec: {  	[sflag:s7] =	ssyncset.done $0x0  }
0x1ed: {  	s22 =	sadd.s32 $0x1500, s5;
	[sflag:s7] =	ssyncadd.s32 $0xFFFFE000  }
0x1ee: {  	[spmem:s2] =	stream.indirect.scatter.add.f32 [tilespmem:s11], [sflag:$0x5], $0x80, s22, s4, $0xb8;
	[tilespmem:$0x1E400] =	vst v63  }
0x1ef: {  	_ = 	snop  }
0x1f0: {  	[spmem:s2] =	stream.indirect.scatter.add.f32 [tilespmem:s12], [sflag:$0x5], $0x80, s22, s4, $0xb8;
	[tilespmem:$0x1E400] =	vst v63  }
0x1f1: {  	_ =	swait.ge [sflag:s8], $0x2000  }
0x1f2: {  	[sflag:s8] =	ssyncset.done $0x0  }
0x1f3: {  	[sflag:s8] =	ssyncadd.s32 $0xFFFFE000  }
0x1f4: {  	_ =	swait.ge [sflag:s9], $0x2000  }
0x1f5: {  	s22 =	rddreg [dreg:$0x14]  }
0x1f6: {  	p2 =	sne.s32 s22, $0x1  }
.Ltmp12:
0x1f7: {  	_ = 	snop;
	(pc) =	sbr.rel @!p2 .LBB2_15-.Ltmp12, $4  }
0x1f8: {  	_ = 	snop  }
0x1f9: {  	s28 =	sadd.s32 $0x400, s28;
	s15 =	sadd.s32 $0x1580, s5;
	[sflag:s9] =	ssyncset.done $0x0  }
0x1fa: {  	s23 =	sadd.s32 $0x800, s23;
	[sflag:s9] =	ssyncadd.s32 $0xFFFFE000;
	s22 =	sadd.s32 $0xFFFFFFFF, s22  }
0x1fb: {  	[spmem:s2] =	stream.indirect.scatter.add.f32 [tilespmem:s16], [sflag:$0x6], $0x80, s15, s4, $0xb8;
	[tilespmem:$0x1E400] =	vst v63  }
.LBB2_14:
0x1fc: {  	[spmem:s2] =	stream.indirect.scatter.add.f32 [tilespmem:s26], [sflag:$0x6], $0x80, s15, s4, $0xb8;
	[tilespmem:$0x1E400] =	vst v63  }
0x1fd: {  	p2 =	sne.s32 s22, $0x1;
	s22 =	sadd.s32 $0xFFFFFFFF, s22;
	_ =	swait.ge [sflag:s13], $0x2000  }
0x1fe: {  	[sflag:s13] =	ssyncset.done $0x0  }
0x1ff: {  	[sflag:s13] =	ssyncadd.s32 $0xFFFFE000  }
0x200: {  	_ =	swait.ge [sflag:s13], $0x2000  }
0x201: {  	s5 =	sshra.s32 s28, $0x2;
	[sflag:s13] =	ssyncset.done $0x0  }
0x202: {  	s15 =	sadd.s32 $0x100, s5;
	[sflag:s13] =	ssyncadd.s32 $0xFFFFE000  }
0x203: {  	[tilespmem:s11], [sflag:$0x1] =	stream.indirect.gather [hbm4b:s17+s4], $0x80, s15, s4, $0xb8;
	[tilespmem:$0x1E400] =	vst v63  }
0x204: {  	_ = 	snop  }
0x205: {  	[tilespmem:s12], [sflag:$0x3] =	stream.linear.gather [hbm4b:s23+s3], $0x2000, $0x38;
	[tilespmem:$0x1E400] =	vst v63  }
0x206: {  	_ =	swait.ge [sflag:s14], $0x2000  }
0x207: {  	[sflag:s14] =	ssyncset.done $0x0  }
0x208: {  	[sflag:s14] =	ssyncadd.s32 $0xFFFFE000  }
0x209: {  	_ =	swait.ge [sflag:s14], $0x2000  }
0x20a: {  	[sflag:s14] =	ssyncset.done $0x0  }
0x20b: {  	s15 =	sadd.s32 $0x180, s5;
	[sflag:s14] =	ssyncadd.s32 $0xFFFFE000  }
0x20c: {  	[tilespmem:s16], [sflag:$0x2] =	stream.indirect.gather [hbm4b:s17+s4], $0x80, s15, s4, $0xb8;
	[tilespmem:$0x1E400] =	vst v63  }
0x20d: {  	s15 =	sadd.s32 $0x400, s23  }
0x20e: {  	[tilespmem:s26], [sflag:$0x4] =	stream.linear.gather [hbm4b:s15+s3], $0x2000, $0x38;
	[tilespmem:$0x1E400] =	vst v63  }
0x20f: {  	_ =	swait.ge [sflag:s30], $0x2000  }
0x210: {  	[sflag:s30] =	ssyncset.done $0x0  }
0x211: {  	[sflag:s30] =	ssyncadd.s32 $0xFFFFE000  }
0x212: {  	_ =	swait.ge [sflag:s7], $0x2000  }
0x213: {  	[sflag:s7] =	ssyncset.done $0x0  }
0x214: {  	s15 =	sadd.s32 $0x1500, s5;
	[sflag:s7] =	ssyncadd.s32 $0xFFFFE000  }
0x215: {  	[spmem:s2] =	stream.indirect.scatter.add.f32 [tilespmem:s11], [sflag:$0x5], $0x80, s15, s4, $0xb8;
	[tilespmem:$0x1E400] =	vst v63  }
0x216: {  	_ = 	snop  }
0x217: {  	[spmem:s2] =	stream.indirect.scatter.add.f32 [tilespmem:s12], [sflag:$0x5], $0x80, s15, s4, $0xb8;
	[tilespmem:$0x1E400] =	vst v63  }
0x218: {  	_ =	swait.ge [sflag:s8], $0x2000  }
0x219: {  	[sflag:s8] =	ssyncset.done $0x0  }
0x21a: {  	[sflag:s8] =	ssyncadd.s32 $0xFFFFE000  }
.Ltmp13:
0x21b: {  	_ =	swait.ge [sflag:s9], $0x2000;
	(pc) =	sbr.rel @p2 .LBB2_14-.Ltmp13, $4  }
0x21c: {  	[sflag:s9] =	ssyncset.done $0x0  }
0x21d: {  	s15 =	sadd.s32 $0x1580, s5;
	[sflag:s9] =	ssyncadd.s32 $0xFFFFE000  }
0x21e: {  	[spmem:s2] =	stream.indirect.scatter.add.f32 [tilespmem:s16], [sflag:$0x6], $0x80, s15, s4, $0xb8;
	[tilespmem:$0x1E400] =	vst v63  }
0x21f: {  	s28 =	sadd.s32 $0x400, s28;
	s23 =	sadd.s32 $0x800, s23  }
.Ltmp14:
0x220: {  	_ = 	snop;
	(pc) =	sbr.rel .LBB2_15-.Ltmp14, $1  }
0x221: {  	_ =	sdelay $0x3  }
.LBB2_18:
0x222: {  	_ =	sfence.sel $0x180000  }
0x223: {  	[bflag:$0x0] =	sbarrier.arrive $0xFFFF  }
0x224: {  	_ =	strace $0x90000047  }
0x225: {  	s0 =	stileid.u32;
	[bflag:$0x2] =	sbarrier.arrive $0xFFFF  }
0x226: {  	p0 =	sne.s32 s0, $0x0;
	s0 =	rddreg [dreg:$0x3]  }
0x227: {  	s0 =	sadd.s32 @!p0 $0x100000, s0  }
0x228: {  	[sflag:s0] =	ssyncadd.tile.s32 @!p0 $0x1;
	_ =	shalt  }
.Lfunc_end2:
_tile_overlayer_lowered:
.L_overlay_start_2:
0x229: {  	(tag) =	ssettag $0x2  }
0x22a: {  	s0 =	rddreg [dreg:$0x0];
	s2 =	stileid.u32  }
0x22b: {  	s1 =	rddreg [dreg:$0x1];
	p0 =	sne.s32 s2, $0x0  }
0x22c: {  	s3 =	rddreg [dreg:$0x2];
	[bflag:$0x3] =	sbarrier.arrive $0xFFFF;
	s2 =	simm.s32 @!p0 $0x1C07  }
0x22d: {  	[timem:s3], [sflag:s2] =	dma.local @!p0 [hbm:s0], s1  }
0x22e: {  	s0 =	simm.s32 @!p0 $0x7  }
0x22f: {  	_ =	swait.ge @!p0 [sflag:s0], s1  }
0x230: {  	s1 =	ssub.s32 @!p0 $0x0, s1;
	[sflag:s0] =	ssyncset.done @!p0 $0x0  }
0x231: {  	[sflag:s0] =	ssyncadd.s32 @!p0 s1  }
0x232: {  	[bflag:$0x3] =	sbarrier.arrive $0xFFFF  }
0x233: {  	_ =	shalt  }

</sc_bundles>
